<compile_context>
chip_gen: v7x
topology: tpu7x:2x2x1
jax: 0.10.2.dev20260603
libtpu: 0.0.44.dev20260713+nightly
codegen_flags: <defaults>
</compile_context>

<pallas_src>
import jax
import jax.numpy as jnp
from jax import lax
from jax.experimental import pallas as pl
from jax.experimental.pallas import tpu as pltpu
from jax.experimental.pallas import tpu_sc as plsc

N_NODES = 10000
N_EDGES = 320000
D_FEAT = 128
HIDDEN = 128
N_CLASSES = 64

NC, NS, L = 2, 16, 16
NW = NC * NS
N_PAD = 10240
CHUNK = 128
N_CHUNKS = 80
E_PAD = NW * N_CHUNKS * CHUNK
DUMP = N_NODES
HALF = N_CHUNKS // 2
RPS = N_PAD // NS


def _deg_body(dst_hbm, degp_out, idx_v, deg_v):
    c = lax.axis_index("c")
    s = lax.axis_index("s")
    wid = s * NC + c

    pltpu.sync_copy(dst_hbm.at[wid], idx_v)

    zero16 = jnp.zeros((L,), jnp.float32)

    def zero_step(i, carry):
        deg_v[pl.ds(i * L, L)] = zero16
        return carry

    lax.fori_loop(0, N_PAD // L, zero_step, 0)

    ones16 = jnp.ones((L,), jnp.float32)

    def acc_step(j, carry):
        for k in range(CHUNK // L):
            idx = idx_v[j, pl.ds(k * L, L)]
            plsc.addupdate_scatter(deg_v, [idx], ones16)
        return carry

    lax.fori_loop(0, N_CHUNKS, acc_step, 0)

    pltpu.sync_copy(deg_v, degp_out.at[wid])


def _make_deg_kernel():
    mesh = plsc.VectorSubcoreMesh(core_axis_name="c", subcore_axis_name="s")
    return pl.kernel(
        _deg_body,
        out_type=jax.ShapeDtypeStruct((NW, N_PAD), jnp.float32),
        mesh=mesh,
        compiler_params=pltpu.CompilerParams(needs_layout_passes=False),
        scratch_types=[
            pltpu.VMEM((N_CHUNKS, CHUNK), jnp.int32),
            pltpu.VMEM((N_PAD,), jnp.float32),
        ],
    )


def _make_scatter_kernel(width):

    nbuf = 2 if width % 128 == 0 else 4

    def body(g_hbm, src_hbm, dst_hbm, out_hbm, sidx_v, didx_v, *rest):
        rows = rest[:nbuf]
        acc_sh = rest[nbuf]
        sems = rest[nbuf + 1:]
        rows0_v = rows[0]
        c = lax.axis_index("c")
        s = lax.axis_index("s")
        wid = s * NC + c

        zero16 = jnp.zeros((L,), jnp.float32)

        def zero_step(i, carry):
            for k in range(width // L):
                rows0_v[i, pl.ds(k * L, L)] = zero16
            return carry

        lax.fori_loop(0, CHUNK, zero_step, 0)
        for t in range(RPS // CHUNK):
            pltpu.sync_copy(
                rows0_v, acc_sh.at[pl.ds(s * RPS + t * CHUNK, CHUNK)]
            )
        plsc.subcore_barrier()

        n_grp = HALF // nbuf
        for h in range(N_CHUNKS // HALF):
            pltpu.sync_copy(src_hbm.at[wid, pl.ds(h * HALF, HALF)], sidx_v)
            pltpu.sync_copy(dst_hbm.at[wid, pl.ds(h * HALF, HALF)], didx_v)
            for b in range(nbuf):
                pltpu.async_copy(g_hbm.at[sidx_v.at[b]], rows[b], sems[b])

            def grp_step(t, carry):
                j0 = nbuf * t
                for b in range(nbuf):
                    j = j0 + b
                    pltpu.make_async_copy(
                        g_hbm.at[sidx_v.at[j]], rows[b], sems[b]
                    ).wait()
                    pltpu.sync_copy(rows[b], acc_sh.at[didx_v.at[j]], add=True)

                    @pl.when(t + 1 < n_grp)
                    def _():
                        pltpu.async_copy(
                            g_hbm.at[sidx_v.at[j + nbuf]], rows[b], sems[b]
                        )

                return carry

            lax.fori_loop(0, n_grp, grp_step, 0)
        plsc.subcore_barrier()

        start = s * RPS
        pltpu.sync_copy(
            acc_sh.at[pl.ds(start, RPS)], out_hbm.at[c, pl.ds(start, RPS)]
        )

    mesh = plsc.VectorSubcoreMesh(core_axis_name="c", subcore_axis_name="s")
    return pl.kernel(
        body,
        out_type=jax.ShapeDtypeStruct((NC, N_PAD, width), jnp.float32),
        mesh=mesh,
        compiler_params=pltpu.CompilerParams(
            needs_layout_passes=False,
            use_tc_tiling_on_sc=None if width % 128 == 0 else False,
        ),
        scratch_types=(
            [
                pltpu.VMEM((HALF, CHUNK), jnp.int32),
                pltpu.VMEM((HALF, CHUNK), jnp.int32),
            ]
            + [pltpu.VMEM((CHUNK, width), jnp.float32)] * nbuf
            + [pltpu.VMEM_SHARED((N_PAD, width), jnp.float32)]
            + [pltpu.SemaphoreType.DMA] * nbuf
        ),
    )


def _dis_tc_body(degp_ref, dis_ref):
    deg = jnp.sum(degp_ref[...], axis=0, keepdims=True) + 1.0
    dis_ref[...] = lax.rsqrt(deg)


def _matmul_tc_body(x_ref, w_ref, dis_ref, hcat_ref, g1_ref, xskip_ref):
    h = jnp.dot(x_ref[...], w_ref[...], preferred_element_type=jnp.float32)
    hcat_ref[...] = h[:, :D_FEAT + N_CLASSES]
    xskip_ref[...] = h[:, D_FEAT + N_CLASSES:]
    g1_ref[...] = h[:, :D_FEAT] * dis_ref[...]


def _mid_tc_body(p_ref, hcat_ref, dis_ref, w2b_ref, b1_ref, g2_ref, h2_ref):
    dis = dis_ref[...]
    p = p_ref[0] + p_ref[1]
    h1 = hcat_ref[:, :D_FEAT]
    out1 = dis * p + (dis * dis) * h1 + b1_ref[...]
    x1 = jnp.maximum(out1, 0.0)
    h2 = hcat_ref[:, D_FEAT:D_FEAT + N_CLASSES] + jnp.dot(
        x1, w2b_ref[...], preferred_element_type=jnp.float32
    )
    h2_ref[...] = h2
    g2_ref[...] = dis * h2


def _final_tc_body(q_ref, h2_ref, xskip_ref, dis_ref, b2_ref, out_ref):
    dis = dis_ref[...]
    q = q_ref[0] + q_ref[1]
    out_ref[...] = (
        dis * q + (dis * dis) * h2_ref[...] + b2_ref[...] + xskip_ref[...]
    )


_ROW_BLK = 2000
_N_BLKS = N_NODES // _ROW_BLK


def kernel(x, edge_index, W1, b1, W2, b2, W_skip):
    f32 = jnp.float32
    src = edge_index[0].astype(jnp.int32)
    dst = edge_index[1].astype(jnp.int32)
    pad = E_PAD - N_EDGES
    pad_ids = lax.iota(jnp.int32, pad)
    src_t = jnp.concatenate([src, pad_ids % N_NODES]).reshape(
        NW, N_CHUNKS, CHUNK
    )
    dst_t = jnp.concatenate([dst, DUMP + pad_ids % (N_PAD - N_NODES)]).reshape(
        NW, N_CHUNKS, CHUNK
    )
    w_cat = jnp.concatenate([W1, W2[:D_FEAT], W_skip], axis=1)
    w2b = W2[D_FEAT:]
    b1r = b1.reshape(1, HIDDEN)
    b2r = b2.reshape(1, N_CLASSES)

    degp = _make_deg_kernel()(dst_t)
    dis_row = pl.pallas_call(
        _dis_tc_body,
        out_shape=jax.ShapeDtypeStruct((1, N_PAD), f32),
    )(degp)
    dis_col = dis_row.reshape(N_PAD, 1)[:N_NODES]

    wtot = HIDDEN + 2 * N_CLASSES
    hcat, g1, xskip = pl.pallas_call(
        _matmul_tc_body,
        grid=(_N_BLKS,),
        in_specs=[
            pl.BlockSpec((_ROW_BLK, D_FEAT), lambda i: (i, 0)),
            pl.BlockSpec((D_FEAT, wtot), lambda i: (0, 0)),
            pl.BlockSpec((_ROW_BLK, 1), lambda i: (i, 0)),
        ],
        out_specs=[
            pl.BlockSpec((_ROW_BLK, HIDDEN + N_CLASSES), lambda i: (i, 0)),
            pl.BlockSpec((_ROW_BLK, D_FEAT), lambda i: (i, 0)),
            pl.BlockSpec((_ROW_BLK, N_CLASSES), lambda i: (i, 0)),
        ],
        out_shape=[
            jax.ShapeDtypeStruct((N_NODES, HIDDEN + N_CLASSES), f32),
            jax.ShapeDtypeStruct((N_NODES, D_FEAT), f32),
            jax.ShapeDtypeStruct((N_NODES, N_CLASSES), f32),
        ],
    )(x, w_cat, dis_col)

    p1 = _make_scatter_kernel(HIDDEN)(g1, src_t, dst_t)

    g2, h2 = pl.pallas_call(
        _mid_tc_body,
        grid=(_N_BLKS,),
        in_specs=[
            pl.BlockSpec((NC, _ROW_BLK, HIDDEN), lambda i: (0, i, 0)),
            pl.BlockSpec((_ROW_BLK, HIDDEN + N_CLASSES), lambda i: (i, 0)),
            pl.BlockSpec((_ROW_BLK, 1), lambda i: (i, 0)),
            pl.BlockSpec((D_FEAT, N_CLASSES), lambda i: (0, 0)),
            pl.BlockSpec((1, HIDDEN), lambda i: (0, 0)),
        ],
        out_specs=[
            pl.BlockSpec((_ROW_BLK, N_CLASSES), lambda i: (i, 0)),
            pl.BlockSpec((_ROW_BLK, N_CLASSES), lambda i: (i, 0)),
        ],
        out_shape=[
            jax.ShapeDtypeStruct((N_NODES, N_CLASSES), f32),
            jax.ShapeDtypeStruct((N_NODES, N_CLASSES), f32),
        ],
    )(p1, hcat, dis_col, w2b, b1r)

    q2 = _make_scatter_kernel(N_CLASSES)(g2, src_t, dst_t)

    out = pl.pallas_call(
        _final_tc_body,
        grid=(_N_BLKS,),
        in_specs=[
            pl.BlockSpec((NC, _ROW_BLK, N_CLASSES), lambda i: (0, i, 0)),
            pl.BlockSpec((_ROW_BLK, N_CLASSES), lambda i: (i, 0)),
            pl.BlockSpec((_ROW_BLK, N_CLASSES), lambda i: (i, 0)),
            pl.BlockSpec((_ROW_BLK, 1), lambda i: (i, 0)),
            pl.BlockSpec((1, N_CLASSES), lambda i: (0, 0)),
        ],
        out_specs=pl.BlockSpec((_ROW_BLK, N_CLASSES), lambda i: (i, 0)),
        out_shape=jax.ShapeDtypeStruct((N_NODES, N_CLASSES), f32),
    )(q2, h2, xskip, dis_col, b2r)

    return out

# --- scband reference (transcript-rebuilt; emitter-appended) ---
"""Pipeline reference for scband-skip-gcn-15556371546755 (READ-ONLY COPY).

The authoritative reference and input builder live on the scoring server;
editing this copy changes nothing except your own understanding.
"""

import jax, jax.numpy as jnp
import numpy as np

N_NODES = 10000
N_EDGES = 320000
D_FEAT = 128
HIDDEN = 128
N_CLASSES = 64


def gcn_conv(x, edge_index, W, b):
    # PyG-style GCNConv: add self-loops, symmetric normalization, then propagate.
    N = x.shape[0]
    loop = jnp.arange(N, dtype=edge_index.dtype)
    src = jnp.concatenate([edge_index[0], loop])
    dst = jnp.concatenate([edge_index[1], loop])
    deg = jnp.zeros((N,), dtype=x.dtype).at[dst].add(1.0)
    deg_inv_sqrt = jnp.where(deg > 0, deg ** -0.5, 0.0)
    norm = deg_inv_sqrt[src] * deg_inv_sqrt[dst]
    h = x @ W
    msg = h[src] * norm[:, None]
    out = jnp.zeros((N, W.shape[1]), dtype=x.dtype).at[dst].add(msg)
    return out + b


def setup_inputs(seed: int = 0) -> dict:
    key = jax.random.key(seed)
    k_x, k_e, k_w1, k_w2, k_ws = jax.random.split(key, 5)
    x = jax.random.normal(k_x, (N_NODES, D_FEAT), dtype=jnp.float32)
    edge_index = jax.random.randint(k_e, (2, N_EDGES), 0, N_NODES, dtype=jnp.int64)
    # Glorot-style initialized weights
    W1 = jax.random.normal(k_w1, (D_FEAT, HIDDEN), dtype=jnp.float32) * (2.0 / (D_FEAT + HIDDEN)) ** 0.5
    b1 = jnp.zeros((HIDDEN,), dtype=jnp.float32)
    W2 = jax.random.normal(k_w2, (HIDDEN + D_FEAT, N_CLASSES), dtype=jnp.float32) * (2.0 / (HIDDEN + D_FEAT + N_CLASSES)) ** 0.5
    b2 = jnp.zeros((N_CLASSES,), dtype=jnp.float32)
    W_skip = jax.random.normal(k_ws, (D_FEAT, N_CLASSES), dtype=jnp.float32) * (2.0 / (D_FEAT + N_CLASSES)) ** 0.5
    return {"x": x, "edge_index": edge_index, "W1": W1, "b1": b1, "W2": W2, "b2": b2, "W_skip": W_skip}


def reference(x, edge_index, W1, b1, W2, b2, W_skip):
    # SkipGCN.forward with training=False, return_embeddings=False
    h = gcn_conv(x, edge_index, W1, b1)
    x1 = jax.nn.relu(h)
    x2 = jnp.concatenate([x, x1], axis=-1)
    x2 = gcn_conv(x2, edge_index, W2, b2)
    x2 = x2 + x @ W_skip
    return x2

if __name__ == "__main__":
    import jax
    _d = setup_inputs()
    print(jax.jit(kernel)(*tuple(_d.values())))

</pallas_src>

<mosaic_0001>
#map = affine_map<(d0, d1) -> (0, 0)>
#map1 = affine_map<(d0, d1) -> (0, 0, 0)>
module attributes {stable_mosaic.version = 14 : i64} {
  func.func @body(%arg0: i32, %arg1: i32, %arg2: memref<10000x128xf32, #tpu.memory_space<hbm>>, %arg3: memref<32x80x128xi32, #tpu.memory_space<hbm>>, %arg4: memref<32x80x128xi32, #tpu.memory_space<hbm>>, %arg5: memref<2x10240x128xf32, #tpu.memory_space<hbm>>, %arg6: memref<40x128xi32, #tpu.memory_space<vmem>>, %arg7: memref<40x128xi32, #tpu.memory_space<vmem>>, %arg8: memref<128x128xf32, #tpu.memory_space<vmem>>, %arg9: memref<128x128xf32, #tpu.memory_space<vmem>>, %arg10: memref<10240x128xf32, #tpu.memory_space<vmem_shared>>, %arg11: memref<!tpu.dma_semaphore, #tpu.memory_space<semaphore_mem>>, %arg12: memref<!tpu.dma_semaphore, #tpu.memory_space<semaphore_mem>>) attributes {dimension_semantics = [#tpu.dimension_semantics<core_parallel>, #tpu.dimension_semantics<subcore_parallel>], iteration_bounds = array<i64: 2, 16>, scalar_prefetch = 0 : i64, scratch_operands = 7 : i64, tpu.core_type = #tpu.core_type<sc_vector_subcore>, window_params = [{transform_indices = #map}, {transform_indices = #map1}, {transform_indices = #map1}, {transform_indices = #map1}]} {
    %mul3A = arith.constant 2 : i32
    %mul3A_0 = arith.muli %arg1, %mul3A : i32
    %add3A = arith.addi %mul3A_0, %arg0 : i32
    %broadcast_in_dim3A = arith.constant 0.000000e+00 : f32
    %broadcast_in_dim3A_1 = vector.broadcast %broadcast_in_dim3A : f32 to vector<16xf32>
    %scan3A = arith.constant 0 : i32
    %scan3A_2 = arith.constant 0 : i32
    %scan3A_3 = arith.constant 128 : i32
    %scan3A_4 = arith.addi %scan3A_2, %scan3A_3 : i32
    %scan3A_5 = arith.constant 1 : i32
    scf.for %scan3A_69 = %scan3A_2 to %scan3A_4 step %scan3A_5  : i32 {
      %swap3A = arith.index_cast %scan3A_69 : i32 to index
      %swap3A_70 = arith.constant 0 : index
      %swap3A_71 = tpu.vector_load %arg8[%swap3A, %swap3A_70] {strides = array<i32>} : memref<128x128xf32, #tpu.memory_space<vmem>>, vector<16xf32>,
      tpu.vector_store %arg8[%swap3A, %swap3A_70], %broadcast_in_dim3A_1 {strides = array<i32>} : memref<128x128xf32, #tpu.memory_space<vmem>>, vector<16xf32>,
      %swap3A_72 = arith.index_cast %scan3A_69 : i32 to index
      %swap3A_73 = arith.constant 16 : index
      %swap3A_74 = tpu.vector_load %arg8[%swap3A_72, %swap3A_73] {strides = array<i32>} : memref<128x128xf32, #tpu.memory_space<vmem>>, vector<16xf32>,
      tpu.vector_store %arg8[%swap3A_72, %swap3A_73], %broadcast_in_dim3A_1 {strides = array<i32>} : memref<128x128xf32, #tpu.memory_space<vmem>>, vector<16xf32>,
      %swap3A_75 = arith.index_cast %scan3A_69 : i32 to index
      %swap3A_76 = arith.constant 32 : index
      %swap3A_77 = tpu.vector_load %arg8[%swap3A_75, %swap3A_76] {strides = array<i32>} : memref<128x128xf32, #tpu.memory_space<vmem>>, vector<16xf32>,
      tpu.vector_store %arg8[%swap3A_75, %swap3A_76], %broadcast_in_dim3A_1 {strides = array<i32>} : memref<128x128xf32, #tpu.memory_space<vmem>>, vector<16xf32>,
      %swap3A_78 = arith.index_cast %scan3A_69 : i32 to index
      %swap3A_79 = arith.constant 48 : index
      %swap3A_80 = tpu.vector_load %arg8[%swap3A_78, %swap3A_79] {strides = array<i32>} : memref<128x128xf32, #tpu.memory_space<vmem>>, vector<16xf32>,
      tpu.vector_store %arg8[%swap3A_78, %swap3A_79], %broadcast_in_dim3A_1 {strides = array<i32>} : memref<128x128xf32, #tpu.memory_space<vmem>>, vector<16xf32>,
      %swap3A_81 = arith.index_cast %scan3A_69 : i32 to index
      %swap3A_82 = arith.constant 64 : index
      %swap3A_83 = tpu.vector_load %arg8[%swap3A_81, %swap3A_82] {strides = array<i32>} : memref<128x128xf32, #tpu.memory_space<vmem>>, vector<16xf32>,
      tpu.vector_store %arg8[%swap3A_81, %swap3A_82], %broadcast_in_dim3A_1 {strides = array<i32>} : memref<128x128xf32, #tpu.memory_space<vmem>>, vector<16xf32>,
      %swap3A_84 = arith.index_cast %scan3A_69 : i32 to index
      %swap3A_85 = arith.constant 80 : index
      %swap3A_86 = tpu.vector_load %arg8[%swap3A_84, %swap3A_85] {strides = array<i32>} : memref<128x128xf32, #tpu.memory_space<vmem>>, vector<16xf32>,
      tpu.vector_store %arg8[%swap3A_84, %swap3A_85], %broadcast_in_dim3A_1 {strides = array<i32>} : memref<128x128xf32, #tpu.memory_space<vmem>>, vector<16xf32>,
      %swap3A_87 = arith.index_cast %scan3A_69 : i32 to index
      %swap3A_88 = arith.constant 96 : index
      %swap3A_89 = tpu.vector_load %arg8[%swap3A_87, %swap3A_88] {strides = array<i32>} : memref<128x128xf32, #tpu.memory_space<vmem>>, vector<16xf32>,
      tpu.vector_store %arg8[%swap3A_87, %swap3A_88], %broadcast_in_dim3A_1 {strides = array<i32>} : memref<128x128xf32, #tpu.memory_space<vmem>>, vector<16xf32>,
      %swap3A_90 = arith.index_cast %scan3A_69 : i32 to index
      %swap3A_91 = arith.constant 112 : index
      %swap3A_92 = tpu.vector_load %arg8[%swap3A_90, %swap3A_91] {strides = array<i32>} : memref<128x128xf32, #tpu.memory_space<vmem>>, vector<16xf32>,
      tpu.vector_store %arg8[%swap3A_90, %swap3A_91], %broadcast_in_dim3A_1 {strides = array<i32>} : memref<128x128xf32, #tpu.memory_space<vmem>>, vector<16xf32>,
    }
    %scan3A_6 = arith.constant 128 : i32
    %mul3A_7 = arith.constant 640 : i32
    %mul3A_8 = arith.muli %arg1, %mul3A_7 : i32
    %add3A_9 = arith.constant 0 : i32
    %add3A_10 = arith.addi %mul3A_8, %add3A_9 : i32
    "tpu.region"() ({
      %run_scoped3A = tpu.sem_alloc : memref<!tpu.dma_semaphore, #tpu.memory_space<semaphore_mem>>
      %dma_start3A_69 = arith.constant 0 : i32
      %dma_start3A_70 = tpu.memref_slice %arg10[%add3A_10, %dma_start3A_69] : memref<10240x128xf32, #tpu.memory_space<vmem_shared>> -> memref<128x128xf32, #tpu.memory_space<vmem_shared>>
      %dma_start3A_71 = arith.constant 0 : i32
      %dma_start3A_72 = tpu.memref_slice %arg10[%add3A_10, %dma_start3A_71] : memref<10240x128xf32, #tpu.memory_space<vmem_shared>> -> memref<128x128xf32, #tpu.memory_space<vmem_shared>>
      tpu.enqueue_dma source(%arg8 : memref<128x128xf32, #tpu.memory_space<vmem>>) target(%dma_start3A_72 : memref<128x128xf32, #tpu.memory_space<vmem_shared>>) target_semaphore(%run_scoped3A : memref<!tpu.dma_semaphore, #tpu.memory_space<semaphore_mem>>)
      %dma_wait3A = arith.constant 0 : i32
      %dma_wait3A_73 = tpu.memref_slice %arg10[%add3A_10, %dma_wait3A] : memref<10240x128xf32, #tpu.memory_space<vmem_shared>> -> memref<128x128xf32, #tpu.memory_space<vmem_shared>>
      %dma_wait3A_74 = arith.constant 0 : i32
      %dma_wait3A_75 = tpu.memref_slice %arg10[%add3A_10, %dma_wait3A_74] : memref<10240x128xf32, #tpu.memory_space<vmem_shared>> -> memref<128x128xf32, #tpu.memory_space<vmem_shared>>
      tpu.wait_dma2 semaphore(%run_scoped3A : memref<!tpu.dma_semaphore, #tpu.memory_space<semaphore_mem>>) src(%arg8 : memref<128x128xf32, #tpu.memory_space<vmem>>) dst(%dma_wait3A_75 : memref<128x128xf32, #tpu.memory_space<vmem_shared>>)
      tpu.yield
    }) : () -> ()
    %mul3A_11 = arith.constant 640 : i32
    %mul3A_12 = arith.muli %arg1, %mul3A_11 : i32
    %add3A_13 = arith.constant 128 : i32
    %add3A_14 = arith.addi %mul3A_12, %add3A_13 : i32
    "tpu.region"() ({
      %run_scoped3A = tpu.sem_alloc : memref<!tpu.dma_semaphore, #tpu.memory_space<semaphore_mem>>
      %dma_start3A_69 = arith.constant 0 : i32
      %dma_start3A_70 = tpu.memref_slice %arg10[%add3A_14, %dma_start3A_69] : memref<10240x128xf32, #tpu.memory_space<vmem_shared>> -> memref<128x128xf32, #tpu.memory_space<vmem_shared>>
      %dma_start3A_71 = arith.constant 0 : i32
      %dma_start3A_72 = tpu.memref_slice %arg10[%add3A_14, %dma_start3A_71] : memref<10240x128xf32, #tpu.memory_space<vmem_shared>> -> memref<128x128xf32, #tpu.memory_space<vmem_shared>>
      tpu.enqueue_dma source(%arg8 : memref<128x128xf32, #tpu.memory_space<vmem>>) target(%dma_start3A_72 : memref<128x128xf32, #tpu.memory_space<vmem_shared>>) target_semaphore(%run_scoped3A : memref<!tpu.dma_semaphore, #tpu.memory_space<semaphore_mem>>)
      %dma_wait3A = arith.constant 0 : i32
      %dma_wait3A_73 = tpu.memref_slice %arg10[%add3A_14, %dma_wait3A] : memref<10240x128xf32, #tpu.memory_space<vmem_shared>> -> memref<128x128xf32, #tpu.memory_space<vmem_shared>>
      %dma_wait3A_74 = arith.constant 0 : i32
      %dma_wait3A_75 = tpu.memref_slice %arg10[%add3A_14, %dma_wait3A_74] : memref<10240x128xf32, #tpu.memory_space<vmem_shared>> -> memref<128x128xf32, #tpu.memory_space<vmem_shared>>
      tpu.wait_dma2 semaphore(%run_scoped3A : memref<!tpu.dma_semaphore, #tpu.memory_space<semaphore_mem>>) src(%arg8 : memref<128x128xf32, #tpu.memory_space<vmem>>) dst(%dma_wait3A_75 : memref<128x128xf32, #tpu.memory_space<vmem_shared>>)
      tpu.yield
    }) : () -> ()
    %mul3A_15 = arith.constant 640 : i32
    %mul3A_16 = arith.muli %arg1, %mul3A_15 : i32
    %add3A_17 = arith.constant 256 : i32
    %add3A_18 = arith.addi %mul3A_16, %add3A_17 : i32
    "tpu.region"() ({
      %run_scoped3A = tpu.sem_alloc : memref<!tpu.dma_semaphore, #tpu.memory_space<semaphore_mem>>
      %dma_start3A_69 = arith.constant 0 : i32
      %dma_start3A_70 = tpu.memref_slice %arg10[%add3A_18, %dma_start3A_69] : memref<10240x128xf32, #tpu.memory_space<vmem_shared>> -> memref<128x128xf32, #tpu.memory_space<vmem_shared>>
      %dma_start3A_71 = arith.constant 0 : i32
      %dma_start3A_72 = tpu.memref_slice %arg10[%add3A_18, %dma_start3A_71] : memref<10240x128xf32, #tpu.memory_space<vmem_shared>> -> memref<128x128xf32, #tpu.memory_space<vmem_shared>>
      tpu.enqueue_dma source(%arg8 : memref<128x128xf32, #tpu.memory_space<vmem>>) target(%dma_start3A_72 : memref<128x128xf32, #tpu.memory_space<vmem_shared>>) target_semaphore(%run_scoped3A : memref<!tpu.dma_semaphore, #tpu.memory_space<semaphore_mem>>)
      %dma_wait3A = arith.constant 0 : i32
      %dma_wait3A_73 = tpu.memref_slice %arg10[%add3A_18, %dma_wait3A] : memref<10240x128xf32, #tpu.memory_space<vmem_shared>> -> memref<128x128xf32, #tpu.memory_space<vmem_shared>>
      %dma_wait3A_74 = arith.constant 0 : i32
      %dma_wait3A_75 = tpu.memref_slice %arg10[%add3A_18, %dma_wait3A_74] : memref<10240x128xf32, #tpu.memory_space<vmem_shared>> -> memref<128x128xf32, #tpu.memory_space<vmem_shared>>
      tpu.wait_dma2 semaphore(%run_scoped3A : memref<!tpu.dma_semaphore, #tpu.memory_space<semaphore_mem>>) src(%arg8 : memref<128x128xf32, #tpu.memory_space<vmem>>) dst(%dma_wait3A_75 : memref<128x128xf32, #tpu.memory_space<vmem_shared>>)
      tpu.yield
    }) : () -> ()
    %mul3A_19 = arith.constant 640 : i32
    %mul3A_20 = arith.muli %arg1, %mul3A_19 : i32
    %add3A_21 = arith.constant 384 : i32
    %add3A_22 = arith.addi %mul3A_20, %add3A_21 : i32
    "tpu.region"() ({
      %run_scoped3A = tpu.sem_alloc : memref<!tpu.dma_semaphore, #tpu.memory_space<semaphore_mem>>
      %dma_start3A_69 = arith.constant 0 : i32
      %dma_start3A_70 = tpu.memref_slice %arg10[%add3A_22, %dma_start3A_69] : memref<10240x128xf32, #tpu.memory_space<vmem_shared>> -> memref<128x128xf32, #tpu.memory_space<vmem_shared>>
      %dma_start3A_71 = arith.constant 0 : i32
      %dma_start3A_72 = tpu.memref_slice %arg10[%add3A_22, %dma_start3A_71] : memref<10240x128xf32, #tpu.memory_space<vmem_shared>> -> memref<128x128xf32, #tpu.memory_space<vmem_shared>>
      tpu.enqueue_dma source(%arg8 : memref<128x128xf32, #tpu.memory_space<vmem>>) target(%dma_start3A_72 : memref<128x128xf32, #tpu.memory_space<vmem_shared>>) target_semaphore(%run_scoped3A : memref<!tpu.dma_semaphore, #tpu.memory_space<semaphore_mem>>)
      %dma_wait3A = arith.constant 0 : i32
      %dma_wait3A_73 = tpu.memref_slice %arg10[%add3A_22, %dma_wait3A] : memref<10240x128xf32, #tpu.memory_space<vmem_shared>> -> memref<128x128xf32, #tpu.memory_space<vmem_shared>>
      %dma_wait3A_74 = arith.constant 0 : i32
      %dma_wait3A_75 = tpu.memref_slice %arg10[%add3A_22, %dma_wait3A_74] : memref<10240x128xf32, #tpu.memory_space<vmem_shared>> -> memref<128x128xf32, #tpu.memory_space<vmem_shared>>
      tpu.wait_dma2 semaphore(%run_scoped3A : memref<!tpu.dma_semaphore, #tpu.memory_space<semaphore_mem>>) src(%arg8 : memref<128x128xf32, #tpu.memory_space<vmem>>) dst(%dma_wait3A_75 : memref<128x128xf32, #tpu.memory_space<vmem_shared>>)
      tpu.yield
    }) : () -> ()
    %mul3A_23 = arith.constant 640 : i32
    %mul3A_24 = arith.muli %arg1, %mul3A_23 : i32
    %add3A_25 = arith.constant 512 : i32
    %add3A_26 = arith.addi %mul3A_24, %add3A_25 : i32
    "tpu.region"() ({
      %run_scoped3A = tpu.sem_alloc : memref<!tpu.dma_semaphore, #tpu.memory_space<semaphore_mem>>
      %dma_start3A_69 = arith.constant 0 : i32
      %dma_start3A_70 = tpu.memref_slice %arg10[%add3A_26, %dma_start3A_69] : memref<10240x128xf32, #tpu.memory_space<vmem_shared>> -> memref<128x128xf32, #tpu.memory_space<vmem_shared>>
      %dma_start3A_71 = arith.constant 0 : i32
      %dma_start3A_72 = tpu.memref_slice %arg10[%add3A_26, %dma_start3A_71] : memref<10240x128xf32, #tpu.memory_space<vmem_shared>> -> memref<128x128xf32, #tpu.memory_space<vmem_shared>>
      tpu.enqueue_dma source(%arg8 : memref<128x128xf32, #tpu.memory_space<vmem>>) target(%dma_start3A_72 : memref<128x128xf32, #tpu.memory_space<vmem_shared>>) target_semaphore(%run_scoped3A : memref<!tpu.dma_semaphore, #tpu.memory_space<semaphore_mem>>)
      %dma_wait3A = arith.constant 0 : i32
      %dma_wait3A_73 = tpu.memref_slice %arg10[%add3A_26, %dma_wait3A] : memref<10240x128xf32, #tpu.memory_space<vmem_shared>> -> memref<128x128xf32, #tpu.memory_space<vmem_shared>>
      %dma_wait3A_74 = arith.constant 0 : i32
      %dma_wait3A_75 = tpu.memref_slice %arg10[%add3A_26, %dma_wait3A_74] : memref<10240x128xf32, #tpu.memory_space<vmem_shared>> -> memref<128x128xf32, #tpu.memory_space<vmem_shared>>
      tpu.wait_dma2 semaphore(%run_scoped3A : memref<!tpu.dma_semaphore, #tpu.memory_space<semaphore_mem>>) src(%arg8 : memref<128x128xf32, #tpu.memory_space<vmem>>) dst(%dma_wait3A_75 : memref<128x128xf32, #tpu.memory_space<vmem_shared>>)
      tpu.yield
    }) : () -> ()
    %barrier3A = arith.constant 0 : index
    tpu.barrier barrier_id(%barrier3A)
    "tpu.region"() ({
      %run_scoped3A = tpu.sem_alloc : memref<!tpu.dma_semaphore, #tpu.memory_space<semaphore_mem>>
      %dma_start3A_69 = arith.constant 0 : i32
      %dma_start3A_70 = arith.constant 0 : i32
      %dma_start3A_71 = tpu.memref_slice %arg3[%add3A, %dma_start3A_69, %dma_start3A_70] : memref<32x80x128xi32, #tpu.memory_space<hbm>> -> memref<1x40x128xi32, #tpu.memory_space<hbm>>
      %dma_start3A_72 = tpu.memref_squeeze %dma_start3A_71 : memref<1x40x128xi32, #tpu.memory_space<hbm>> -> memref<40x128xi32, #tpu.memory_space<hbm>>
      %dma_start3A_73 = arith.constant 0 : i32
      %dma_start3A_74 = arith.constant 0 : i32
      %dma_start3A_75 = tpu.memref_slice %arg3[%add3A, %dma_start3A_73, %dma_start3A_74] : memref<32x80x128xi32, #tpu.memory_space<hbm>> -> memref<1x40x128xi32, #tpu.memory_space<hbm>>
      %dma_start3A_76 = tpu.memref_squeeze %dma_start3A_75 : memref<1x40x128xi32, #tpu.memory_space<hbm>> -> memref<40x128xi32, #tpu.memory_space<hbm>>
      tpu.enqueue_dma source(%dma_start3A_76 : memref<40x128xi32, #tpu.memory_space<hbm>>) target(%arg6 : memref<40x128xi32, #tpu.memory_space<vmem>>) target_semaphore(%run_scoped3A : memref<!tpu.dma_semaphore, #tpu.memory_space<semaphore_mem>>)
      %dma_wait3A = arith.constant 0 : i32
      %dma_wait3A_77 = arith.constant 0 : i32
      %dma_wait3A_78 = tpu.memref_slice %arg3[%add3A, %dma_wait3A, %dma_wait3A_77] : memref<32x80x128xi32, #tpu.memory_space<hbm>> -> memref<1x40x128xi32, #tpu.memory_space<hbm>>
      %dma_wait3A_79 = tpu.memref_squeeze %dma_wait3A_78 : memref<1x40x128xi32, #tpu.memory_space<hbm>> -> memref<40x128xi32, #tpu.memory_space<hbm>>
      %dma_wait3A_80 = arith.constant 0 : i32
      %dma_wait3A_81 = arith.constant 0 : i32
      %dma_wait3A_82 = tpu.memref_slice %arg3[%add3A, %dma_wait3A_80, %dma_wait3A_81] : memref<32x80x128xi32, #tpu.memory_space<hbm>> -> memref<1x40x128xi32, #tpu.memory_space<hbm>>
      %dma_wait3A_83 = tpu.memref_squeeze %dma_wait3A_82 : memref<1x40x128xi32, #tpu.memory_space<hbm>> -> memref<40x128xi32, #tpu.memory_space<hbm>>
      tpu.wait_dma2 semaphore(%run_scoped3A : memref<!tpu.dma_semaphore, #tpu.memory_space<semaphore_mem>>) src(%dma_wait3A_83 : memref<40x128xi32, #tpu.memory_space<hbm>>) dst(%arg6 : memref<40x128xi32, #tpu.memory_space<vmem>>)
      tpu.yield
    }) : () -> ()
    "tpu.region"() ({
      %run_scoped3A = tpu.sem_alloc : memref<!tpu.dma_semaphore, #tpu.memory_space<semaphore_mem>>
      %dma_start3A_69 = arith.constant 0 : i32
      %dma_start3A_70 = arith.constant 0 : i32
      %dma_start3A_71 = tpu.memref_slice %arg4[%add3A, %dma_start3A_69, %dma_start3A_70] : memref<32x80x128xi32, #tpu.memory_space<hbm>> -> memref<1x40x128xi32, #tpu.memory_space<hbm>>
      %dma_start3A_72 = tpu.memref_squeeze %dma_start3A_71 : memref<1x40x128xi32, #tpu.memory_space<hbm>> -> memref<40x128xi32, #tpu.memory_space<hbm>>
      %dma_start3A_73 = arith.constant 0 : i32
      %dma_start3A_74 = arith.constant 0 : i32
      %dma_start3A_75 = tpu.memref_slice %arg4[%add3A, %dma_start3A_73, %dma_start3A_74] : memref<32x80x128xi32, #tpu.memory_space<hbm>> -> memref<1x40x128xi32, #tpu.memory_space<hbm>>
      %dma_start3A_76 = tpu.memref_squeeze %dma_start3A_75 : memref<1x40x128xi32, #tpu.memory_space<hbm>> -> memref<40x128xi32, #tpu.memory_space<hbm>>
      tpu.enqueue_dma source(%dma_start3A_76 : memref<40x128xi32, #tpu.memory_space<hbm>>) target(%arg7 : memref<40x128xi32, #tpu.memory_space<vmem>>) target_semaphore(%run_scoped3A : memref<!tpu.dma_semaphore, #tpu.memory_space<semaphore_mem>>)
      %dma_wait3A = arith.constant 0 : i32
      %dma_wait3A_77 = arith.constant 0 : i32
      %dma_wait3A_78 = tpu.memref_slice %arg4[%add3A, %dma_wait3A, %dma_wait3A_77] : memref<32x80x128xi32, #tpu.memory_space<hbm>> -> memref<1x40x128xi32, #tpu.memory_space<hbm>>
      %dma_wait3A_79 = tpu.memref_squeeze %dma_wait3A_78 : memref<1x40x128xi32, #tpu.memory_space<hbm>> -> memref<40x128xi32, #tpu.memory_space<hbm>>
      %dma_wait3A_80 = arith.constant 0 : i32
      %dma_wait3A_81 = arith.constant 0 : i32
      %dma_wait3A_82 = tpu.memref_slice %arg4[%add3A, %dma_wait3A_80, %dma_wait3A_81] : memref<32x80x128xi32, #tpu.memory_space<hbm>> -> memref<1x40x128xi32, #tpu.memory_space<hbm>>
      %dma_wait3A_83 = tpu.memref_squeeze %dma_wait3A_82 : memref<1x40x128xi32, #tpu.memory_space<hbm>> -> memref<40x128xi32, #tpu.memory_space<hbm>>
      tpu.wait_dma2 semaphore(%run_scoped3A : memref<!tpu.dma_semaphore, #tpu.memory_space<semaphore_mem>>) src(%dma_wait3A_83 : memref<40x128xi32, #tpu.memory_space<hbm>>) dst(%arg7 : memref<40x128xi32, #tpu.memory_space<vmem>>)
      tpu.yield
    }) : () -> ()
    %dma_start3A = arith.constant 0 : i32
    %dma_start3A_27 = arith.constant 0 : i32
    %dma_start3A_28 = tpu.memref_slice %arg6[%dma_start3A, %dma_start3A_27] : memref<40x128xi32, #tpu.memory_space<vmem>> -> memref<1x128xi32, #tpu.memory_space<vmem>>
    %dma_start3A_29 = tpu.memref_squeeze %dma_start3A_28 : memref<1x128xi32, #tpu.memory_space<vmem>> -> memref<128xi32, #tpu.memory_space<vmem>>
    %dma_start3A_30 = arith.constant 0 : i32
    %dma_start3A_31 = arith.constant 0 : i32
    %dma_start3A_32 = tpu.memref_slice %arg2[%dma_start3A_30, %dma_start3A_31] : memref<10000x128xf32, #tpu.memory_space<hbm>> -> memref<10000x128xf32, #tpu.memory_space<hbm>>
    tpu.enqueue_indirect_dma source(%dma_start3A_32 : memref<10000x128xf32, #tpu.memory_space<hbm>>) target(%arg8 : memref<128x128xf32, #tpu.memory_space<vmem>>) offsets(%dma_start3A_29 : memref<128xi32, #tpu.memory_space<vmem>>) semaphore(%arg11 : memref<!tpu.dma_semaphore, #tpu.memory_space<semaphore_mem>>)
    %dma_start3A_33 = arith.constant 1 : i32
    %dma_start3A_34 = arith.constant 0 : i32
    %dma_start3A_35 = tpu.memref_slice %arg6[%dma_start3A_33, %dma_start3A_34] : memref<40x128xi32, #tpu.memory_space<vmem>> -> memref<1x128xi32, #tpu.memory_space<vmem>>
    %dma_start3A_36 = tpu.memref_squeeze %dma_start3A_35 : memref<1x128xi32, #tpu.memory_space<vmem>> -> memref<128xi32, #tpu.memory_space<vmem>>
    %dma_start3A_37 = arith.constant 0 : i32
    %dma_start3A_38 = arith.constant 0 : i32
    %dma_start3A_39 = tpu.memref_slice %arg2[%dma_start3A_37, %dma_start3A_38] : memref<10000x128xf32, #tpu.memory_space<hbm>> -> memref<10000x128xf32, #tpu.memory_space<hbm>>
    tpu.enqueue_indirect_dma source(%dma_start3A_39 : memref<10000x128xf32, #tpu.memory_space<hbm>>) target(%arg9 : memref<128x128xf32, #tpu.memory_space<vmem>>) offsets(%dma_start3A_36 : memref<128xi32, #tpu.memory_space<vmem>>) semaphore(%arg12 : memref<!tpu.dma_semaphore, #tpu.memory_space<semaphore_mem>>)
    %scan3A_40 = arith.constant 0 : i32
    %scan3A_41 = arith.constant 0 : i32
    %scan3A_42 = arith.constant 20 : i32
    %scan3A_43 = arith.addi %scan3A_41, %scan3A_42 : i32
    %scan3A_44 = arith.constant 1 : i32
    scf.for %scan3A_69 = %scan3A_41 to %scan3A_43 step %scan3A_44  : i32 {
      %mul3A_70 = arith.constant 2 : i32
      %mul3A_71 = arith.muli %mul3A_70, %scan3A_69 : i32
      %add3A_72 = arith.constant 0 : i32
      %add3A_73 = arith.addi %mul3A_71, %add3A_72 : i32
      %dma_wait3A = arith.constant 0 : i32
      %dma_wait3A_74 = tpu.memref_slice %arg6[%add3A_73, %dma_wait3A] : memref<40x128xi32, #tpu.memory_space<vmem>> -> memref<1x128xi32, #tpu.memory_space<vmem>>
      %dma_wait3A_75 = tpu.memref_squeeze %dma_wait3A_74 : memref<1x128xi32, #tpu.memory_space<vmem>> -> memref<128xi32, #tpu.memory_space<vmem>>
      %dma_wait3A_76 = arith.constant 0 : i32
      %dma_wait3A_77 = arith.constant 0 : i32
      %dma_wait3A_78 = tpu.memref_slice %arg2[%dma_wait3A_76, %dma_wait3A_77] : memref<10000x128xf32, #tpu.memory_space<hbm>> -> memref<10000x128xf32, #tpu.memory_space<hbm>>
      tpu.wait_indirect_dma semaphore(%arg11 : memref<!tpu.dma_semaphore, #tpu.memory_space<semaphore_mem>>) src(%dma_wait3A_78 : memref<10000x128xf32, #tpu.memory_space<hbm>>) dst(%arg8 : memref<128x128xf32, #tpu.memory_space<vmem>>)
      "tpu.region"() ({
        %run_scoped3A = tpu.sem_alloc : memref<!tpu.dma_semaphore, #tpu.memory_space<semaphore_mem>>
        %dma_start3A_98 = arith.constant 0 : i32
        %dma_start3A_99 = tpu.memref_slice %arg7[%add3A_73, %dma_start3A_98] : memref<40x128xi32, #tpu.memory_space<vmem>> -> memref<1x128xi32, #tpu.memory_space<vmem>>
        %dma_start3A_100 = tpu.memref_squeeze %dma_start3A_99 : memref<1x128xi32, #tpu.memory_space<vmem>> -> memref<128xi32, #tpu.memory_space<vmem>>
        %dma_start3A_101 = arith.constant 0 : i32
        %dma_start3A_102 = arith.constant 0 : i32
        %dma_start3A_103 = tpu.memref_slice %arg10[%dma_start3A_101, %dma_start3A_102] : memref<10240x128xf32, #tpu.memory_space<vmem_shared>> -> memref<10240x128xf32, #tpu.memory_space<vmem_shared>>
        tpu.enqueue_indirect_dma source(%arg8 : memref<128x128xf32, #tpu.memory_space<vmem>>) target(%dma_start3A_103 : memref<10240x128xf32, #tpu.memory_space<vmem_shared>>) offsets(%dma_start3A_100 : memref<128xi32, #tpu.memory_space<vmem>>) semaphore(%run_scoped3A : memref<!tpu.dma_semaphore, #tpu.memory_space<semaphore_mem>>) {add = true}
        %dma_wait3A_104 = arith.constant 0 : i32
        %dma_wait3A_105 = tpu.memref_slice %arg7[%add3A_73, %dma_wait3A_104] : memref<40x128xi32, #tpu.memory_space<vmem>> -> memref<1x128xi32, #tpu.memory_space<vmem>>
        %dma_wait3A_106 = tpu.memref_squeeze %dma_wait3A_105 : memref<1x128xi32, #tpu.memory_space<vmem>> -> memref<128xi32, #tpu.memory_space<vmem>>
        %dma_wait3A_107 = arith.constant 0 : i32
        %dma_wait3A_108 = arith.constant 0 : i32
        %dma_wait3A_109 = tpu.memref_slice %arg10[%dma_wait3A_107, %dma_wait3A_108] : memref<10240x128xf32, #tpu.memory_space<vmem_shared>> -> memref<10240x128xf32, #tpu.memory_space<vmem_shared>>
        tpu.wait_indirect_dma semaphore(%run_scoped3A : memref<!tpu.dma_semaphore, #tpu.memory_space<semaphore_mem>>) src(%arg8 : memref<128x128xf32, #tpu.memory_space<vmem>>) dst(%dma_wait3A_109 : memref<10240x128xf32, #tpu.memory_space<vmem_shared>>)
        tpu.yield
      }) : () -> ()
      %add3A_79 = arith.constant 1 : i32
      %add3A_80 = arith.addi %scan3A_69, %add3A_79 : i32
      %lt3A = arith.constant 20 : i32
      %lt3A_81 = arith.cmpi slt, %add3A_80, %lt3A : i32
      %convert_element_type3A = arith.extui %lt3A_81 : i1 to i32
      %cond3A = arith.constant 0 : i32
      %cond3A_82 = arith.cmpi ne, %convert_element_type3A, %cond3A : i32
      scf.if %cond3A_82 {
        %add3A_98 = arith.constant 2 : i32
        %add3A_99 = arith.addi %add3A_73, %add3A_98 : i32
        %dma_start3A_100 = arith.constant 0 : i32
        %dma_start3A_101 = tpu.memref_slice %arg6[%add3A_99, %dma_start3A_100] : memref<40x128xi32, #tpu.memory_space<vmem>> -> memref<1x128xi32, #tpu.memory_space<vmem>>
        %dma_start3A_102 = tpu.memref_squeeze %dma_start3A_101 : memref<1x128xi32, #tpu.memory_space<vmem>> -> memref<128xi32, #tpu.memory_space<vmem>>
        %dma_start3A_103 = arith.constant 0 : i32
        %dma_start3A_104 = arith.constant 0 : i32
        %dma_start3A_105 = tpu.memref_slice %arg2[%dma_start3A_103, %dma_start3A_104] : memref<10000x128xf32, #tpu.memory_space<hbm>> -> memref<10000x128xf32, #tpu.memory_space<hbm>>
        tpu.enqueue_indirect_dma source(%dma_start3A_105 : memref<10000x128xf32, #tpu.memory_space<hbm>>) target(%arg8 : memref<128x128xf32, #tpu.memory_space<vmem>>) offsets(%dma_start3A_102 : memref<128xi32, #tpu.memory_space<vmem>>) semaphore(%arg11 : memref<!tpu.dma_semaphore, #tpu.memory_space<semaphore_mem>>)
      } else {
      }
      %add3A_83 = arith.constant 1 : i32
      %add3A_84 = arith.addi %mul3A_71, %add3A_83 : i32
      %dma_wait3A_85 = arith.constant 0 : i32
      %dma_wait3A_86 = tpu.memref_slice %arg6[%add3A_84, %dma_wait3A_85] : memref<40x128xi32, #tpu.memory_space<vmem>> -> memref<1x128xi32, #tpu.memory_space<vmem>>
      %dma_wait3A_87 = tpu.memref_squeeze %dma_wait3A_86 : memref<1x128xi32, #tpu.memory_space<vmem>> -> memref<128xi32, #tpu.memory_space<vmem>>
      %dma_wait3A_88 = arith.constant 0 : i32
      %dma_wait3A_89 = arith.constant 0 : i32
      %dma_wait3A_90 = tpu.memref_slice %arg2[%dma_wait3A_88, %dma_wait3A_89] : memref<10000x128xf32, #tpu.memory_space<hbm>> -> memref<10000x128xf32, #tpu.memory_space<hbm>>
      tpu.wait_indirect_dma semaphore(%arg12 : memref<!tpu.dma_semaphore, #tpu.memory_space<semaphore_mem>>) src(%dma_wait3A_90 : memref<10000x128xf32, #tpu.memory_space<hbm>>) dst(%arg9 : memref<128x128xf32, #tpu.memory_space<vmem>>)
      "tpu.region"() ({
        %run_scoped3A = tpu.sem_alloc : memref<!tpu.dma_semaphore, #tpu.memory_space<semaphore_mem>>
        %dma_start3A_98 = arith.constant 0 : i32
        %dma_start3A_99 = tpu.memref_slice %arg7[%add3A_84, %dma_start3A_98] : memref<40x128xi32, #tpu.memory_space<vmem>> -> memref<1x128xi32, #tpu.memory_space<vmem>>
        %dma_start3A_100 = tpu.memref_squeeze %dma_start3A_99 : memref<1x128xi32, #tpu.memory_space<vmem>> -> memref<128xi32, #tpu.memory_space<vmem>>
        %dma_start3A_101 = arith.constant 0 : i32
        %dma_start3A_102 = arith.constant 0 : i32
        %dma_start3A_103 = tpu.memref_slice %arg10[%dma_start3A_101, %dma_start3A_102] : memref<10240x128xf32, #tpu.memory_space<vmem_shared>> -> memref<10240x128xf32, #tpu.memory_space<vmem_shared>>
        tpu.enqueue_indirect_dma source(%arg9 : memref<128x128xf32, #tpu.memory_space<vmem>>) target(%dma_start3A_103 : memref<10240x128xf32, #tpu.memory_space<vmem_shared>>) offsets(%dma_start3A_100 : memref<128xi32, #tpu.memory_space<vmem>>) semaphore(%run_scoped3A : memref<!tpu.dma_semaphore, #tpu.memory_space<semaphore_mem>>) {add = true}
        %dma_wait3A_104 = arith.constant 0 : i32
        %dma_wait3A_105 = tpu.memref_slice %arg7[%add3A_84, %dma_wait3A_104] : memref<40x128xi32, #tpu.memory_space<vmem>> -> memref<1x128xi32, #tpu.memory_space<vmem>>
        %dma_wait3A_106 = tpu.memref_squeeze %dma_wait3A_105 : memref<1x128xi32, #tpu.memory_space<vmem>> -> memref<128xi32, #tpu.memory_space<vmem>>
        %dma_wait3A_107 = arith.constant 0 : i32
        %dma_wait3A_108 = arith.constant 0 : i32
        %dma_wait3A_109 = tpu.memref_slice %arg10[%dma_wait3A_107, %dma_wait3A_108] : memref<10240x128xf32, #tpu.memory_space<vmem_shared>> -> memref<10240x128xf32, #tpu.memory_space<vmem_shared>>
        tpu.wait_indirect_dma semaphore(%run_scoped3A : memref<!tpu.dma_semaphore, #tpu.memory_space<semaphore_mem>>) src(%arg9 : memref<128x128xf32, #tpu.memory_space<vmem>>) dst(%dma_wait3A_109 : memref<10240x128xf32, #tpu.memory_space<vmem_shared>>)
        tpu.yield
      }) : () -> ()
      %add3A_91 = arith.constant 1 : i32
      %add3A_92 = arith.addi %scan3A_69, %add3A_91 : i32
      %lt3A_93 = arith.constant 20 : i32
      %lt3A_94 = arith.cmpi slt, %add3A_92, %lt3A_93 : i32
      %convert_element_type3A_95 = arith.extui %lt3A_94 : i1 to i32
      %cond3A_96 = arith.constant 0 : i32
      %cond3A_97 = arith.cmpi ne, %convert_element_type3A_95, %cond3A_96 : i32
      scf.if %cond3A_97 {
        %add3A_98 = arith.constant 2 : i32
        %add3A_99 = arith.addi %add3A_84, %add3A_98 : i32
        %dma_start3A_100 = arith.constant 0 : i32
        %dma_start3A_101 = tpu.memref_slice %arg6[%add3A_99, %dma_start3A_100] : memref<40x128xi32, #tpu.memory_space<vmem>> -> memref<1x128xi32, #tpu.memory_space<vmem>>
        %dma_start3A_102 = tpu.memref_squeeze %dma_start3A_101 : memref<1x128xi32, #tpu.memory_space<vmem>> -> memref<128xi32, #tpu.memory_space<vmem>>
        %dma_start3A_103 = arith.constant 0 : i32
        %dma_start3A_104 = arith.constant 0 : i32
        %dma_start3A_105 = tpu.memref_slice %arg2[%dma_start3A_103, %dma_start3A_104] : memref<10000x128xf32, #tpu.memory_space<hbm>> -> memref<10000x128xf32, #tpu.memory_space<hbm>>
        tpu.enqueue_indirect_dma source(%dma_start3A_105 : memref<10000x128xf32, #tpu.memory_space<hbm>>) target(%arg9 : memref<128x128xf32, #tpu.memory_space<vmem>>) offsets(%dma_start3A_102 : memref<128xi32, #tpu.memory_space<vmem>>) semaphore(%arg12 : memref<!tpu.dma_semaphore, #tpu.memory_space<semaphore_mem>>)
      } else {
      }
    }
    %scan3A_45 = arith.constant 20 : i32
    "tpu.region"() ({
      %run_scoped3A = tpu.sem_alloc : memref<!tpu.dma_semaphore, #tpu.memory_space<semaphore_mem>>
      %dma_start3A_69 = arith.constant 40 : i32
      %dma_start3A_70 = arith.constant 0 : i32
      %dma_start3A_71 = tpu.memref_slice %arg3[%add3A, %dma_start3A_69, %dma_start3A_70] : memref<32x80x128xi32, #tpu.memory_space<hbm>> -> memref<1x40x128xi32, #tpu.memory_space<hbm>>
      %dma_start3A_72 = tpu.memref_squeeze %dma_start3A_71 : memref<1x40x128xi32, #tpu.memory_space<hbm>> -> memref<40x128xi32, #tpu.memory_space<hbm>>
      %dma_start3A_73 = arith.constant 40 : i32
      %dma_start3A_74 = arith.constant 0 : i32
      %dma_start3A_75 = tpu.memref_slice %arg3[%add3A, %dma_start3A_73, %dma_start3A_74] : memref<32x80x128xi32, #tpu.memory_space<hbm>> -> memref<1x40x128xi32, #tpu.memory_space<hbm>>
      %dma_start3A_76 = tpu.memref_squeeze %dma_start3A_75 : memref<1x40x128xi32, #tpu.memory_space<hbm>> -> memref<40x128xi32, #tpu.memory_space<hbm>>
      tpu.enqueue_dma source(%dma_start3A_76 : memref<40x128xi32, #tpu.memory_space<hbm>>) target(%arg6 : memref<40x128xi32, #tpu.memory_space<vmem>>) target_semaphore(%run_scoped3A : memref<!tpu.dma_semaphore, #tpu.memory_space<semaphore_mem>>)
      %dma_wait3A = arith.constant 40 : i32
      %dma_wait3A_77 = arith.constant 0 : i32
      %dma_wait3A_78 = tpu.memref_slice %arg3[%add3A, %dma_wait3A, %dma_wait3A_77] : memref<32x80x128xi32, #tpu.memory_space<hbm>> -> memref<1x40x128xi32, #tpu.memory_space<hbm>>
      %dma_wait3A_79 = tpu.memref_squeeze %dma_wait3A_78 : memref<1x40x128xi32, #tpu.memory_space<hbm>> -> memref<40x128xi32, #tpu.memory_space<hbm>>
      %dma_wait3A_80 = arith.constant 40 : i32
      %dma_wait3A_81 = arith.constant 0 : i32
      %dma_wait3A_82 = tpu.memref_slice %arg3[%add3A, %dma_wait3A_80, %dma_wait3A_81] : memref<32x80x128xi32, #tpu.memory_space<hbm>> -> memref<1x40x128xi32, #tpu.memory_space<hbm>>
      %dma_wait3A_83 = tpu.memref_squeeze %dma_wait3A_82 : memref<1x40x128xi32, #tpu.memory_space<hbm>> -> memref<40x128xi32, #tpu.memory_space<hbm>>
      tpu.wait_dma2 semaphore(%run_scoped3A : memref<!tpu.dma_semaphore, #tpu.memory_space<semaphore_mem>>) src(%dma_wait3A_83 : memref<40x128xi32, #tpu.memory_space<hbm>>) dst(%arg6 : memref<40x128xi32, #tpu.memory_space<vmem>>)
      tpu.yield
    }) : () -> ()
    "tpu.region"() ({
      %run_scoped3A = tpu.sem_alloc : memref<!tpu.dma_semaphore, #tpu.memory_space<semaphore_mem>>
      %dma_start3A_69 = arith.constant 40 : i32
      %dma_start3A_70 = arith.constant 0 : i32
      %dma_start3A_71 = tpu.memref_slice %arg4[%add3A, %dma_start3A_69, %dma_start3A_70] : memref<32x80x128xi32, #tpu.memory_space<hbm>> -> memref<1x40x128xi32, #tpu.memory_space<hbm>>
      %dma_start3A_72 = tpu.memref_squeeze %dma_start3A_71 : memref<1x40x128xi32, #tpu.memory_space<hbm>> -> memref<40x128xi32, #tpu.memory_space<hbm>>
      %dma_start3A_73 = arith.constant 40 : i32
      %dma_start3A_74 = arith.constant 0 : i32
      %dma_start3A_75 = tpu.memref_slice %arg4[%add3A, %dma_start3A_73, %dma_start3A_74] : memref<32x80x128xi32, #tpu.memory_space<hbm>> -> memref<1x40x128xi32, #tpu.memory_space<hbm>>
      %dma_start3A_76 = tpu.memref_squeeze %dma_start3A_75 : memref<1x40x128xi32, #tpu.memory_space<hbm>> -> memref<40x128xi32, #tpu.memory_space<hbm>>
      tpu.enqueue_dma source(%dma_start3A_76 : memref<40x128xi32, #tpu.memory_space<hbm>>) target(%arg7 : memref<40x128xi32, #tpu.memory_space<vmem>>) target_semaphore(%run_scoped3A : memref<!tpu.dma_semaphore, #tpu.memory_space<semaphore_mem>>)
      %dma_wait3A = arith.constant 40 : i32
      %dma_wait3A_77 = arith.constant 0 : i32
      %dma_wait3A_78 = tpu.memref_slice %arg4[%add3A, %dma_wait3A, %dma_wait3A_77] : memref<32x80x128xi32, #tpu.memory_space<hbm>> -> memref<1x40x128xi32, #tpu.memory_space<hbm>>
      %dma_wait3A_79 = tpu.memref_squeeze %dma_wait3A_78 : memref<1x40x128xi32, #tpu.memory_space<hbm>> -> memref<40x128xi32, #tpu.memory_space<hbm>>
      %dma_wait3A_80 = arith.constant 40 : i32
      %dma_wait3A_81 = arith.constant 0 : i32
      %dma_wait3A_82 = tpu.memref_slice %arg4[%add3A, %dma_wait3A_80, %dma_wait3A_81] : memref<32x80x128xi32, #tpu.memory_space<hbm>> -> memref<1x40x128xi32, #tpu.memory_space<hbm>>
      %dma_wait3A_83 = tpu.memref_squeeze %dma_wait3A_82 : memref<1x40x128xi32, #tpu.memory_space<hbm>> -> memref<40x128xi32, #tpu.memory_space<hbm>>
      tpu.wait_dma2 semaphore(%run_scoped3A : memref<!tpu.dma_semaphore, #tpu.memory_space<semaphore_mem>>) src(%dma_wait3A_83 : memref<40x128xi32, #tpu.memory_space<hbm>>) dst(%arg7 : memref<40x128xi32, #tpu.memory_space<vmem>>)
      tpu.yield
    }) : () -> ()
    %dma_start3A_46 = arith.constant 0 : i32
    %dma_start3A_47 = arith.constant 0 : i32
    %dma_start3A_48 = tpu.memref_slice %arg6[%dma_start3A_46, %dma_start3A_47] : memref<40x128xi32, #tpu.memory_space<vmem>> -> memref<1x128xi32, #tpu.memory_space<vmem>>
    %dma_start3A_49 = tpu.memref_squeeze %dma_start3A_48 : memref<1x128xi32, #tpu.memory_space<vmem>> -> memref<128xi32, #tpu.memory_space<vmem>>
    %dma_start3A_50 = arith.constant 0 : i32
    %dma_start3A_51 = arith.constant 0 : i32
    %dma_start3A_52 = tpu.memref_slice %arg2[%dma_start3A_50, %dma_start3A_51] : memref<10000x128xf32, #tpu.memory_space<hbm>> -> memref<10000x128xf32, #tpu.memory_space<hbm>>
    tpu.enqueue_indirect_dma source(%dma_start3A_52 : memref<10000x128xf32, #tpu.memory_space<hbm>>) target(%arg8 : memref<128x128xf32, #tpu.memory_space<vmem>>) offsets(%dma_start3A_49 : memref<128xi32, #tpu.memory_space<vmem>>) semaphore(%arg11 : memref<!tpu.dma_semaphore, #tpu.memory_space<semaphore_mem>>)
    %dma_start3A_53 = arith.constant 1 : i32
    %dma_start3A_54 = arith.constant 0 : i32
    %dma_start3A_55 = tpu.memref_slice %arg6[%dma_start3A_53, %dma_start3A_54] : memref<40x128xi32, #tpu.memory_space<vmem>> -> memref<1x128xi32, #tpu.memory_space<vmem>>
    %dma_start3A_56 = tpu.memref_squeeze %dma_start3A_55 : memref<1x128xi32, #tpu.memory_space<vmem>> -> memref<128xi32, #tpu.memory_space<vmem>>
    %dma_start3A_57 = arith.constant 0 : i32
    %dma_start3A_58 = arith.constant 0 : i32
    %dma_start3A_59 = tpu.memref_slice %arg2[%dma_start3A_57, %dma_start3A_58] : memref<10000x128xf32, #tpu.memory_space<hbm>> -> memref<10000x128xf32, #tpu.memory_space<hbm>>
    tpu.enqueue_indirect_dma source(%dma_start3A_59 : memref<10000x128xf32, #tpu.memory_space<hbm>>) target(%arg9 : memref<128x128xf32, #tpu.memory_space<vmem>>) offsets(%dma_start3A_56 : memref<128xi32, #tpu.memory_space<vmem>>) semaphore(%arg12 : memref<!tpu.dma_semaphore, #tpu.memory_space<semaphore_mem>>)
    %scan3A_60 = arith.constant 0 : i32
    %scan3A_61 = arith.constant 0 : i32
    %scan3A_62 = arith.constant 20 : i32
    %scan3A_63 = arith.addi %scan3A_61, %scan3A_62 : i32
    %scan3A_64 = arith.constant 1 : i32
    scf.for %scan3A_69 = %scan3A_61 to %scan3A_63 step %scan3A_64  : i32 {
      %mul3A_70 = arith.constant 2 : i32
      %mul3A_71 = arith.muli %mul3A_70, %scan3A_69 : i32
      %add3A_72 = arith.constant 0 : i32
      %add3A_73 = arith.addi %mul3A_71, %add3A_72 : i32
      %dma_wait3A = arith.constant 0 : i32
      %dma_wait3A_74 = tpu.memref_slice %arg6[%add3A_73, %dma_wait3A] : memref<40x128xi32, #tpu.memory_space<vmem>> -> memref<1x128xi32, #tpu.memory_space<vmem>>
      %dma_wait3A_75 = tpu.memref_squeeze %dma_wait3A_74 : memref<1x128xi32, #tpu.memory_space<vmem>> -> memref<128xi32, #tpu.memory_space<vmem>>
      %dma_wait3A_76 = arith.constant 0 : i32
      %dma_wait3A_77 = arith.constant 0 : i32
      %dma_wait3A_78 = tpu.memref_slice %arg2[%dma_wait3A_76, %dma_wait3A_77] : memref<10000x128xf32, #tpu.memory_space<hbm>> -> memref<10000x128xf32, #tpu.memory_space<hbm>>
      tpu.wait_indirect_dma semaphore(%arg11 : memref<!tpu.dma_semaphore, #tpu.memory_space<semaphore_mem>>) src(%dma_wait3A_78 : memref<10000x128xf32, #tpu.memory_space<hbm>>) dst(%arg8 : memref<128x128xf32, #tpu.memory_space<vmem>>)
      "tpu.region"() ({
        %run_scoped3A = tpu.sem_alloc : memref<!tpu.dma_semaphore, #tpu.memory_space<semaphore_mem>>
        %dma_start3A_98 = arith.constant 0 : i32
        %dma_start3A_99 = tpu.memref_slice %arg7[%add3A_73, %dma_start3A_98] : memref<40x128xi32, #tpu.memory_space<vmem>> -> memref<1x128xi32, #tpu.memory_space<vmem>>
        %dma_start3A_100 = tpu.memref_squeeze %dma_start3A_99 : memref<1x128xi32, #tpu.memory_space<vmem>> -> memref<128xi32, #tpu.memory_space<vmem>>
        %dma_start3A_101 = arith.constant 0 : i32
        %dma_start3A_102 = arith.constant 0 : i32
        %dma_start3A_103 = tpu.memref_slice %arg10[%dma_start3A_101, %dma_start3A_102] : memref<10240x128xf32, #tpu.memory_space<vmem_shared>> -> memref<10240x128xf32, #tpu.memory_space<vmem_shared>>
        tpu.enqueue_indirect_dma source(%arg8 : memref<128x128xf32, #tpu.memory_space<vmem>>) target(%dma_start3A_103 : memref<10240x128xf32, #tpu.memory_space<vmem_shared>>) offsets(%dma_start3A_100 : memref<128xi32, #tpu.memory_space<vmem>>) semaphore(%run_scoped3A : memref<!tpu.dma_semaphore, #tpu.memory_space<semaphore_mem>>) {add = true}
        %dma_wait3A_104 = arith.constant 0 : i32
        %dma_wait3A_105 = tpu.memref_slice %arg7[%add3A_73, %dma_wait3A_104] : memref<40x128xi32, #tpu.memory_space<vmem>> -> memref<1x128xi32, #tpu.memory_space<vmem>>
        %dma_wait3A_106 = tpu.memref_squeeze %dma_wait3A_105 : memref<1x128xi32, #tpu.memory_space<vmem>> -> memref<128xi32, #tpu.memory_space<vmem>>
        %dma_wait3A_107 = arith.constant 0 : i32
        %dma_wait3A_108 = arith.constant 0 : i32
        %dma_wait3A_109 = tpu.memref_slice %arg10[%dma_wait3A_107, %dma_wait3A_108] : memref<10240x128xf32, #tpu.memory_space<vmem_shared>> -> memref<10240x128xf32, #tpu.memory_space<vmem_shared>>
        tpu.wait_indirect_dma semaphore(%run_scoped3A : memref<!tpu.dma_semaphore, #tpu.memory_space<semaphore_mem>>) src(%arg8 : memref<128x128xf32, #tpu.memory_space<vmem>>) dst(%dma_wait3A_109 : memref<10240x128xf32, #tpu.memory_space<vmem_shared>>)
        tpu.yield
      }) : () -> ()
      %add3A_79 = arith.constant 1 : i32
      %add3A_80 = arith.addi %scan3A_69, %add3A_79 : i32
      %lt3A = arith.constant 20 : i32
      %lt3A_81 = arith.cmpi slt, %add3A_80, %lt3A : i32
      %convert_element_type3A = arith.extui %lt3A_81 : i1 to i32
      %cond3A = arith.constant 0 : i32
      %cond3A_82 = arith.cmpi ne, %convert_element_type3A, %cond3A : i32
      scf.if %cond3A_82 {
        %add3A_98 = arith.constant 2 : i32
        %add3A_99 = arith.addi %add3A_73, %add3A_98 : i32
        %dma_start3A_100 = arith.constant 0 : i32
        %dma_start3A_101 = tpu.memref_slice %arg6[%add3A_99, %dma_start3A_100] : memref<40x128xi32, #tpu.memory_space<vmem>> -> memref<1x128xi32, #tpu.memory_space<vmem>>
        %dma_start3A_102 = tpu.memref_squeeze %dma_start3A_101 : memref<1x128xi32, #tpu.memory_space<vmem>> -> memref<128xi32, #tpu.memory_space<vmem>>
        %dma_start3A_103 = arith.constant 0 : i32
        %dma_start3A_104 = arith.constant 0 : i32
        %dma_start3A_105 = tpu.memref_slice %arg2[%dma_start3A_103, %dma_start3A_104] : memref<10000x128xf32, #tpu.memory_space<hbm>> -> memref<10000x128xf32, #tpu.memory_space<hbm>>
        tpu.enqueue_indirect_dma source(%dma_start3A_105 : memref<10000x128xf32, #tpu.memory_space<hbm>>) target(%arg8 : memref<128x128xf32, #tpu.memory_space<vmem>>) offsets(%dma_start3A_102 : memref<128xi32, #tpu.memory_space<vmem>>) semaphore(%arg11 : memref<!tpu.dma_semaphore, #tpu.memory_space<semaphore_mem>>)
      } else {
      }
      %add3A_83 = arith.constant 1 : i32
      %add3A_84 = arith.addi %mul3A_71, %add3A_83 : i32
      %dma_wait3A_85 = arith.constant 0 : i32
      %dma_wait3A_86 = tpu.memref_slice %arg6[%add3A_84, %dma_wait3A_85] : memref<40x128xi32, #tpu.memory_space<vmem>> -> memref<1x128xi32, #tpu.memory_space<vmem>>
      %dma_wait3A_87 = tpu.memref_squeeze %dma_wait3A_86 : memref<1x128xi32, #tpu.memory_space<vmem>> -> memref<128xi32, #tpu.memory_space<vmem>>
      %dma_wait3A_88 = arith.constant 0 : i32
      %dma_wait3A_89 = arith.constant 0 : i32
      %dma_wait3A_90 = tpu.memref_slice %arg2[%dma_wait3A_88, %dma_wait3A_89] : memref<10000x128xf32, #tpu.memory_space<hbm>> -> memref<10000x128xf32, #tpu.memory_space<hbm>>
      tpu.wait_indirect_dma semaphore(%arg12 : memref<!tpu.dma_semaphore, #tpu.memory_space<semaphore_mem>>) src(%dma_wait3A_90 : memref<10000x128xf32, #tpu.memory_space<hbm>>) dst(%arg9 : memref<128x128xf32, #tpu.memory_space<vmem>>)
      "tpu.region"() ({
        %run_scoped3A = tpu.sem_alloc : memref<!tpu.dma_semaphore, #tpu.memory_space<semaphore_mem>>
        %dma_start3A_98 = arith.constant 0 : i32
        %dma_start3A_99 = tpu.memref_slice %arg7[%add3A_84, %dma_start3A_98] : memref<40x128xi32, #tpu.memory_space<vmem>> -> memref<1x128xi32, #tpu.memory_space<vmem>>
        %dma_start3A_100 = tpu.memref_squeeze %dma_start3A_99 : memref<1x128xi32, #tpu.memory_space<vmem>> -> memref<128xi32, #tpu.memory_space<vmem>>
        %dma_start3A_101 = arith.constant 0 : i32
        %dma_start3A_102 = arith.constant 0 : i32
        %dma_start3A_103 = tpu.memref_slice %arg10[%dma_start3A_101, %dma_start3A_102] : memref<10240x128xf32, #tpu.memory_space<vmem_shared>> -> memref<10240x128xf32, #tpu.memory_space<vmem_shared>>
        tpu.enqueue_indirect_dma source(%arg9 : memref<128x128xf32, #tpu.memory_space<vmem>>) target(%dma_start3A_103 : memref<10240x128xf32, #tpu.memory_space<vmem_shared>>) offsets(%dma_start3A_100 : memref<128xi32, #tpu.memory_space<vmem>>) semaphore(%run_scoped3A : memref<!tpu.dma_semaphore, #tpu.memory_space<semaphore_mem>>) {add = true}
        %dma_wait3A_104 = arith.constant 0 : i32
        %dma_wait3A_105 = tpu.memref_slice %arg7[%add3A_84, %dma_wait3A_104] : memref<40x128xi32, #tpu.memory_space<vmem>> -> memref<1x128xi32, #tpu.memory_space<vmem>>
        %dma_wait3A_106 = tpu.memref_squeeze %dma_wait3A_105 : memref<1x128xi32, #tpu.memory_space<vmem>> -> memref<128xi32, #tpu.memory_space<vmem>>
        %dma_wait3A_107 = arith.constant 0 : i32
        %dma_wait3A_108 = arith.constant 0 : i32
        %dma_wait3A_109 = tpu.memref_slice %arg10[%dma_wait3A_107, %dma_wait3A_108] : memref<10240x128xf32, #tpu.memory_space<vmem_shared>> -> memref<10240x128xf32, #tpu.memory_space<vmem_shared>>
        tpu.wait_indirect_dma semaphore(%run_scoped3A : memref<!tpu.dma_semaphore, #tpu.memory_space<semaphore_mem>>) src(%arg9 : memref<128x128xf32, #tpu.memory_space<vmem>>) dst(%dma_wait3A_109 : memref<10240x128xf32, #tpu.memory_space<vmem_shared>>)
        tpu.yield
      }) : () -> ()
      %add3A_91 = arith.constant 1 : i32
      %add3A_92 = arith.addi %scan3A_69, %add3A_91 : i32
      %lt3A_93 = arith.constant 20 : i32
      %lt3A_94 = arith.cmpi slt, %add3A_92, %lt3A_93 : i32
      %convert_element_type3A_95 = arith.extui %lt3A_94 : i1 to i32
      %cond3A_96 = arith.constant 0 : i32
      %cond3A_97 = arith.cmpi ne, %convert_element_type3A_95, %cond3A_96 : i32
      scf.if %cond3A_97 {
        %add3A_98 = arith.constant 2 : i32
        %add3A_99 = arith.addi %add3A_84, %add3A_98 : i32
        %dma_start3A_100 = arith.constant 0 : i32
        %dma_start3A_101 = tpu.memref_slice %arg6[%add3A_99, %dma_start3A_100] : memref<40x128xi32, #tpu.memory_space<vmem>> -> memref<1x128xi32, #tpu.memory_space<vmem>>
        %dma_start3A_102 = tpu.memref_squeeze %dma_start3A_101 : memref<1x128xi32, #tpu.memory_space<vmem>> -> memref<128xi32, #tpu.memory_space<vmem>>
        %dma_start3A_103 = arith.constant 0 : i32
        %dma_start3A_104 = arith.constant 0 : i32
        %dma_start3A_105 = tpu.memref_slice %arg2[%dma_start3A_103, %dma_start3A_104] : memref<10000x128xf32, #tpu.memory_space<hbm>> -> memref<10000x128xf32, #tpu.memory_space<hbm>>
        tpu.enqueue_indirect_dma source(%dma_start3A_105 : memref<10000x128xf32, #tpu.memory_space<hbm>>) target(%arg9 : memref<128x128xf32, #tpu.memory_space<vmem>>) offsets(%dma_start3A_102 : memref<128xi32, #tpu.memory_space<vmem>>) semaphore(%arg12 : memref<!tpu.dma_semaphore, #tpu.memory_space<semaphore_mem>>)
      } else {
      }
    }
    %scan3A_65 = arith.constant 20 : i32
    %barrier3A_66 = arith.constant 0 : index
    tpu.barrier barrier_id(%barrier3A_66)
    %mul3A_67 = arith.constant 640 : i32
    %mul3A_68 = arith.muli %arg1, %mul3A_67 : i32
    "tpu.region"() ({
      %run_scoped3A = tpu.sem_alloc : memref<!tpu.dma_semaphore, #tpu.memory_space<semaphore_mem>>
      %dma_start3A_69 = arith.constant 0 : i32
      %dma_start3A_70 = tpu.memref_slice %arg5[%arg0, %mul3A_68, %dma_start3A_69] : memref<2x10240x128xf32, #tpu.memory_space<hbm>> -> memref<1x640x128xf32, #tpu.memory_space<hbm>>
      %dma_start3A_71 = tpu.memref_squeeze %dma_start3A_70 : memref<1x640x128xf32, #tpu.memory_space<hbm>> -> memref<640x128xf32, #tpu.memory_space<hbm>>
      %dma_start3A_72 = arith.constant 0 : i32
      %dma_start3A_73 = tpu.memref_slice %arg10[%mul3A_68, %dma_start3A_72] : memref<10240x128xf32, #tpu.memory_space<vmem_shared>> -> memref<640x128xf32, #tpu.memory_space<vmem_shared>>
      tpu.enqueue_dma source(%dma_start3A_73 : memref<640x128xf32, #tpu.memory_space<vmem_shared>>) target(%dma_start3A_71 : memref<640x128xf32, #tpu.memory_space<hbm>>) target_semaphore(%run_scoped3A : memref<!tpu.dma_semaphore, #tpu.memory_space<semaphore_mem>>)
      %dma_wait3A = arith.constant 0 : i32
      %dma_wait3A_74 = tpu.memref_slice %arg5[%arg0, %mul3A_68, %dma_wait3A] : memref<2x10240x128xf32, #tpu.memory_space<hbm>> -> memref<1x640x128xf32, #tpu.memory_space<hbm>>
      %dma_wait3A_75 = tpu.memref_squeeze %dma_wait3A_74 : memref<1x640x128xf32, #tpu.memory_space<hbm>> -> memref<640x128xf32, #tpu.memory_space<hbm>>
      %dma_wait3A_76 = arith.constant 0 : i32
      %dma_wait3A_77 = tpu.memref_slice %arg10[%mul3A_68, %dma_wait3A_76] : memref<10240x128xf32, #tpu.memory_space<vmem_shared>> -> memref<640x128xf32, #tpu.memory_space<vmem_shared>>
      tpu.wait_dma2 semaphore(%run_scoped3A : memref<!tpu.dma_semaphore, #tpu.memory_space<semaphore_mem>>) src(%dma_wait3A_77 : memref<640x128xf32, #tpu.memory_space<vmem_shared>>) dst(%dma_wait3A_75 : memref<640x128xf32, #tpu.memory_space<hbm>>)
      tpu.yield
    }) : () -> ()
    return
  }
}

#map = affine_map<(d0, d1) -> (0, 0, 0)>
#map1 = affine_map<(d0, d1) -> (0, 0)>
module attributes {stable_mosaic.version = 14 : i64} {
  func.func @_deg_body(%arg0: i32, %arg1: i32, %arg2: memref<32x80x128xi32, #tpu.memory_space<hbm>>, %arg3: memref<32x10240xf32, #tpu.memory_space<hbm>>, %arg4: memref<80x128xi32, #tpu.memory_space<vmem>>, %arg5: memref<10240xf32, #tpu.memory_space<vmem>>) attributes {dimension_semantics = [#tpu.dimension_semantics<core_parallel>, #tpu.dimension_semantics<subcore_parallel>], iteration_bounds = array<i64: 2, 16>, scalar_prefetch = 0 : i64, scratch_operands = 2 : i64, tpu.core_type = #tpu.core_type<sc_vector_subcore>, window_params = [{transform_indices = #map}, {transform_indices = #map1}]} {
    %mul3A = arith.constant 2 : i32
    %mul3A_0 = arith.muli %arg1, %mul3A : i32
    %add3A = arith.addi %mul3A_0, %arg0 : i32
    "tpu.region"() ({
      %run_scoped3A = tpu.sem_alloc : memref<!tpu.dma_semaphore, #tpu.memory_space<semaphore_mem>>
      %dma_start3A = arith.constant 0 : i32
      %dma_start3A_15 = arith.constant 0 : i32
      %dma_start3A_16 = tpu.memref_slice %arg2[%add3A, %dma_start3A, %dma_start3A_15] : memref<32x80x128xi32, #tpu.memory_space<hbm>> -> memref<1x80x128xi32, #tpu.memory_space<hbm>>
      %dma_start3A_17 = tpu.memref_squeeze %dma_start3A_16 : memref<1x80x128xi32, #tpu.memory_space<hbm>> -> memref<80x128xi32, #tpu.memory_space<hbm>>
      %dma_start3A_18 = arith.constant 0 : i32
      %dma_start3A_19 = arith.constant 0 : i32
      %dma_start3A_20 = tpu.memref_slice %arg2[%add3A, %dma_start3A_18, %dma_start3A_19] : memref<32x80x128xi32, #tpu.memory_space<hbm>> -> memref<1x80x128xi32, #tpu.memory_space<hbm>>
      %dma_start3A_21 = tpu.memref_squeeze %dma_start3A_20 : memref<1x80x128xi32, #tpu.memory_space<hbm>> -> memref<80x128xi32, #tpu.memory_space<hbm>>
      tpu.enqueue_dma source(%dma_start3A_21 : memref<80x128xi32, #tpu.memory_space<hbm>>) target(%arg4 : memref<80x128xi32, #tpu.memory_space<vmem>>) target_semaphore(%run_scoped3A : memref<!tpu.dma_semaphore, #tpu.memory_space<semaphore_mem>>)
      %dma_wait3A = arith.constant 0 : i32
      %dma_wait3A_22 = arith.constant 0 : i32
      %dma_wait3A_23 = tpu.memref_slice %arg2[%add3A, %dma_wait3A, %dma_wait3A_22] : memref<32x80x128xi32, #tpu.memory_space<hbm>> -> memref<1x80x128xi32, #tpu.memory_space<hbm>>
      %dma_wait3A_24 = tpu.memref_squeeze %dma_wait3A_23 : memref<1x80x128xi32, #tpu.memory_space<hbm>> -> memref<80x128xi32, #tpu.memory_space<hbm>>
      %dma_wait3A_25 = arith.constant 0 : i32
      %dma_wait3A_26 = arith.constant 0 : i32
      %dma_wait3A_27 = tpu.memref_slice %arg2[%add3A, %dma_wait3A_25, %dma_wait3A_26] : memref<32x80x128xi32, #tpu.memory_space<hbm>> -> memref<1x80x128xi32, #tpu.memory_space<hbm>>
      %dma_wait3A_28 = tpu.memref_squeeze %dma_wait3A_27 : memref<1x80x128xi32, #tpu.memory_space<hbm>> -> memref<80x128xi32, #tpu.memory_space<hbm>>
      tpu.wait_dma2 semaphore(%run_scoped3A : memref<!tpu.dma_semaphore, #tpu.memory_space<semaphore_mem>>) src(%dma_wait3A_28 : memref<80x128xi32, #tpu.memory_space<hbm>>) dst(%arg4 : memref<80x128xi32, #tpu.memory_space<vmem>>)
      tpu.yield
    }) : () -> ()
    %broadcast_in_dim3A = arith.constant 0.000000e+00 : f32
    %broadcast_in_dim3A_1 = vector.broadcast %broadcast_in_dim3A : f32 to vector<16xf32>
    %scan3A = arith.constant 0 : i32
    %scan3A_2 = arith.constant 0 : i32
    %scan3A_3 = arith.constant 640 : i32
    %scan3A_4 = arith.addi %scan3A_2, %scan3A_3 : i32
    %scan3A_5 = arith.constant 1 : i32
    scf.for %scan3A_15 = %scan3A_2 to %scan3A_4 step %scan3A_5  : i32 {
      %mul3A_16 = arith.constant 16 : i32
      %mul3A_17 = arith.muli %scan3A_15, %mul3A_16 : i32
      %swap3A = arith.index_cast %mul3A_17 : i32 to index
      %swap3A_18 = tpu.vector_load %arg5[%swap3A] {strides = array<i32>} : memref<10240xf32, #tpu.memory_space<vmem>>, vector<16xf32>,
      tpu.vector_store %arg5[%swap3A], %broadcast_in_dim3A_1 {strides = array<i32>} : memref<10240xf32, #tpu.memory_space<vmem>>, vector<16xf32>,
    }
    %scan3A_6 = arith.constant 640 : i32
    %broadcast_in_dim3A_7 = arith.constant 1.000000e+00 : f32
    %broadcast_in_dim3A_8 = vector.broadcast %broadcast_in_dim3A_7 : f32 to vector<16xf32>
    %scan3A_9 = arith.constant 0 : i32
    %scan3A_10 = arith.constant 0 : i32
    %scan3A_11 = arith.constant 80 : i32
    %scan3A_12 = arith.addi %scan3A_10, %scan3A_11 : i32
    %scan3A_13 = arith.constant 1 : i32
    scf.for %scan3A_15 = %scan3A_10 to %scan3A_12 step %scan3A_13  : i32 {
      %get3A = arith.index_cast %scan3A_15 : i32 to index
      %get3A_16 = arith.constant 0 : index
      %get3A_17 = tpu.vector_load %arg4[%get3A, %get3A_16] {strides = array<i32>} : memref<80x128xi32, #tpu.memory_space<vmem>>, vector<16xi32>,
      tpu.vector_store_idx %arg5[%get3A_17], %broadcast_in_dim3A_8 {add = true} : memref<10240xf32, #tpu.memory_space<vmem>>[vector<16xi32>], vector<16xf32>,
      %get3A_18 = arith.index_cast %scan3A_15 : i32 to index
      %get3A_19 = arith.constant 16 : index
      %get3A_20 = tpu.vector_load %arg4[%get3A_18, %get3A_19] {strides = array<i32>} : memref<80x128xi32, #tpu.memory_space<vmem>>, vector<16xi32>,
      tpu.vector_store_idx %arg5[%get3A_20], %broadcast_in_dim3A_8 {add = true} : memref<10240xf32, #tpu.memory_space<vmem>>[vector<16xi32>], vector<16xf32>,
      %get3A_21 = arith.index_cast %scan3A_15 : i32 to index
      %get3A_22 = arith.constant 32 : index
      %get3A_23 = tpu.vector_load %arg4[%get3A_21, %get3A_22] {strides = array<i32>} : memref<80x128xi32, #tpu.memory_space<vmem>>, vector<16xi32>,
      tpu.vector_store_idx %arg5[%get3A_23], %broadcast_in_dim3A_8 {add = true} : memref<10240xf32, #tpu.memory_space<vmem>>[vector<16xi32>], vector<16xf32>,
      %get3A_24 = arith.index_cast %scan3A_15 : i32 to index
      %get3A_25 = arith.constant 48 : index
      %get3A_26 = tpu.vector_load %arg4[%get3A_24, %get3A_25] {strides = array<i32>} : memref<80x128xi32, #tpu.memory_space<vmem>>, vector<16xi32>,
      tpu.vector_store_idx %arg5[%get3A_26], %broadcast_in_dim3A_8 {add = true} : memref<10240xf32, #tpu.memory_space<vmem>>[vector<16xi32>], vector<16xf32>,
      %get3A_27 = arith.index_cast %scan3A_15 : i32 to index
      %get3A_28 = arith.constant 64 : index
      %get3A_29 = tpu.vector_load %arg4[%get3A_27, %get3A_28] {strides = array<i32>} : memref<80x128xi32, #tpu.memory_space<vmem>>, vector<16xi32>,
      tpu.vector_store_idx %arg5[%get3A_29], %broadcast_in_dim3A_8 {add = true} : memref<10240xf32, #tpu.memory_space<vmem>>[vector<16xi32>], vector<16xf32>,
      %get3A_30 = arith.index_cast %scan3A_15 : i32 to index
      %get3A_31 = arith.constant 80 : index
      %get3A_32 = tpu.vector_load %arg4[%get3A_30, %get3A_31] {strides = array<i32>} : memref<80x128xi32, #tpu.memory_space<vmem>>, vector<16xi32>,
      tpu.vector_store_idx %arg5[%get3A_32], %broadcast_in_dim3A_8 {add = true} : memref<10240xf32, #tpu.memory_space<vmem>>[vector<16xi32>], vector<16xf32>,
      %get3A_33 = arith.index_cast %scan3A_15 : i32 to index
      %get3A_34 = arith.constant 96 : index
      %get3A_35 = tpu.vector_load %arg4[%get3A_33, %get3A_34] {strides = array<i32>} : memref<80x128xi32, #tpu.memory_space<vmem>>, vector<16xi32>,
      tpu.vector_store_idx %arg5[%get3A_35], %broadcast_in_dim3A_8 {add = true} : memref<10240xf32, #tpu.memory_space<vmem>>[vector<16xi32>], vector<16xf32>,
      %get3A_36 = arith.index_cast %scan3A_15 : i32 to index
      %get3A_37 = arith.constant 112 : index
      %get3A_38 = tpu.vector_load %arg4[%get3A_36, %get3A_37] {strides = array<i32>} : memref<80x128xi32, #tpu.memory_space<vmem>>, vector<16xi32>,
      tpu.vector_store_idx %arg5[%get3A_38], %broadcast_in_dim3A_8 {add = true} : memref<10240xf32, #tpu.memory_space<vmem>>[vector<16xi32>], vector<16xf32>,
    }
    %scan3A_14 = arith.constant 80 : i32
    "tpu.region"() ({
      %run_scoped3A = tpu.sem_alloc : memref<!tpu.dma_semaphore, #tpu.memory_space<semaphore_mem>>
      %dma_start3A = arith.constant 0 : i32
      %dma_start3A_15 = tpu.memref_slice %arg3[%add3A, %dma_start3A] : memref<32x10240xf32, #tpu.memory_space<hbm>> -> memref<1x10240xf32, #tpu.memory_space<hbm>>
      %dma_start3A_16 = tpu.memref_squeeze %dma_start3A_15 : memref<1x10240xf32, #tpu.memory_space<hbm>> -> memref<10240xf32, #tpu.memory_space<hbm>>
      %dma_start3A_17 = arith.constant 0 : i32
      %dma_start3A_18 = tpu.memref_slice %arg3[%add3A, %dma_start3A_17] : memref<32x10240xf32, #tpu.memory_space<hbm>> -> memref<1x10240xf32, #tpu.memory_space<hbm>>
      %dma_start3A_19 = tpu.memref_squeeze %dma_start3A_18 : memref<1x10240xf32, #tpu.memory_space<hbm>> -> memref<10240xf32, #tpu.memory_space<hbm>>
      tpu.enqueue_dma source(%arg5 : memref<10240xf32, #tpu.memory_space<vmem>>) target(%dma_start3A_19 : memref<10240xf32, #tpu.memory_space<hbm>>) target_semaphore(%run_scoped3A : memref<!tpu.dma_semaphore, #tpu.memory_space<semaphore_mem>>)
      %dma_wait3A = arith.constant 0 : i32
      %dma_wait3A_20 = tpu.memref_slice %arg3[%add3A, %dma_wait3A] : memref<32x10240xf32, #tpu.memory_space<hbm>> -> memref<1x10240xf32, #tpu.memory_space<hbm>>
      %dma_wait3A_21 = tpu.memref_squeeze %dma_wait3A_20 : memref<1x10240xf32, #tpu.memory_space<hbm>> -> memref<10240xf32, #tpu.memory_space<hbm>>
      %dma_wait3A_22 = arith.constant 0 : i32
      %dma_wait3A_23 = tpu.memref_slice %arg3[%add3A, %dma_wait3A_22] : memref<32x10240xf32, #tpu.memory_space<hbm>> -> memref<1x10240xf32, #tpu.memory_space<hbm>>
      %dma_wait3A_24 = tpu.memref_squeeze %dma_wait3A_23 : memref<1x10240xf32, #tpu.memory_space<hbm>> -> memref<10240xf32, #tpu.memory_space<hbm>>
      tpu.wait_dma2 semaphore(%run_scoped3A : memref<!tpu.dma_semaphore, #tpu.memory_space<semaphore_mem>>) src(%arg5 : memref<10240xf32, #tpu.memory_space<vmem>>) dst(%dma_wait3A_24 : memref<10240xf32, #tpu.memory_space<hbm>>)
      tpu.yield
    }) : () -> ()
    return
  }
}

#map = affine_map<(d0, d1) -> (0, 0)>
#map1 = affine_map<(d0, d1) -> (0, 0, 0)>
module attributes {stable_mosaic.version = 14 : i64} {
  func.func @body(%arg0: i32, %arg1: i32, %arg2: memref<10000x64xf32, #tpu.memory_space<hbm>>, %arg3: memref<32x80x128xi32, #tpu.memory_space<hbm>>, %arg4: memref<32x80x128xi32, #tpu.memory_space<hbm>>, %arg5: memref<2x10240x64xf32, #tpu.memory_space<hbm>>, %arg6: memref<40x128xi32, #tpu.memory_space<vmem>>, %arg7: memref<40x128xi32, #tpu.memory_space<vmem>>, %arg8: memref<128x64xf32, #tpu.memory_space<vmem>>, %arg9: memref<128x64xf32, #tpu.memory_space<vmem>>, %arg10: memref<128x64xf32, #tpu.memory_space<vmem>>, %arg11: memref<128x64xf32, #tpu.memory_space<vmem>>, %arg12: memref<10240x64xf32, #tpu.memory_space<vmem_shared>>, %arg13: memref<!tpu.dma_semaphore, #tpu.memory_space<semaphore_mem>>, %arg14: memref<!tpu.dma_semaphore, #tpu.memory_space<semaphore_mem>>, %arg15: memref<!tpu.dma_semaphore, #tpu.memory_space<semaphore_mem>>, %arg16: memref<!tpu.dma_semaphore, #tpu.memory_space<semaphore_mem>>) attributes {dimension_semantics = [#tpu.dimension_semantics<core_parallel>, #tpu.dimension_semantics<subcore_parallel>], iteration_bounds = array<i64: 2, 16>, scalar_prefetch = 0 : i64, scratch_operands = 11 : i64, tpu.core_type = #tpu.core_type<sc_vector_subcore>, window_params = [{transform_indices = #map}, {transform_indices = #map1}, {transform_indices = #map1}, {transform_indices = #map1}]} {
    %mul3A = arith.constant 2 : i32
    %mul3A_0 = arith.muli %arg1, %mul3A : i32
    %add3A = arith.addi %mul3A_0, %arg0 : i32
    %broadcast_in_dim3A = arith.constant 0.000000e+00 : f32
    %broadcast_in_dim3A_1 = vector.broadcast %broadcast_in_dim3A : f32 to vector<16xf32>
    %scan3A = arith.constant 0 : i32
    %scan3A_2 = arith.constant 0 : i32
    %scan3A_3 = arith.constant 128 : i32
    %scan3A_4 = arith.addi %scan3A_2, %scan3A_3 : i32
    %scan3A_5 = arith.constant 1 : i32
    scf.for %scan3A_97 = %scan3A_2 to %scan3A_4 step %scan3A_5  : i32 {
      %swap3A = arith.index_cast %scan3A_97 : i32 to index
      %swap3A_98 = arith.constant 0 : index
      %swap3A_99 = tpu.vector_load %arg8[%swap3A, %swap3A_98] {strides = array<i32>} : memref<128x64xf32, #tpu.memory_space<vmem>>, vector<16xf32>,
      tpu.vector_store %arg8[%swap3A, %swap3A_98], %broadcast_in_dim3A_1 {strides = array<i32>} : memref<128x64xf32, #tpu.memory_space<vmem>>, vector<16xf32>,
      %swap3A_100 = arith.index_cast %scan3A_97 : i32 to index
      %swap3A_101 = arith.constant 16 : index
      %swap3A_102 = tpu.vector_load %arg8[%swap3A_100, %swap3A_101] {strides = array<i32>} : memref<128x64xf32, #tpu.memory_space<vmem>>, vector<16xf32>,
      tpu.vector_store %arg8[%swap3A_100, %swap3A_101], %broadcast_in_dim3A_1 {strides = array<i32>} : memref<128x64xf32, #tpu.memory_space<vmem>>, vector<16xf32>,
      %swap3A_103 = arith.index_cast %scan3A_97 : i32 to index
      %swap3A_104 = arith.constant 32 : index
      %swap3A_105 = tpu.vector_load %arg8[%swap3A_103, %swap3A_104] {strides = array<i32>} : memref<128x64xf32, #tpu.memory_space<vmem>>, vector<16xf32>,
      tpu.vector_store %arg8[%swap3A_103, %swap3A_104], %broadcast_in_dim3A_1 {strides = array<i32>} : memref<128x64xf32, #tpu.memory_space<vmem>>, vector<16xf32>,
      %swap3A_106 = arith.index_cast %scan3A_97 : i32 to index
      %swap3A_107 = arith.constant 48 : index
      %swap3A_108 = tpu.vector_load %arg8[%swap3A_106, %swap3A_107] {strides = array<i32>} : memref<128x64xf32, #tpu.memory_space<vmem>>, vector<16xf32>,
      tpu.vector_store %arg8[%swap3A_106, %swap3A_107], %broadcast_in_dim3A_1 {strides = array<i32>} : memref<128x64xf32, #tpu.memory_space<vmem>>, vector<16xf32>,
    }
    %scan3A_6 = arith.constant 128 : i32
    %mul3A_7 = arith.constant 640 : i32
    %mul3A_8 = arith.muli %arg1, %mul3A_7 : i32
    %add3A_9 = arith.constant 0 : i32
    %add3A_10 = arith.addi %mul3A_8, %add3A_9 : i32
    "tpu.region"() ({
      %run_scoped3A = tpu.sem_alloc : memref<!tpu.dma_semaphore, #tpu.memory_space<semaphore_mem>>
      %dma_start3A_97 = arith.constant 0 : i32
      %dma_start3A_98 = tpu.memref_slice %arg12[%add3A_10, %dma_start3A_97] : memref<10240x64xf32, #tpu.memory_space<vmem_shared>> -> memref<128x64xf32, #tpu.memory_space<vmem_shared>>
      %dma_start3A_99 = arith.constant 0 : i32
      %dma_start3A_100 = tpu.memref_slice %arg12[%add3A_10, %dma_start3A_99] : memref<10240x64xf32, #tpu.memory_space<vmem_shared>> -> memref<128x64xf32, #tpu.memory_space<vmem_shared>>
      tpu.enqueue_dma source(%arg8 : memref<128x64xf32, #tpu.memory_space<vmem>>) target(%dma_start3A_100 : memref<128x64xf32, #tpu.memory_space<vmem_shared>>) target_semaphore(%run_scoped3A : memref<!tpu.dma_semaphore, #tpu.memory_space<semaphore_mem>>)
      %dma_wait3A = arith.constant 0 : i32
      %dma_wait3A_101 = tpu.memref_slice %arg12[%add3A_10, %dma_wait3A] : memref<10240x64xf32, #tpu.memory_space<vmem_shared>> -> memref<128x64xf32, #tpu.memory_space<vmem_shared>>
      %dma_wait3A_102 = arith.constant 0 : i32
      %dma_wait3A_103 = tpu.memref_slice %arg12[%add3A_10, %dma_wait3A_102] : memref<10240x64xf32, #tpu.memory_space<vmem_shared>> -> memref<128x64xf32, #tpu.memory_space<vmem_shared>>
      tpu.wait_dma2 semaphore(%run_scoped3A : memref<!tpu.dma_semaphore, #tpu.memory_space<semaphore_mem>>) src(%arg8 : memref<128x64xf32, #tpu.memory_space<vmem>>) dst(%dma_wait3A_103 : memref<128x64xf32, #tpu.memory_space<vmem_shared>>)
      tpu.yield
    }) : () -> ()
    %mul3A_11 = arith.constant 640 : i32
    %mul3A_12 = arith.muli %arg1, %mul3A_11 : i32
    %add3A_13 = arith.constant 128 : i32
    %add3A_14 = arith.addi %mul3A_12, %add3A_13 : i32
    "tpu.region"() ({
      %run_scoped3A = tpu.sem_alloc : memref<!tpu.dma_semaphore, #tpu.memory_space<semaphore_mem>>
      %dma_start3A_97 = arith.constant 0 : i32
      %dma_start3A_98 = tpu.memref_slice %arg12[%add3A_14, %dma_start3A_97] : memref<10240x64xf32, #tpu.memory_space<vmem_shared>> -> memref<128x64xf32, #tpu.memory_space<vmem_shared>>
      %dma_start3A_99 = arith.constant 0 : i32
      %dma_start3A_100 = tpu.memref_slice %arg12[%add3A_14, %dma_start3A_99] : memref<10240x64xf32, #tpu.memory_space<vmem_shared>> -> memref<128x64xf32, #tpu.memory_space<vmem_shared>>
      tpu.enqueue_dma source(%arg8 : memref<128x64xf32, #tpu.memory_space<vmem>>) target(%dma_start3A_100 : memref<128x64xf32, #tpu.memory_space<vmem_shared>>) target_semaphore(%run_scoped3A : memref<!tpu.dma_semaphore, #tpu.memory_space<semaphore_mem>>)
      %dma_wait3A = arith.constant 0 : i32
      %dma_wait3A_101 = tpu.memref_slice %arg12[%add3A_14, %dma_wait3A] : memref<10240x64xf32, #tpu.memory_space<vmem_shared>> -> memref<128x64xf32, #tpu.memory_space<vmem_shared>>
      %dma_wait3A_102 = arith.constant 0 : i32
      %dma_wait3A_103 = tpu.memref_slice %arg12[%add3A_14, %dma_wait3A_102] : memref<10240x64xf32, #tpu.memory_space<vmem_shared>> -> memref<128x64xf32, #tpu.memory_space<vmem_shared>>
      tpu.wait_dma2 semaphore(%run_scoped3A : memref<!tpu.dma_semaphore, #tpu.memory_space<semaphore_mem>>) src(%arg8 : memref<128x64xf32, #tpu.memory_space<vmem>>) dst(%dma_wait3A_103 : memref<128x64xf32, #tpu.memory_space<vmem_shared>>)
      tpu.yield
    }) : () -> ()
    %mul3A_15 = arith.constant 640 : i32
    %mul3A_16 = arith.muli %arg1, %mul3A_15 : i32
    %add3A_17 = arith.constant 256 : i32
    %add3A_18 = arith.addi %mul3A_16, %add3A_17 : i32
    "tpu.region"() ({
      %run_scoped3A = tpu.sem_alloc : memref<!tpu.dma_semaphore, #tpu.memory_space<semaphore_mem>>
      %dma_start3A_97 = arith.constant 0 : i32
      %dma_start3A_98 = tpu.memref_slice %arg12[%add3A_18, %dma_start3A_97] : memref<10240x64xf32, #tpu.memory_space<vmem_shared>> -> memref<128x64xf32, #tpu.memory_space<vmem_shared>>
      %dma_start3A_99 = arith.constant 0 : i32
      %dma_start3A_100 = tpu.memref_slice %arg12[%add3A_18, %dma_start3A_99] : memref<10240x64xf32, #tpu.memory_space<vmem_shared>> -> memref<128x64xf32, #tpu.memory_space<vmem_shared>>
      tpu.enqueue_dma source(%arg8 : memref<128x64xf32, #tpu.memory_space<vmem>>) target(%dma_start3A_100 : memref<128x64xf32, #tpu.memory_space<vmem_shared>>) target_semaphore(%run_scoped3A : memref<!tpu.dma_semaphore, #tpu.memory_space<semaphore_mem>>)
      %dma_wait3A = arith.constant 0 : i32
      %dma_wait3A_101 = tpu.memref_slice %arg12[%add3A_18, %dma_wait3A] : memref<10240x64xf32, #tpu.memory_space<vmem_shared>> -> memref<128x64xf32, #tpu.memory_space<vmem_shared>>
      %dma_wait3A_102 = arith.constant 0 : i32
      %dma_wait3A_103 = tpu.memref_slice %arg12[%add3A_18, %dma_wait3A_102] : memref<10240x64xf32, #tpu.memory_space<vmem_shared>> -> memref<128x64xf32, #tpu.memory_space<vmem_shared>>
      tpu.wait_dma2 semaphore(%run_scoped3A : memref<!tpu.dma_semaphore, #tpu.memory_space<semaphore_mem>>) src(%arg8 : memref<128x64xf32, #tpu.memory_space<vmem>>) dst(%dma_wait3A_103 : memref<128x64xf32, #tpu.memory_space<vmem_shared>>)
      tpu.yield
    }) : () -> ()
    %mul3A_19 = arith.constant 640 : i32
    %mul3A_20 = arith.muli %arg1, %mul3A_19 : i32
    %add3A_21 = arith.constant 384 : i32
    %add3A_22 = arith.addi %mul3A_20, %add3A_21 : i32
    "tpu.region"() ({
      %run_scoped3A = tpu.sem_alloc : memref<!tpu.dma_semaphore, #tpu.memory_space<semaphore_mem>>
      %dma_start3A_97 = arith.constant 0 : i32
      %dma_start3A_98 = tpu.memref_slice %arg12[%add3A_22, %dma_start3A_97] : memref<10240x64xf32, #tpu.memory_space<vmem_shared>> -> memref<128x64xf32, #tpu.memory_space<vmem_shared>>
      %dma_start3A_99 = arith.constant 0 : i32
      %dma_start3A_100 = tpu.memref_slice %arg12[%add3A_22, %dma_start3A_99] : memref<10240x64xf32, #tpu.memory_space<vmem_shared>> -> memref<128x64xf32, #tpu.memory_space<vmem_shared>>
      tpu.enqueue_dma source(%arg8 : memref<128x64xf32, #tpu.memory_space<vmem>>) target(%dma_start3A_100 : memref<128x64xf32, #tpu.memory_space<vmem_shared>>) target_semaphore(%run_scoped3A : memref<!tpu.dma_semaphore, #tpu.memory_space<semaphore_mem>>)
      %dma_wait3A = arith.constant 0 : i32
      %dma_wait3A_101 = tpu.memref_slice %arg12[%add3A_22, %dma_wait3A] : memref<10240x64xf32, #tpu.memory_space<vmem_shared>> -> memref<128x64xf32, #tpu.memory_space<vmem_shared>>
      %dma_wait3A_102 = arith.constant 0 : i32
      %dma_wait3A_103 = tpu.memref_slice %arg12[%add3A_22, %dma_wait3A_102] : memref<10240x64xf32, #tpu.memory_space<vmem_shared>> -> memref<128x64xf32, #tpu.memory_space<vmem_shared>>
      tpu.wait_dma2 semaphore(%run_scoped3A : memref<!tpu.dma_semaphore, #tpu.memory_space<semaphore_mem>>) src(%arg8 : memref<128x64xf32, #tpu.memory_space<vmem>>) dst(%dma_wait3A_103 : memref<128x64xf32, #tpu.memory_space<vmem_shared>>)
      tpu.yield
    }) : () -> ()
    %mul3A_23 = arith.constant 640 : i32
    %mul3A_24 = arith.muli %arg1, %mul3A_23 : i32
    %add3A_25 = arith.constant 512 : i32
    %add3A_26 = arith.addi %mul3A_24, %add3A_25 : i32
    "tpu.region"() ({
      %run_scoped3A = tpu.sem_alloc : memref<!tpu.dma_semaphore, #tpu.memory_space<semaphore_mem>>
      %dma_start3A_97 = arith.constant 0 : i32
      %dma_start3A_98 = tpu.memref_slice %arg12[%add3A_26, %dma_start3A_97] : memref<10240x64xf32, #tpu.memory_space<vmem_shared>> -> memref<128x64xf32, #tpu.memory_space<vmem_shared>>
      %dma_start3A_99 = arith.constant 0 : i32
      %dma_start3A_100 = tpu.memref_slice %arg12[%add3A_26, %dma_start3A_99] : memref<10240x64xf32, #tpu.memory_space<vmem_shared>> -> memref<128x64xf32, #tpu.memory_space<vmem_shared>>
      tpu.enqueue_dma source(%arg8 : memref<128x64xf32, #tpu.memory_space<vmem>>) target(%dma_start3A_100 : memref<128x64xf32, #tpu.memory_space<vmem_shared>>) target_semaphore(%run_scoped3A : memref<!tpu.dma_semaphore, #tpu.memory_space<semaphore_mem>>)
      %dma_wait3A = arith.constant 0 : i32
      %dma_wait3A_101 = tpu.memref_slice %arg12[%add3A_26, %dma_wait3A] : memref<10240x64xf32, #tpu.memory_space<vmem_shared>> -> memref<128x64xf32, #tpu.memory_space<vmem_shared>>
      %dma_wait3A_102 = arith.constant 0 : i32
      %dma_wait3A_103 = tpu.memref_slice %arg12[%add3A_26, %dma_wait3A_102] : memref<10240x64xf32, #tpu.memory_space<vmem_shared>> -> memref<128x64xf32, #tpu.memory_space<vmem_shared>>
      tpu.wait_dma2 semaphore(%run_scoped3A : memref<!tpu.dma_semaphore, #tpu.memory_space<semaphore_mem>>) src(%arg8 : memref<128x64xf32, #tpu.memory_space<vmem>>) dst(%dma_wait3A_103 : memref<128x64xf32, #tpu.memory_space<vmem_shared>>)
      tpu.yield
    }) : () -> ()
    %barrier3A = arith.constant 0 : index
    tpu.barrier barrier_id(%barrier3A)
    "tpu.region"() ({
      %run_scoped3A = tpu.sem_alloc : memref<!tpu.dma_semaphore, #tpu.memory_space<semaphore_mem>>
      %dma_start3A_97 = arith.constant 0 : i32
      %dma_start3A_98 = arith.constant 0 : i32
      %dma_start3A_99 = tpu.memref_slice %arg3[%add3A, %dma_start3A_97, %dma_start3A_98] : memref<32x80x128xi32, #tpu.memory_space<hbm>> -> memref<1x40x128xi32, #tpu.memory_space<hbm>>
      %dma_start3A_100 = tpu.memref_squeeze %dma_start3A_99 : memref<1x40x128xi32, #tpu.memory_space<hbm>> -> memref<40x128xi32, #tpu.memory_space<hbm>>
      %dma_start3A_101 = arith.constant 0 : i32
      %dma_start3A_102 = arith.constant 0 : i32
      %dma_start3A_103 = tpu.memref_slice %arg3[%add3A, %dma_start3A_101, %dma_start3A_102] : memref<32x80x128xi32, #tpu.memory_space<hbm>> -> memref<1x40x128xi32, #tpu.memory_space<hbm>>
      %dma_start3A_104 = tpu.memref_squeeze %dma_start3A_103 : memref<1x40x128xi32, #tpu.memory_space<hbm>> -> memref<40x128xi32, #tpu.memory_space<hbm>>
      tpu.enqueue_dma source(%dma_start3A_104 : memref<40x128xi32, #tpu.memory_space<hbm>>) target(%arg6 : memref<40x128xi32, #tpu.memory_space<vmem>>) target_semaphore(%run_scoped3A : memref<!tpu.dma_semaphore, #tpu.memory_space<semaphore_mem>>)
      %dma_wait3A = arith.constant 0 : i32
      %dma_wait3A_105 = arith.constant 0 : i32
      %dma_wait3A_106 = tpu.memref_slice %arg3[%add3A, %dma_wait3A, %dma_wait3A_105] : memref<32x80x128xi32, #tpu.memory_space<hbm>> -> memref<1x40x128xi32, #tpu.memory_space<hbm>>
      %dma_wait3A_107 = tpu.memref_squeeze %dma_wait3A_106 : memref<1x40x128xi32, #tpu.memory_space<hbm>> -> memref<40x128xi32, #tpu.memory_space<hbm>>
      %dma_wait3A_108 = arith.constant 0 : i32
      %dma_wait3A_109 = arith.constant 0 : i32
      %dma_wait3A_110 = tpu.memref_slice %arg3[%add3A, %dma_wait3A_108, %dma_wait3A_109] : memref<32x80x128xi32, #tpu.memory_space<hbm>> -> memref<1x40x128xi32, #tpu.memory_space<hbm>>
      %dma_wait3A_111 = tpu.memref_squeeze %dma_wait3A_110 : memref<1x40x128xi32, #tpu.memory_space<hbm>> -> memref<40x128xi32, #tpu.memory_space<hbm>>
      tpu.wait_dma2 semaphore(%run_scoped3A : memref<!tpu.dma_semaphore, #tpu.memory_space<semaphore_mem>>) src(%dma_wait3A_111 : memref<40x128xi32, #tpu.memory_space<hbm>>) dst(%arg6 : memref<40x128xi32, #tpu.memory_space<vmem>>)
      tpu.yield
    }) : () -> ()
    "tpu.region"() ({
      %run_scoped3A = tpu.sem_alloc : memref<!tpu.dma_semaphore, #tpu.memory_space<semaphore_mem>>
      %dma_start3A_97 = arith.constant 0 : i32
      %dma_start3A_98 = arith.constant 0 : i32
      %dma_start3A_99 = tpu.memref_slice %arg4[%add3A, %dma_start3A_97, %dma_start3A_98] : memref<32x80x128xi32, #tpu.memory_space<hbm>> -> memref<1x40x128xi32, #tpu.memory_space<hbm>>
      %dma_start3A_100 = tpu.memref_squeeze %dma_start3A_99 : memref<1x40x128xi32, #tpu.memory_space<hbm>> -> memref<40x128xi32, #tpu.memory_space<hbm>>
      %dma_start3A_101 = arith.constant 0 : i32
      %dma_start3A_102 = arith.constant 0 : i32
      %dma_start3A_103 = tpu.memref_slice %arg4[%add3A, %dma_start3A_101, %dma_start3A_102] : memref<32x80x128xi32, #tpu.memory_space<hbm>> -> memref<1x40x128xi32, #tpu.memory_space<hbm>>
      %dma_start3A_104 = tpu.memref_squeeze %dma_start3A_103 : memref<1x40x128xi32, #tpu.memory_space<hbm>> -> memref<40x128xi32, #tpu.memory_space<hbm>>
      tpu.enqueue_dma source(%dma_start3A_104 : memref<40x128xi32, #tpu.memory_space<hbm>>) target(%arg7 : memref<40x128xi32, #tpu.memory_space<vmem>>) target_semaphore(%run_scoped3A : memref<!tpu.dma_semaphore, #tpu.memory_space<semaphore_mem>>)
      %dma_wait3A = arith.constant 0 : i32
      %dma_wait3A_105 = arith.constant 0 : i32
      %dma_wait3A_106 = tpu.memref_slice %arg4[%add3A, %dma_wait3A, %dma_wait3A_105] : memref<32x80x128xi32, #tpu.memory_space<hbm>> -> memref<1x40x128xi32, #tpu.memory_space<hbm>>
      %dma_wait3A_107 = tpu.memref_squeeze %dma_wait3A_106 : memref<1x40x128xi32, #tpu.memory_space<hbm>> -> memref<40x128xi32, #tpu.memory_space<hbm>>
      %dma_wait3A_108 = arith.constant 0 : i32
      %dma_wait3A_109 = arith.constant 0 : i32
      %dma_wait3A_110 = tpu.memref_slice %arg4[%add3A, %dma_wait3A_108, %dma_wait3A_109] : memref<32x80x128xi32, #tpu.memory_space<hbm>> -> memref<1x40x128xi32, #tpu.memory_space<hbm>>
      %dma_wait3A_111 = tpu.memref_squeeze %dma_wait3A_110 : memref<1x40x128xi32, #tpu.memory_space<hbm>> -> memref<40x128xi32, #tpu.memory_space<hbm>>
      tpu.wait_dma2 semaphore(%run_scoped3A : memref<!tpu.dma_semaphore, #tpu.memory_space<semaphore_mem>>) src(%dma_wait3A_111 : memref<40x128xi32, #tpu.memory_space<hbm>>) dst(%arg7 : memref<40x128xi32, #tpu.memory_space<vmem>>)
      tpu.yield
    }) : () -> ()
    %dma_start3A = arith.constant 0 : i32
    %dma_start3A_27 = arith.constant 0 : i32
    %dma_start3A_28 = tpu.memref_slice %arg6[%dma_start3A, %dma_start3A_27] : memref<40x128xi32, #tpu.memory_space<vmem>> -> memref<1x128xi32, #tpu.memory_space<vmem>>
    %dma_start3A_29 = tpu.memref_squeeze %dma_start3A_28 : memref<1x128xi32, #tpu.memory_space<vmem>> -> memref<128xi32, #tpu.memory_space<vmem>>
    %dma_start3A_30 = arith.constant 0 : i32
    %dma_start3A_31 = arith.constant 0 : i32
    %dma_start3A_32 = tpu.memref_slice %arg2[%dma_start3A_30, %dma_start3A_31] : memref<10000x64xf32, #tpu.memory_space<hbm>> -> memref<10000x64xf32, #tpu.memory_space<hbm>>
    tpu.enqueue_indirect_dma source(%dma_start3A_32 : memref<10000x64xf32, #tpu.memory_space<hbm>>) target(%arg8 : memref<128x64xf32, #tpu.memory_space<vmem>>) offsets(%dma_start3A_29 : memref<128xi32, #tpu.memory_space<vmem>>) semaphore(%arg13 : memref<!tpu.dma_semaphore, #tpu.memory_space<semaphore_mem>>)
    %dma_start3A_33 = arith.constant 1 : i32
    %dma_start3A_34 = arith.constant 0 : i32
    %dma_start3A_35 = tpu.memref_slice %arg6[%dma_start3A_33, %dma_start3A_34] : memref<40x128xi32, #tpu.memory_space<vmem>> -> memref<1x128xi32, #tpu.memory_space<vmem>>
    %dma_start3A_36 = tpu.memref_squeeze %dma_start3A_35 : memref<1x128xi32, #tpu.memory_space<vmem>> -> memref<128xi32, #tpu.memory_space<vmem>>
    %dma_start3A_37 = arith.constant 0 : i32
    %dma_start3A_38 = arith.constant 0 : i32
    %dma_start3A_39 = tpu.memref_slice %arg2[%dma_start3A_37, %dma_start3A_38] : memref<10000x64xf32, #tpu.memory_space<hbm>> -> memref<10000x64xf32, #tpu.memory_space<hbm>>
    tpu.enqueue_indirect_dma source(%dma_start3A_39 : memref<10000x64xf32, #tpu.memory_space<hbm>>) target(%arg9 : memref<128x64xf32, #tpu.memory_space<vmem>>) offsets(%dma_start3A_36 : memref<128xi32, #tpu.memory_space<vmem>>) semaphore(%arg14 : memref<!tpu.dma_semaphore, #tpu.memory_space<semaphore_mem>>)
    %dma_start3A_40 = arith.constant 2 : i32
    %dma_start3A_41 = arith.constant 0 : i32
    %dma_start3A_42 = tpu.memref_slice %arg6[%dma_start3A_40, %dma_start3A_41] : memref<40x128xi32, #tpu.memory_space<vmem>> -> memref<1x128xi32, #tpu.memory_space<vmem>>
    %dma_start3A_43 = tpu.memref_squeeze %dma_start3A_42 : memref<1x128xi32, #tpu.memory_space<vmem>> -> memref<128xi32, #tpu.memory_space<vmem>>
    %dma_start3A_44 = arith.constant 0 : i32
    %dma_start3A_45 = arith.constant 0 : i32
    %dma_start3A_46 = tpu.memref_slice %arg2[%dma_start3A_44, %dma_start3A_45] : memref<10000x64xf32, #tpu.memory_space<hbm>> -> memref<10000x64xf32, #tpu.memory_space<hbm>>
    tpu.enqueue_indirect_dma source(%dma_start3A_46 : memref<10000x64xf32, #tpu.memory_space<hbm>>) target(%arg10 : memref<128x64xf32, #tpu.memory_space<vmem>>) offsets(%dma_start3A_43 : memref<128xi32, #tpu.memory_space<vmem>>) semaphore(%arg15 : memref<!tpu.dma_semaphore, #tpu.memory_space<semaphore_mem>>)
    %dma_start3A_47 = arith.constant 3 : i32
    %dma_start3A_48 = arith.constant 0 : i32
    %dma_start3A_49 = tpu.memref_slice %arg6[%dma_start3A_47, %dma_start3A_48] : memref<40x128xi32, #tpu.memory_space<vmem>> -> memref<1x128xi32, #tpu.memory_space<vmem>>
    %dma_start3A_50 = tpu.memref_squeeze %dma_start3A_49 : memref<1x128xi32, #tpu.memory_space<vmem>> -> memref<128xi32, #tpu.memory_space<vmem>>
    %dma_start3A_51 = arith.constant 0 : i32
    %dma_start3A_52 = arith.constant 0 : i32
    %dma_start3A_53 = tpu.memref_slice %arg2[%dma_start3A_51, %dma_start3A_52] : memref<10000x64xf32, #tpu.memory_space<hbm>> -> memref<10000x64xf32, #tpu.memory_space<hbm>>
    tpu.enqueue_indirect_dma source(%dma_start3A_53 : memref<10000x64xf32, #tpu.memory_space<hbm>>) target(%arg11 : memref<128x64xf32, #tpu.memory_space<vmem>>) offsets(%dma_start3A_50 : memref<128xi32, #tpu.memory_space<vmem>>) semaphore(%arg16 : memref<!tpu.dma_semaphore, #tpu.memory_space<semaphore_mem>>)
    %scan3A_54 = arith.constant 0 : i32
    %scan3A_55 = arith.constant 0 : i32
    %scan3A_56 = arith.constant 10 : i32
    %scan3A_57 = arith.addi %scan3A_55, %scan3A_56 : i32
    %scan3A_58 = arith.constant 1 : i32
    scf.for %scan3A_97 = %scan3A_55 to %scan3A_57 step %scan3A_58  : i32 {
      %mul3A_98 = arith.constant 4 : i32
      %mul3A_99 = arith.muli %mul3A_98, %scan3A_97 : i32
      %add3A_100 = arith.constant 0 : i32
      %add3A_101 = arith.addi %mul3A_99, %add3A_100 : i32
      %dma_wait3A = arith.constant 0 : i32
      %dma_wait3A_102 = tpu.memref_slice %arg6[%add3A_101, %dma_wait3A] : memref<40x128xi32, #tpu.memory_space<vmem>> -> memref<1x128xi32, #tpu.memory_space<vmem>>
      %dma_wait3A_103 = tpu.memref_squeeze %dma_wait3A_102 : memref<1x128xi32, #tpu.memory_space<vmem>> -> memref<128xi32, #tpu.memory_space<vmem>>
      %dma_wait3A_104 = arith.constant 0 : i32
      %dma_wait3A_105 = arith.constant 0 : i32
      %dma_wait3A_106 = tpu.memref_slice %arg2[%dma_wait3A_104, %dma_wait3A_105] : memref<10000x64xf32, #tpu.memory_space<hbm>> -> memref<10000x64xf32, #tpu.memory_space<hbm>>
      tpu.wait_indirect_dma semaphore(%arg13 : memref<!tpu.dma_semaphore, #tpu.memory_space<semaphore_mem>>) src(%dma_wait3A_106 : memref<10000x64xf32, #tpu.memory_space<hbm>>) dst(%arg8 : memref<128x64xf32, #tpu.memory_space<vmem>>)
      "tpu.region"() ({
        %run_scoped3A = tpu.sem_alloc : memref<!tpu.dma_semaphore, #tpu.memory_space<semaphore_mem>>
        %dma_start3A_156 = arith.constant 0 : i32
        %dma_start3A_157 = tpu.memref_slice %arg7[%add3A_101, %dma_start3A_156] : memref<40x128xi32, #tpu.memory_space<vmem>> -> memref<1x128xi32, #tpu.memory_space<vmem>>
        %dma_start3A_158 = tpu.memref_squeeze %dma_start3A_157 : memref<1x128xi32, #tpu.memory_space<vmem>> -> memref<128xi32, #tpu.memory_space<vmem>>
        %dma_start3A_159 = arith.constant 0 : i32
        %dma_start3A_160 = arith.constant 0 : i32
        %dma_start3A_161 = tpu.memref_slice %arg12[%dma_start3A_159, %dma_start3A_160] : memref<10240x64xf32, #tpu.memory_space<vmem_shared>> -> memref<10240x64xf32, #tpu.memory_space<vmem_shared>>
        tpu.enqueue_indirect_dma source(%arg8 : memref<128x64xf32, #tpu.memory_space<vmem>>) target(%dma_start3A_161 : memref<10240x64xf32, #tpu.memory_space<vmem_shared>>) offsets(%dma_start3A_158 : memref<128xi32, #tpu.memory_space<vmem>>) semaphore(%run_scoped3A : memref<!tpu.dma_semaphore, #tpu.memory_space<semaphore_mem>>) {add = true}
        %dma_wait3A_162 = arith.constant 0 : i32
        %dma_wait3A_163 = tpu.memref_slice %arg7[%add3A_101, %dma_wait3A_162] : memref<40x128xi32, #tpu.memory_space<vmem>> -> memref<1x128xi32, #tpu.memory_space<vmem>>
        %dma_wait3A_164 = tpu.memref_squeeze %dma_wait3A_163 : memref<1x128xi32, #tpu.memory_space<vmem>> -> memref<128xi32, #tpu.memory_space<vmem>>
        %dma_wait3A_165 = arith.constant 0 : i32
        %dma_wait3A_166 = arith.constant 0 : i32
        %dma_wait3A_167 = tpu.memref_slice %arg12[%dma_wait3A_165, %dma_wait3A_166] : memref<10240x64xf32, #tpu.memory_space<vmem_shared>> -> memref<10240x64xf32, #tpu.memory_space<vmem_shared>>
        tpu.wait_indirect_dma semaphore(%run_scoped3A : memref<!tpu.dma_semaphore, #tpu.memory_space<semaphore_mem>>) src(%arg8 : memref<128x64xf32, #tpu.memory_space<vmem>>) dst(%dma_wait3A_167 : memref<10240x64xf32, #tpu.memory_space<vmem_shared>>)
        tpu.yield
      }) : () -> ()
      %add3A_107 = arith.constant 1 : i32
      %add3A_108 = arith.addi %scan3A_97, %add3A_107 : i32
      %lt3A = arith.constant 10 : i32
      %lt3A_109 = arith.cmpi slt, %add3A_108, %lt3A : i32
      %convert_element_type3A = arith.extui %lt3A_109 : i1 to i32
      %cond3A = arith.constant 0 : i32
      %cond3A_110 = arith.cmpi ne, %convert_element_type3A, %cond3A : i32
      scf.if %cond3A_110 {
        %add3A_156 = arith.constant 4 : i32
        %add3A_157 = arith.addi %add3A_101, %add3A_156 : i32
        %dma_start3A_158 = arith.constant 0 : i32
        %dma_start3A_159 = tpu.memref_slice %arg6[%add3A_157, %dma_start3A_158] : memref<40x128xi32, #tpu.memory_space<vmem>> -> memref<1x128xi32, #tpu.memory_space<vmem>>
        %dma_start3A_160 = tpu.memref_squeeze %dma_start3A_159 : memref<1x128xi32, #tpu.memory_space<vmem>> -> memref<128xi32, #tpu.memory_space<vmem>>
        %dma_start3A_161 = arith.constant 0 : i32
        %dma_start3A_162 = arith.constant 0 : i32
        %dma_start3A_163 = tpu.memref_slice %arg2[%dma_start3A_161, %dma_start3A_162] : memref<10000x64xf32, #tpu.memory_space<hbm>> -> memref<10000x64xf32, #tpu.memory_space<hbm>>
        tpu.enqueue_indirect_dma source(%dma_start3A_163 : memref<10000x64xf32, #tpu.memory_space<hbm>>) target(%arg8 : memref<128x64xf32, #tpu.memory_space<vmem>>) offsets(%dma_start3A_160 : memref<128xi32, #tpu.memory_space<vmem>>) semaphore(%arg13 : memref<!tpu.dma_semaphore, #tpu.memory_space<semaphore_mem>>)
      } else {
      }
      %add3A_111 = arith.constant 1 : i32
      %add3A_112 = arith.addi %mul3A_99, %add3A_111 : i32
      %dma_wait3A_113 = arith.constant 0 : i32
      %dma_wait3A_114 = tpu.memref_slice %arg6[%add3A_112, %dma_wait3A_113] : memref<40x128xi32, #tpu.memory_space<vmem>> -> memref<1x128xi32, #tpu.memory_space<vmem>>
      %dma_wait3A_115 = tpu.memref_squeeze %dma_wait3A_114 : memref<1x128xi32, #tpu.memory_space<vmem>> -> memref<128xi32, #tpu.memory_space<vmem>>
      %dma_wait3A_116 = arith.constant 0 : i32
      %dma_wait3A_117 = arith.constant 0 : i32
      %dma_wait3A_118 = tpu.memref_slice %arg2[%dma_wait3A_116, %dma_wait3A_117] : memref<10000x64xf32, #tpu.memory_space<hbm>> -> memref<10000x64xf32, #tpu.memory_space<hbm>>
      tpu.wait_indirect_dma semaphore(%arg14 : memref<!tpu.dma_semaphore, #tpu.memory_space<semaphore_mem>>) src(%dma_wait3A_118 : memref<10000x64xf32, #tpu.memory_space<hbm>>) dst(%arg9 : memref<128x64xf32, #tpu.memory_space<vmem>>)
      "tpu.region"() ({
        %run_scoped3A = tpu.sem_alloc : memref<!tpu.dma_semaphore, #tpu.memory_space<semaphore_mem>>
        %dma_start3A_156 = arith.constant 0 : i32
        %dma_start3A_157 = tpu.memref_slice %arg7[%add3A_112, %dma_start3A_156] : memref<40x128xi32, #tpu.memory_space<vmem>> -> memref<1x128xi32, #tpu.memory_space<vmem>>
        %dma_start3A_158 = tpu.memref_squeeze %dma_start3A_157 : memref<1x128xi32, #tpu.memory_space<vmem>> -> memref<128xi32, #tpu.memory_space<vmem>>
        %dma_start3A_159 = arith.constant 0 : i32
        %dma_start3A_160 = arith.constant 0 : i32
        %dma_start3A_161 = tpu.memref_slice %arg12[%dma_start3A_159, %dma_start3A_160] : memref<10240x64xf32, #tpu.memory_space<vmem_shared>> -> memref<10240x64xf32, #tpu.memory_space<vmem_shared>>
        tpu.enqueue_indirect_dma source(%arg9 : memref<128x64xf32, #tpu.memory_space<vmem>>) target(%dma_start3A_161 : memref<10240x64xf32, #tpu.memory_space<vmem_shared>>) offsets(%dma_start3A_158 : memref<128xi32, #tpu.memory_space<vmem>>) semaphore(%run_scoped3A : memref<!tpu.dma_semaphore, #tpu.memory_space<semaphore_mem>>) {add = true}
        %dma_wait3A_162 = arith.constant 0 : i32
        %dma_wait3A_163 = tpu.memref_slice %arg7[%add3A_112, %dma_wait3A_162] : memref<40x128xi32, #tpu.memory_space<vmem>> -> memref<1x128xi32, #tpu.memory_space<vmem>>
        %dma_wait3A_164 = tpu.memref_squeeze %dma_wait3A_163 : memref<1x128xi32, #tpu.memory_space<vmem>> -> memref<128xi32, #tpu.memory_space<vmem>>
        %dma_wait3A_165 = arith.constant 0 : i32
        %dma_wait3A_166 = arith.constant 0 : i32
        %dma_wait3A_167 = tpu.memref_slice %arg12[%dma_wait3A_165, %dma_wait3A_166] : memref<10240x64xf32, #tpu.memory_space<vmem_shared>> -> memref<10240x64xf32, #tpu.memory_space<vmem_shared>>
        tpu.wait_indirect_dma semaphore(%run_scoped3A : memref<!tpu.dma_semaphore, #tpu.memory_space<semaphore_mem>>) src(%arg9 : memref<128x64xf32, #tpu.memory_space<vmem>>) dst(%dma_wait3A_167 : memref<10240x64xf32, #tpu.memory_space<vmem_shared>>)
        tpu.yield
      }) : () -> ()
      %add3A_119 = arith.constant 1 : i32
      %add3A_120 = arith.addi %scan3A_97, %add3A_119 : i32
      %lt3A_121 = arith.constant 10 : i32
      %lt3A_122 = arith.cmpi slt, %add3A_120, %lt3A_121 : i32
      %convert_element_type3A_123 = arith.extui %lt3A_122 : i1 to i32
      %cond3A_124 = arith.constant 0 : i32
      %cond3A_125 = arith.cmpi ne, %convert_element_type3A_123, %cond3A_124 : i32
      scf.if %cond3A_125 {
        %add3A_156 = arith.constant 4 : i32
        %add3A_157 = arith.addi %add3A_112, %add3A_156 : i32
        %dma_start3A_158 = arith.constant 0 : i32
        %dma_start3A_159 = tpu.memref_slice %arg6[%add3A_157, %dma_start3A_158] : memref<40x128xi32, #tpu.memory_space<vmem>> -> memref<1x128xi32, #tpu.memory_space<vmem>>
        %dma_start3A_160 = tpu.memref_squeeze %dma_start3A_159 : memref<1x128xi32, #tpu.memory_space<vmem>> -> memref<128xi32, #tpu.memory_space<vmem>>
        %dma_start3A_161 = arith.constant 0 : i32
        %dma_start3A_162 = arith.constant 0 : i32
        %dma_start3A_163 = tpu.memref_slice %arg2[%dma_start3A_161, %dma_start3A_162] : memref<10000x64xf32, #tpu.memory_space<hbm>> -> memref<10000x64xf32, #tpu.memory_space<hbm>>
        tpu.enqueue_indirect_dma source(%dma_start3A_163 : memref<10000x64xf32, #tpu.memory_space<hbm>>) target(%arg9 : memref<128x64xf32, #tpu.memory_space<vmem>>) offsets(%dma_start3A_160 : memref<128xi32, #tpu.memory_space<vmem>>) semaphore(%arg14 : memref<!tpu.dma_semaphore, #tpu.memory_space<semaphore_mem>>)
      } else {
      }
      %add3A_126 = arith.constant 2 : i32
      %add3A_127 = arith.addi %mul3A_99, %add3A_126 : i32
      %dma_wait3A_128 = arith.constant 0 : i32
      %dma_wait3A_129 = tpu.memref_slice %arg6[%add3A_127, %dma_wait3A_128] : memref<40x128xi32, #tpu.memory_space<vmem>> -> memref<1x128xi32, #tpu.memory_space<vmem>>
      %dma_wait3A_130 = tpu.memref_squeeze %dma_wait3A_129 : memref<1x128xi32, #tpu.memory_space<vmem>> -> memref<128xi32, #tpu.memory_space<vmem>>
      %dma_wait3A_131 = arith.constant 0 : i32
      %dma_wait3A_132 = arith.constant 0 : i32
      %dma_wait3A_133 = tpu.memref_slice %arg2[%dma_wait3A_131, %dma_wait3A_132] : memref<10000x64xf32, #tpu.memory_space<hbm>> -> memref<10000x64xf32, #tpu.memory_space<hbm>>
      tpu.wait_indirect_dma semaphore(%arg15 : memref<!tpu.dma_semaphore, #tpu.memory_space<semaphore_mem>>) src(%dma_wait3A_133 : memref<10000x64xf32, #tpu.memory_space<hbm>>) dst(%arg10 : memref<128x64xf32, #tpu.memory_space<vmem>>)
      "tpu.region"() ({
        %run_scoped3A = tpu.sem_alloc : memref<!tpu.dma_semaphore, #tpu.memory_space<semaphore_mem>>
        %dma_start3A_156 = arith.constant 0 : i32
        %dma_start3A_157 = tpu.memref_slice %arg7[%add3A_127, %dma_start3A_156] : memref<40x128xi32, #tpu.memory_space<vmem>> -> memref<1x128xi32, #tpu.memory_space<vmem>>
        %dma_start3A_158 = tpu.memref_squeeze %dma_start3A_157 : memref<1x128xi32, #tpu.memory_space<vmem>> -> memref<128xi32, #tpu.memory_space<vmem>>
        %dma_start3A_159 = arith.constant 0 : i32
        %dma_start3A_160 = arith.constant 0 : i32
        %dma_start3A_161 = tpu.memref_slice %arg12[%dma_start3A_159, %dma_start3A_160] : memref<10240x64xf32, #tpu.memory_space<vmem_shared>> -> memref<10240x64xf32, #tpu.memory_space<vmem_shared>>
        tpu.enqueue_indirect_dma source(%arg10 : memref<128x64xf32, #tpu.memory_space<vmem>>) target(%dma_start3A_161 : memref<10240x64xf32, #tpu.memory_space<vmem_shared>>) offsets(%dma_start3A_158 : memref<128xi32, #tpu.memory_space<vmem>>) semaphore(%run_scoped3A : memref<!tpu.dma_semaphore, #tpu.memory_space<semaphore_mem>>) {add = true}
        %dma_wait3A_162 = arith.constant 0 : i32
        %dma_wait3A_163 = tpu.memref_slice %arg7[%add3A_127, %dma_wait3A_162] : memref<40x128xi32, #tpu.memory_space<vmem>> -> memref<1x128xi32, #tpu.memory_space<vmem>>
        %dma_wait3A_164 = tpu.memref_squeeze %dma_wait3A_163 : memref<1x128xi32, #tpu.memory_space<vmem>> -> memref<128xi32, #tpu.memory_space<vmem>>
        %dma_wait3A_165 = arith.constant 0 : i32
        %dma_wait3A_166 = arith.constant 0 : i32
        %dma_wait3A_167 = tpu.memref_slice %arg12[%dma_wait3A_165, %dma_wait3A_166] : memref<10240x64xf32, #tpu.memory_space<vmem_shared>> -> memref<10240x64xf32, #tpu.memory_space<vmem_shared>>
        tpu.wait_indirect_dma semaphore(%run_scoped3A : memref<!tpu.dma_semaphore, #tpu.memory_space<semaphore_mem>>) src(%arg10 : memref<128x64xf32, #tpu.memory_space<vmem>>) dst(%dma_wait3A_167 : memref<10240x64xf32, #tpu.memory_space<vmem_shared>>)
        tpu.yield
      }) : () -> ()
      %add3A_134 = arith.constant 1 : i32
      %add3A_135 = arith.addi %scan3A_97, %add3A_134 : i32
      %lt3A_136 = arith.constant 10 : i32
      %lt3A_137 = arith.cmpi slt, %add3A_135, %lt3A_136 : i32
      %convert_element_type3A_138 = arith.extui %lt3A_137 : i1 to i32
      %cond3A_139 = arith.constant 0 : i32
      %cond3A_140 = arith.cmpi ne, %convert_element_type3A_138, %cond3A_139 : i32
      scf.if %cond3A_140 {
        %add3A_156 = arith.constant 4 : i32
        %add3A_157 = arith.addi %add3A_127, %add3A_156 : i32
        %dma_start3A_158 = arith.constant 0 : i32
        %dma_start3A_159 = tpu.memref_slice %arg6[%add3A_157, %dma_start3A_158] : memref<40x128xi32, #tpu.memory_space<vmem>> -> memref<1x128xi32, #tpu.memory_space<vmem>>
        %dma_start3A_160 = tpu.memref_squeeze %dma_start3A_159 : memref<1x128xi32, #tpu.memory_space<vmem>> -> memref<128xi32, #tpu.memory_space<vmem>>
        %dma_start3A_161 = arith.constant 0 : i32
        %dma_start3A_162 = arith.constant 0 : i32
        %dma_start3A_163 = tpu.memref_slice %arg2[%dma_start3A_161, %dma_start3A_162] : memref<10000x64xf32, #tpu.memory_space<hbm>> -> memref<10000x64xf32, #tpu.memory_space<hbm>>
        tpu.enqueue_indirect_dma source(%dma_start3A_163 : memref<10000x64xf32, #tpu.memory_space<hbm>>) target(%arg10 : memref<128x64xf32, #tpu.memory_space<vmem>>) offsets(%dma_start3A_160 : memref<128xi32, #tpu.memory_space<vmem>>) semaphore(%arg15 : memref<!tpu.dma_semaphore, #tpu.memory_space<semaphore_mem>>)
      } else {
      }
      %add3A_141 = arith.constant 3 : i32
      %add3A_142 = arith.addi %mul3A_99, %add3A_141 : i32
      %dma_wait3A_143 = arith.constant 0 : i32
      %dma_wait3A_144 = tpu.memref_slice %arg6[%add3A_142, %dma_wait3A_143] : memref<40x128xi32, #tpu.memory_space<vmem>> -> memref<1x128xi32, #tpu.memory_space<vmem>>
      %dma_wait3A_145 = tpu.memref_squeeze %dma_wait3A_144 : memref<1x128xi32, #tpu.memory_space<vmem>> -> memref<128xi32, #tpu.memory_space<vmem>>
      %dma_wait3A_146 = arith.constant 0 : i32
      %dma_wait3A_147 = arith.constant 0 : i32
      %dma_wait3A_148 = tpu.memref_slice %arg2[%dma_wait3A_146, %dma_wait3A_147] : memref<10000x64xf32, #tpu.memory_space<hbm>> -> memref<10000x64xf32, #tpu.memory_space<hbm>>
      tpu.wait_indirect_dma semaphore(%arg16 : memref<!tpu.dma_semaphore, #tpu.memory_space<semaphore_mem>>) src(%dma_wait3A_148 : memref<10000x64xf32, #tpu.memory_space<hbm>>) dst(%arg11 : memref<128x64xf32, #tpu.memory_space<vmem>>)
      "tpu.region"() ({
        %run_scoped3A = tpu.sem_alloc : memref<!tpu.dma_semaphore, #tpu.memory_space<semaphore_mem>>
        %dma_start3A_156 = arith.constant 0 : i32
        %dma_start3A_157 = tpu.memref_slice %arg7[%add3A_142, %dma_start3A_156] : memref<40x128xi32, #tpu.memory_space<vmem>> -> memref<1x128xi32, #tpu.memory_space<vmem>>
        %dma_start3A_158 = tpu.memref_squeeze %dma_start3A_157 : memref<1x128xi32, #tpu.memory_space<vmem>> -> memref<128xi32, #tpu.memory_space<vmem>>
        %dma_start3A_159 = arith.constant 0 : i32
        %dma_start3A_160 = arith.constant 0 : i32
        %dma_start3A_161 = tpu.memref_slice %arg12[%dma_start3A_159, %dma_start3A_160] : memref<10240x64xf32, #tpu.memory_space<vmem_shared>> -> memref<10240x64xf32, #tpu.memory_space<vmem_shared>>
        tpu.enqueue_indirect_dma source(%arg11 : memref<128x64xf32, #tpu.memory_space<vmem>>) target(%dma_start3A_161 : memref<10240x64xf32, #tpu.memory_space<vmem_shared>>) offsets(%dma_start3A_158 : memref<128xi32, #tpu.memory_space<vmem>>) semaphore(%run_scoped3A : memref<!tpu.dma_semaphore, #tpu.memory_space<semaphore_mem>>) {add = true}
        %dma_wait3A_162 = arith.constant 0 : i32
        %dma_wait3A_163 = tpu.memref_slice %arg7[%add3A_142, %dma_wait3A_162] : memref<40x128xi32, #tpu.memory_space<vmem>> -> memref<1x128xi32, #tpu.memory_space<vmem>>
        %dma_wait3A_164 = tpu.memref_squeeze %dma_wait3A_163 : memref<1x128xi32, #tpu.memory_space<vmem>> -> memref<128xi32, #tpu.memory_space<vmem>>
        %dma_wait3A_165 = arith.constant 0 : i32
        %dma_wait3A_166 = arith.constant 0 : i32
        %dma_wait3A_167 = tpu.memref_slice %arg12[%dma_wait3A_165, %dma_wait3A_166] : memref<10240x64xf32, #tpu.memory_space<vmem_shared>> -> memref<10240x64xf32, #tpu.memory_space<vmem_shared>>
        tpu.wait_indirect_dma semaphore(%run_scoped3A : memref<!tpu.dma_semaphore, #tpu.memory_space<semaphore_mem>>) src(%arg11 : memref<128x64xf32, #tpu.memory_space<vmem>>) dst(%dma_wait3A_167 : memref<10240x64xf32, #tpu.memory_space<vmem_shared>>)
        tpu.yield
      }) : () -> ()
      %add3A_149 = arith.constant 1 : i32
      %add3A_150 = arith.addi %scan3A_97, %add3A_149 : i32
      %lt3A_151 = arith.constant 10 : i32
      %lt3A_152 = arith.cmpi slt, %add3A_150, %lt3A_151 : i32
      %convert_element_type3A_153 = arith.extui %lt3A_152 : i1 to i32
      %cond3A_154 = arith.constant 0 : i32
      %cond3A_155 = arith.cmpi ne, %convert_element_type3A_153, %cond3A_154 : i32
      scf.if %cond3A_155 {
        %add3A_156 = arith.constant 4 : i32
        %add3A_157 = arith.addi %add3A_142, %add3A_156 : i32
        %dma_start3A_158 = arith.constant 0 : i32
        %dma_start3A_159 = tpu.memref_slice %arg6[%add3A_157, %dma_start3A_158] : memref<40x128xi32, #tpu.memory_space<vmem>> -> memref<1x128xi32, #tpu.memory_space<vmem>>
        %dma_start3A_160 = tpu.memref_squeeze %dma_start3A_159 : memref<1x128xi32, #tpu.memory_space<vmem>> -> memref<128xi32, #tpu.memory_space<vmem>>
        %dma_start3A_161 = arith.constant 0 : i32
        %dma_start3A_162 = arith.constant 0 : i32
        %dma_start3A_163 = tpu.memref_slice %arg2[%dma_start3A_161, %dma_start3A_162] : memref<10000x64xf32, #tpu.memory_space<hbm>> -> memref<10000x64xf32, #tpu.memory_space<hbm>>
        tpu.enqueue_indirect_dma source(%dma_start3A_163 : memref<10000x64xf32, #tpu.memory_space<hbm>>) target(%arg11 : memref<128x64xf32, #tpu.memory_space<vmem>>) offsets(%dma_start3A_160 : memref<128xi32, #tpu.memory_space<vmem>>) semaphore(%arg16 : memref<!tpu.dma_semaphore, #tpu.memory_space<semaphore_mem>>)
      } else {
      }
    }
    %scan3A_59 = arith.constant 10 : i32
    "tpu.region"() ({
      %run_scoped3A = tpu.sem_alloc : memref<!tpu.dma_semaphore, #tpu.memory_space<semaphore_mem>>
      %dma_start3A_97 = arith.constant 40 : i32
      %dma_start3A_98 = arith.constant 0 : i32
      %dma_start3A_99 = tpu.memref_slice %arg3[%add3A, %dma_start3A_97, %dma_start3A_98] : memref<32x80x128xi32, #tpu.memory_space<hbm>> -> memref<1x40x128xi32, #tpu.memory_space<hbm>>
      %dma_start3A_100 = tpu.memref_squeeze %dma_start3A_99 : memref<1x40x128xi32, #tpu.memory_space<hbm>> -> memref<40x128xi32, #tpu.memory_space<hbm>>
      %dma_start3A_101 = arith.constant 40 : i32
      %dma_start3A_102 = arith.constant 0 : i32
      %dma_start3A_103 = tpu.memref_slice %arg3[%add3A, %dma_start3A_101, %dma_start3A_102] : memref<32x80x128xi32, #tpu.memory_space<hbm>> -> memref<1x40x128xi32, #tpu.memory_space<hbm>>
      %dma_start3A_104 = tpu.memref_squeeze %dma_start3A_103 : memref<1x40x128xi32, #tpu.memory_space<hbm>> -> memref<40x128xi32, #tpu.memory_space<hbm>>
      tpu.enqueue_dma source(%dma_start3A_104 : memref<40x128xi32, #tpu.memory_space<hbm>>) target(%arg6 : memref<40x128xi32, #tpu.memory_space<vmem>>) target_semaphore(%run_scoped3A : memref<!tpu.dma_semaphore, #tpu.memory_space<semaphore_mem>>)
      %dma_wait3A = arith.constant 40 : i32
      %dma_wait3A_105 = arith.constant 0 : i32
      %dma_wait3A_106 = tpu.memref_slice %arg3[%add3A, %dma_wait3A, %dma_wait3A_105] : memref<32x80x128xi32, #tpu.memory_space<hbm>> -> memref<1x40x128xi32, #tpu.memory_space<hbm>>
      %dma_wait3A_107 = tpu.memref_squeeze %dma_wait3A_106 : memref<1x40x128xi32, #tpu.memory_space<hbm>> -> memref<40x128xi32, #tpu.memory_space<hbm>>
      %dma_wait3A_108 = arith.constant 40 : i32
      %dma_wait3A_109 = arith.constant 0 : i32
      %dma_wait3A_110 = tpu.memref_slice %arg3[%add3A, %dma_wait3A_108, %dma_wait3A_109] : memref<32x80x128xi32, #tpu.memory_space<hbm>> -> memref<1x40x128xi32, #tpu.memory_space<hbm>>
      %dma_wait3A_111 = tpu.memref_squeeze %dma_wait3A_110 : memref<1x40x128xi32, #tpu.memory_space<hbm>> -> memref<40x128xi32, #tpu.memory_space<hbm>>
      tpu.wait_dma2 semaphore(%run_scoped3A : memref<!tpu.dma_semaphore, #tpu.memory_space<semaphore_mem>>) src(%dma_wait3A_111 : memref<40x128xi32, #tpu.memory_space<hbm>>) dst(%arg6 : memref<40x128xi32, #tpu.memory_space<vmem>>)
      tpu.yield
    }) : () -> ()
    "tpu.region"() ({
      %run_scoped3A = tpu.sem_alloc : memref<!tpu.dma_semaphore, #tpu.memory_space<semaphore_mem>>
      %dma_start3A_97 = arith.constant 40 : i32
      %dma_start3A_98 = arith.constant 0 : i32
      %dma_start3A_99 = tpu.memref_slice %arg4[%add3A, %dma_start3A_97, %dma_start3A_98] : memref<32x80x128xi32, #tpu.memory_space<hbm>> -> memref<1x40x128xi32, #tpu.memory_space<hbm>>
      %dma_start3A_100 = tpu.memref_squeeze %dma_start3A_99 : memref<1x40x128xi32, #tpu.memory_space<hbm>> -> memref<40x128xi32, #tpu.memory_space<hbm>>
      %dma_start3A_101 = arith.constant 40 : i32
      %dma_start3A_102 = arith.constant 0 : i32
      %dma_start3A_103 = tpu.memref_slice %arg4[%add3A, %dma_start3A_101, %dma_start3A_102] : memref<32x80x128xi32, #tpu.memory_space<hbm>> -> memref<1x40x128xi32, #tpu.memory_space<hbm>>
      %dma_start3A_104 = tpu.memref_squeeze %dma_start3A_103 : memref<1x40x128xi32, #tpu.memory_space<hbm>> -> memref<40x128xi32, #tpu.memory_space<hbm>>
      tpu.enqueue_dma source(%dma_start3A_104 : memref<40x128xi32, #tpu.memory_space<hbm>>) target(%arg7 : memref<40x128xi32, #tpu.memory_space<vmem>>) target_semaphore(%run_scoped3A : memref<!tpu.dma_semaphore, #tpu.memory_space<semaphore_mem>>)
      %dma_wait3A = arith.constant 40 : i32
      %dma_wait3A_105 = arith.constant 0 : i32
      %dma_wait3A_106 = tpu.memref_slice %arg4[%add3A, %dma_wait3A, %dma_wait3A_105] : memref<32x80x128xi32, #tpu.memory_space<hbm>> -> memref<1x40x128xi32, #tpu.memory_space<hbm>>
      %dma_wait3A_107 = tpu.memref_squeeze %dma_wait3A_106 : memref<1x40x128xi32, #tpu.memory_space<hbm>> -> memref<40x128xi32, #tpu.memory_space<hbm>>
      %dma_wait3A_108 = arith.constant 40 : i32
      %dma_wait3A_109 = arith.constant 0 : i32
      %dma_wait3A_110 = tpu.memref_slice %arg4[%add3A, %dma_wait3A_108, %dma_wait3A_109] : memref<32x80x128xi32, #tpu.memory_space<hbm>> -> memref<1x40x128xi32, #tpu.memory_space<hbm>>
      %dma_wait3A_111 = tpu.memref_squeeze %dma_wait3A_110 : memref<1x40x128xi32, #tpu.memory_space<hbm>> -> memref<40x128xi32, #tpu.memory_space<hbm>>
      tpu.wait_dma2 semaphore(%run_scoped3A : memref<!tpu.dma_semaphore, #tpu.memory_space<semaphore_mem>>) src(%dma_wait3A_111 : memref<40x128xi32, #tpu.memory_space<hbm>>) dst(%arg7 : memref<40x128xi32, #tpu.memory_space<vmem>>)
      tpu.yield
    }) : () -> ()
    %dma_start3A_60 = arith.constant 0 : i32
    %dma_start3A_61 = arith.constant 0 : i32
    %dma_start3A_62 = tpu.memref_slice %arg6[%dma_start3A_60, %dma_start3A_61] : memref<40x128xi32, #tpu.memory_space<vmem>> -> memref<1x128xi32, #tpu.memory_space<vmem>>
    %dma_start3A_63 = tpu.memref_squeeze %dma_start3A_62 : memref<1x128xi32, #tpu.memory_space<vmem>> -> memref<128xi32, #tpu.memory_space<vmem>>
    %dma_start3A_64 = arith.constant 0 : i32
    %dma_start3A_65 = arith.constant 0 : i32
    %dma_start3A_66 = tpu.memref_slice %arg2[%dma_start3A_64, %dma_start3A_65] : memref<10000x64xf32, #tpu.memory_space<hbm>> -> memref<10000x64xf32, #tpu.memory_space<hbm>>
    tpu.enqueue_indirect_dma source(%dma_start3A_66 : memref<10000x64xf32, #tpu.memory_space<hbm>>) target(%arg8 : memref<128x64xf32, #tpu.memory_space<vmem>>) offsets(%dma_start3A_63 : memref<128xi32, #tpu.memory_space<vmem>>) semaphore(%arg13 : memref<!tpu.dma_semaphore, #tpu.memory_space<semaphore_mem>>)
    %dma_start3A_67 = arith.constant 1 : i32
    %dma_start3A_68 = arith.constant 0 : i32
    %dma_start3A_69 = tpu.memref_slice %arg6[%dma_start3A_67, %dma_start3A_68] : memref<40x128xi32, #tpu.memory_space<vmem>> -> memref<1x128xi32, #tpu.memory_space<vmem>>
    %dma_start3A_70 = tpu.memref_squeeze %dma_start3A_69 : memref<1x128xi32, #tpu.memory_space<vmem>> -> memref<128xi32, #tpu.memory_space<vmem>>
    %dma_start3A_71 = arith.constant 0 : i32
    %dma_start3A_72 = arith.constant 0 : i32
    %dma_start3A_73 = tpu.memref_slice %arg2[%dma_start3A_71, %dma_start3A_72] : memref<10000x64xf32, #tpu.memory_space<hbm>> -> memref<10000x64xf32, #tpu.memory_space<hbm>>
    tpu.enqueue_indirect_dma source(%dma_start3A_73 : memref<10000x64xf32, #tpu.memory_space<hbm>>) target(%arg9 : memref<128x64xf32, #tpu.memory_space<vmem>>) offsets(%dma_start3A_70 : memref<128xi32, #tpu.memory_space<vmem>>) semaphore(%arg14 : memref<!tpu.dma_semaphore, #tpu.memory_space<semaphore_mem>>)
    %dma_start3A_74 = arith.constant 2 : i32
    %dma_start3A_75 = arith.constant 0 : i32
    %dma_start3A_76 = tpu.memref_slice %arg6[%dma_start3A_74, %dma_start3A_75] : memref<40x128xi32, #tpu.memory_space<vmem>> -> memref<1x128xi32, #tpu.memory_space<vmem>>
    %dma_start3A_77 = tpu.memref_squeeze %dma_start3A_76 : memref<1x128xi32, #tpu.memory_space<vmem>> -> memref<128xi32, #tpu.memory_space<vmem>>
    %dma_start3A_78 = arith.constant 0 : i32
    %dma_start3A_79 = arith.constant 0 : i32
    %dma_start3A_80 = tpu.memref_slice %arg2[%dma_start3A_78, %dma_start3A_79] : memref<10000x64xf32, #tpu.memory_space<hbm>> -> memref<10000x64xf32, #tpu.memory_space<hbm>>
    tpu.enqueue_indirect_dma source(%dma_start3A_80 : memref<10000x64xf32, #tpu.memory_space<hbm>>) target(%arg10 : memref<128x64xf32, #tpu.memory_space<vmem>>) offsets(%dma_start3A_77 : memref<128xi32, #tpu.memory_space<vmem>>) semaphore(%arg15 : memref<!tpu.dma_semaphore, #tpu.memory_space<semaphore_mem>>)
    %dma_start3A_81 = arith.constant 3 : i32
    %dma_start3A_82 = arith.constant 0 : i32
    %dma_start3A_83 = tpu.memref_slice %arg6[%dma_start3A_81, %dma_start3A_82] : memref<40x128xi32, #tpu.memory_space<vmem>> -> memref<1x128xi32, #tpu.memory_space<vmem>>
    %dma_start3A_84 = tpu.memref_squeeze %dma_start3A_83 : memref<1x128xi32, #tpu.memory_space<vmem>> -> memref<128xi32, #tpu.memory_space<vmem>>
    %dma_start3A_85 = arith.constant 0 : i32
    %dma_start3A_86 = arith.constant 0 : i32
    %dma_start3A_87 = tpu.memref_slice %arg2[%dma_start3A_85, %dma_start3A_86] : memref<10000x64xf32, #tpu.memory_space<hbm>> -> memref<10000x64xf32, #tpu.memory_space<hbm>>
    tpu.enqueue_indirect_dma source(%dma_start3A_87 : memref<10000x64xf32, #tpu.memory_space<hbm>>) target(%arg11 : memref<128x64xf32, #tpu.memory_space<vmem>>) offsets(%dma_start3A_84 : memref<128xi32, #tpu.memory_space<vmem>>) semaphore(%arg16 : memref<!tpu.dma_semaphore, #tpu.memory_space<semaphore_mem>>)
    %scan3A_88 = arith.constant 0 : i32
    %scan3A_89 = arith.constant 0 : i32
    %scan3A_90 = arith.constant 10 : i32
    %scan3A_91 = arith.addi %scan3A_89, %scan3A_90 : i32
    %scan3A_92 = arith.constant 1 : i32
    scf.for %scan3A_97 = %scan3A_89 to %scan3A_91 step %scan3A_92  : i32 {
      %mul3A_98 = arith.constant 4 : i32
      %mul3A_99 = arith.muli %mul3A_98, %scan3A_97 : i32
      %add3A_100 = arith.constant 0 : i32
      %add3A_101 = arith.addi %mul3A_99, %add3A_100 : i32
      %dma_wait3A = arith.constant 0 : i32
      %dma_wait3A_102 = tpu.memref_slice %arg6[%add3A_101, %dma_wait3A] : memref<40x128xi32, #tpu.memory_space<vmem>> -> memref<1x128xi32, #tpu.memory_space<vmem>>
      %dma_wait3A_103 = tpu.memref_squeeze %dma_wait3A_102 : memref<1x128xi32, #tpu.memory_space<vmem>> -> memref<128xi32, #tpu.memory_space<vmem>>
      %dma_wait3A_104 = arith.constant 0 : i32
      %dma_wait3A_105 = arith.constant 0 : i32
      %dma_wait3A_106 = tpu.memref_slice %arg2[%dma_wait3A_104, %dma_wait3A_105] : memref<10000x64xf32, #tpu.memory_space<hbm>> -> memref<10000x64xf32, #tpu.memory_space<hbm>>
      tpu.wait_indirect_dma semaphore(%arg13 : memref<!tpu.dma_semaphore, #tpu.memory_space<semaphore_mem>>) src(%dma_wait3A_106 : memref<10000x64xf32, #tpu.memory_space<hbm>>) dst(%arg8 : memref<128x64xf32, #tpu.memory_space<vmem>>)
      "tpu.region"() ({
        %run_scoped3A = tpu.sem_alloc : memref<!tpu.dma_semaphore, #tpu.memory_space<semaphore_mem>>
        %dma_start3A_156 = arith.constant 0 : i32
        %dma_start3A_157 = tpu.memref_slice %arg7[%add3A_101, %dma_start3A_156] : memref<40x128xi32, #tpu.memory_space<vmem>> -> memref<1x128xi32, #tpu.memory_space<vmem>>
        %dma_start3A_158 = tpu.memref_squeeze %dma_start3A_157 : memref<1x128xi32, #tpu.memory_space<vmem>> -> memref<128xi32, #tpu.memory_space<vmem>>
        %dma_start3A_159 = arith.constant 0 : i32
        %dma_start3A_160 = arith.constant 0 : i32
        %dma_start3A_161 = tpu.memref_slice %arg12[%dma_start3A_159, %dma_start3A_160] : memref<10240x64xf32, #tpu.memory_space<vmem_shared>> -> memref<10240x64xf32, #tpu.memory_space<vmem_shared>>
        tpu.enqueue_indirect_dma source(%arg8 : memref<128x64xf32, #tpu.memory_space<vmem>>) target(%dma_start3A_161 : memref<10240x64xf32, #tpu.memory_space<vmem_shared>>) offsets(%dma_start3A_158 : memref<128xi32, #tpu.memory_space<vmem>>) semaphore(%run_scoped3A : memref<!tpu.dma_semaphore, #tpu.memory_space<semaphore_mem>>) {add = true}
        %dma_wait3A_162 = arith.constant 0 : i32
        %dma_wait3A_163 = tpu.memref_slice %arg7[%add3A_101, %dma_wait3A_162] : memref<40x128xi32, #tpu.memory_space<vmem>> -> memref<1x128xi32, #tpu.memory_space<vmem>>
        %dma_wait3A_164 = tpu.memref_squeeze %dma_wait3A_163 : memref<1x128xi32, #tpu.memory_space<vmem>> -> memref<128xi32, #tpu.memory_space<vmem>>
        %dma_wait3A_165 = arith.constant 0 : i32
        %dma_wait3A_166 = arith.constant 0 : i32
        %dma_wait3A_167 = tpu.memref_slice %arg12[%dma_wait3A_165, %dma_wait3A_166] : memref<10240x64xf32, #tpu.memory_space<vmem_shared>> -> memref<10240x64xf32, #tpu.memory_space<vmem_shared>>
        tpu.wait_indirect_dma semaphore(%run_scoped3A : memref<!tpu.dma_semaphore, #tpu.memory_space<semaphore_mem>>) src(%arg8 : memref<128x64xf32, #tpu.memory_space<vmem>>) dst(%dma_wait3A_167 : memref<10240x64xf32, #tpu.memory_space<vmem_shared>>)
        tpu.yield
      }) : () -> ()
      %add3A_107 = arith.constant 1 : i32
      %add3A_108 = arith.addi %scan3A_97, %add3A_107 : i32
      %lt3A = arith.constant 10 : i32
      %lt3A_109 = arith.cmpi slt, %add3A_108, %lt3A : i32
      %convert_element_type3A = arith.extui %lt3A_109 : i1 to i32
      %cond3A = arith.constant 0 : i32
      %cond3A_110 = arith.cmpi ne, %convert_element_type3A, %cond3A : i32
      scf.if %cond3A_110 {
        %add3A_156 = arith.constant 4 : i32
        %add3A_157 = arith.addi %add3A_101, %add3A_156 : i32
        %dma_start3A_158 = arith.constant 0 : i32
        %dma_start3A_159 = tpu.memref_slice %arg6[%add3A_157, %dma_start3A_158] : memref<40x128xi32, #tpu.memory_space<vmem>> -> memref<1x128xi32, #tpu.memory_space<vmem>>
        %dma_start3A_160 = tpu.memref_squeeze %dma_start3A_159 : memref<1x128xi32, #tpu.memory_space<vmem>> -> memref<128xi32, #tpu.memory_space<vmem>>
        %dma_start3A_161 = arith.constant 0 : i32
        %dma_start3A_162 = arith.constant 0 : i32
        %dma_start3A_163 = tpu.memref_slice %arg2[%dma_start3A_161, %dma_start3A_162] : memref<10000x64xf32, #tpu.memory_space<hbm>> -> memref<10000x64xf32, #tpu.memory_space<hbm>>
        tpu.enqueue_indirect_dma source(%dma_start3A_163 : memref<10000x64xf32, #tpu.memory_space<hbm>>) target(%arg8 : memref<128x64xf32, #tpu.memory_space<vmem>>) offsets(%dma_start3A_160 : memref<128xi32, #tpu.memory_space<vmem>>) semaphore(%arg13 : memref<!tpu.dma_semaphore, #tpu.memory_space<semaphore_mem>>)
      } else {
      }
      %add3A_111 = arith.constant 1 : i32
      %add3A_112 = arith.addi %mul3A_99, %add3A_111 : i32
      %dma_wait3A_113 = arith.constant 0 : i32
      %dma_wait3A_114 = tpu.memref_slice %arg6[%add3A_112, %dma_wait3A_113] : memref<40x128xi32, #tpu.memory_space<vmem>> -> memref<1x128xi32, #tpu.memory_space<vmem>>
      %dma_wait3A_115 = tpu.memref_squeeze %dma_wait3A_114 : memref<1x128xi32, #tpu.memory_space<vmem>> -> memref<128xi32, #tpu.memory_space<vmem>>
      %dma_wait3A_116 = arith.constant 0 : i32
      %dma_wait3A_117 = arith.constant 0 : i32
      %dma_wait3A_118 = tpu.memref_slice %arg2[%dma_wait3A_116, %dma_wait3A_117] : memref<10000x64xf32, #tpu.memory_space<hbm>> -> memref<10000x64xf32, #tpu.memory_space<hbm>>
      tpu.wait_indirect_dma semaphore(%arg14 : memref<!tpu.dma_semaphore, #tpu.memory_space<semaphore_mem>>) src(%dma_wait3A_118 : memref<10000x64xf32, #tpu.memory_space<hbm>>) dst(%arg9 : memref<128x64xf32, #tpu.memory_space<vmem>>)
      "tpu.region"() ({
        %run_scoped3A = tpu.sem_alloc : memref<!tpu.dma_semaphore, #tpu.memory_space<semaphore_mem>>
        %dma_start3A_156 = arith.constant 0 : i32
        %dma_start3A_157 = tpu.memref_slice %arg7[%add3A_112, %dma_start3A_156] : memref<40x128xi32, #tpu.memory_space<vmem>> -> memref<1x128xi32, #tpu.memory_space<vmem>>
        %dma_start3A_158 = tpu.memref_squeeze %dma_start3A_157 : memref<1x128xi32, #tpu.memory_space<vmem>> -> memref<128xi32, #tpu.memory_space<vmem>>
        %dma_start3A_159 = arith.constant 0 : i32
        %dma_start3A_160 = arith.constant 0 : i32
        %dma_start3A_161 = tpu.memref_slice %arg12[%dma_start3A_159, %dma_start3A_160] : memref<10240x64xf32, #tpu.memory_space<vmem_shared>> -> memref<10240x64xf32, #tpu.memory_space<vmem_shared>>
        tpu.enqueue_indirect_dma source(%arg9 : memref<128x64xf32, #tpu.memory_space<vmem>>) target(%dma_start3A_161 : memref<10240x64xf32, #tpu.memory_space<vmem_shared>>) offsets(%dma_start3A_158 : memref<128xi32, #tpu.memory_space<vmem>>) semaphore(%run_scoped3A : memref<!tpu.dma_semaphore, #tpu.memory_space<semaphore_mem>>) {add = true}
        %dma_wait3A_162 = arith.constant 0 : i32
        %dma_wait3A_163 = tpu.memref_slice %arg7[%add3A_112, %dma_wait3A_162] : memref<40x128xi32, #tpu.memory_space<vmem>> -> memref<1x128xi32, #tpu.memory_space<vmem>>
        %dma_wait3A_164 = tpu.memref_squeeze %dma_wait3A_163 : memref<1x128xi32, #tpu.memory_space<vmem>> -> memref<128xi32, #tpu.memory_space<vmem>>
        %dma_wait3A_165 = arith.constant 0 : i32
        %dma_wait3A_166 = arith.constant 0 : i32
        %dma_wait3A_167 = tpu.memref_slice %arg12[%dma_wait3A_165, %dma_wait3A_166] : memref<10240x64xf32, #tpu.memory_space<vmem_shared>> -> memref<10240x64xf32, #tpu.memory_space<vmem_shared>>
        tpu.wait_indirect_dma semaphore(%run_scoped3A : memref<!tpu.dma_semaphore, #tpu.memory_space<semaphore_mem>>) src(%arg9 : memref<128x64xf32, #tpu.memory_space<vmem>>) dst(%dma_wait3A_167 : memref<10240x64xf32, #tpu.memory_space<vmem_shared>>)
        tpu.yield
      }) : () -> ()
      %add3A_119 = arith.constant 1 : i32
      %add3A_120 = arith.addi %scan3A_97, %add3A_119 : i32
      %lt3A_121 = arith.constant 10 : i32
      %lt3A_122 = arith.cmpi slt, %add3A_120, %lt3A_121 : i32
      %convert_element_type3A_123 = arith.extui %lt3A_122 : i1 to i32
      %cond3A_124 = arith.constant 0 : i32
      %cond3A_125 = arith.cmpi ne, %convert_element_type3A_123, %cond3A_124 : i32
      scf.if %cond3A_125 {
        %add3A_156 = arith.constant 4 : i32
        %add3A_157 = arith.addi %add3A_112, %add3A_156 : i32
        %dma_start3A_158 = arith.constant 0 : i32
        %dma_start3A_159 = tpu.memref_slice %arg6[%add3A_157, %dma_start3A_158] : memref<40x128xi32, #tpu.memory_space<vmem>> -> memref<1x128xi32, #tpu.memory_space<vmem>>
        %dma_start3A_160 = tpu.memref_squeeze %dma_start3A_159 : memref<1x128xi32, #tpu.memory_space<vmem>> -> memref<128xi32, #tpu.memory_space<vmem>>
        %dma_start3A_161 = arith.constant 0 : i32
        %dma_start3A_162 = arith.constant 0 : i32
        %dma_start3A_163 = tpu.memref_slice %arg2[%dma_start3A_161, %dma_start3A_162] : memref<10000x64xf32, #tpu.memory_space<hbm>> -> memref<10000x64xf32, #tpu.memory_space<hbm>>
        tpu.enqueue_indirect_dma source(%dma_start3A_163 : memref<10000x64xf32, #tpu.memory_space<hbm>>) target(%arg9 : memref<128x64xf32, #tpu.memory_space<vmem>>) offsets(%dma_start3A_160 : memref<128xi32, #tpu.memory_space<vmem>>) semaphore(%arg14 : memref<!tpu.dma_semaphore, #tpu.memory_space<semaphore_mem>>)
      } else {
      }
      %add3A_126 = arith.constant 2 : i32
      %add3A_127 = arith.addi %mul3A_99, %add3A_126 : i32
      %dma_wait3A_128 = arith.constant 0 : i32
      %dma_wait3A_129 = tpu.memref_slice %arg6[%add3A_127, %dma_wait3A_128] : memref<40x128xi32, #tpu.memory_space<vmem>> -> memref<1x128xi32, #tpu.memory_space<vmem>>
      %dma_wait3A_130 = tpu.memref_squeeze %dma_wait3A_129 : memref<1x128xi32, #tpu.memory_space<vmem>> -> memref<128xi32, #tpu.memory_space<vmem>>
      %dma_wait3A_131 = arith.constant 0 : i32
      %dma_wait3A_132 = arith.constant 0 : i32
      %dma_wait3A_133 = tpu.memref_slice %arg2[%dma_wait3A_131, %dma_wait3A_132] : memref<10000x64xf32, #tpu.memory_space<hbm>> -> memref<10000x64xf32, #tpu.memory_space<hbm>>
      tpu.wait_indirect_dma semaphore(%arg15 : memref<!tpu.dma_semaphore, #tpu.memory_space<semaphore_mem>>) src(%dma_wait3A_133 : memref<10000x64xf32, #tpu.memory_space<hbm>>) dst(%arg10 : memref<128x64xf32, #tpu.memory_space<vmem>>)
      "tpu.region"() ({
        %run_scoped3A = tpu.sem_alloc : memref<!tpu.dma_semaphore, #tpu.memory_space<semaphore_mem>>
        %dma_start3A_156 = arith.constant 0 : i32
        %dma_start3A_157 = tpu.memref_slice %arg7[%add3A_127, %dma_start3A_156] : memref<40x128xi32, #tpu.memory_space<vmem>> -> memref<1x128xi32, #tpu.memory_space<vmem>>
        %dma_start3A_158 = tpu.memref_squeeze %dma_start3A_157 : memref<1x128xi32, #tpu.memory_space<vmem>> -> memref<128xi32, #tpu.memory_space<vmem>>
        %dma_start3A_159 = arith.constant 0 : i32
        %dma_start3A_160 = arith.constant 0 : i32
        %dma_start3A_161 = tpu.memref_slice %arg12[%dma_start3A_159, %dma_start3A_160] : memref<10240x64xf32, #tpu.memory_space<vmem_shared>> -> memref<10240x64xf32, #tpu.memory_space<vmem_shared>>
        tpu.enqueue_indirect_dma source(%arg10 : memref<128x64xf32, #tpu.memory_space<vmem>>) target(%dma_start3A_161 : memref<10240x64xf32, #tpu.memory_space<vmem_shared>>) offsets(%dma_start3A_158 : memref<128xi32, #tpu.memory_space<vmem>>) semaphore(%run_scoped3A : memref<!tpu.dma_semaphore, #tpu.memory_space<semaphore_mem>>) {add = true}
        %dma_wait3A_162 = arith.constant 0 : i32
        %dma_wait3A_163 = tpu.memref_slice %arg7[%add3A_127, %dma_wait3A_162] : memref<40x128xi32, #tpu.memory_space<vmem>> -> memref<1x128xi32, #tpu.memory_space<vmem>>
        %dma_wait3A_164 = tpu.memref_squeeze %dma_wait3A_163 : memref<1x128xi32, #tpu.memory_space<vmem>> -> memref<128xi32, #tpu.memory_space<vmem>>
        %dma_wait3A_165 = arith.constant 0 : i32
        %dma_wait3A_166 = arith.constant 0 : i32
        %dma_wait3A_167 = tpu.memref_slice %arg12[%dma_wait3A_165, %dma_wait3A_166] : memref<10240x64xf32, #tpu.memory_space<vmem_shared>> -> memref<10240x64xf32, #tpu.memory_space<vmem_shared>>
        tpu.wait_indirect_dma semaphore(%run_scoped3A : memref<!tpu.dma_semaphore, #tpu.memory_space<semaphore_mem>>) src(%arg10 : memref<128x64xf32, #tpu.memory_space<vmem>>) dst(%dma_wait3A_167 : memref<10240x64xf32, #tpu.memory_space<vmem_shared>>)
        tpu.yield
      }) : () -> ()
      %add3A_134 = arith.constant 1 : i32
      %add3A_135 = arith.addi %scan3A_97, %add3A_134 : i32
      %lt3A_136 = arith.constant 10 : i32
      %lt3A_137 = arith.cmpi slt, %add3A_135, %lt3A_136 : i32
      %convert_element_type3A_138 = arith.extui %lt3A_137 : i1 to i32
      %cond3A_139 = arith.constant 0 : i32
      %cond3A_140 = arith.cmpi ne, %convert_element_type3A_138, %cond3A_139 : i32
      scf.if %cond3A_140 {
        %add3A_156 = arith.constant 4 : i32
        %add3A_157 = arith.addi %add3A_127, %add3A_156 : i32
        %dma_start3A_158 = arith.constant 0 : i32
        %dma_start3A_159 = tpu.memref_slice %arg6[%add3A_157, %dma_start3A_158] : memref<40x128xi32, #tpu.memory_space<vmem>> -> memref<1x128xi32, #tpu.memory_space<vmem>>
        %dma_start3A_160 = tpu.memref_squeeze %dma_start3A_159 : memref<1x128xi32, #tpu.memory_space<vmem>> -> memref<128xi32, #tpu.memory_space<vmem>>
        %dma_start3A_161 = arith.constant 0 : i32
        %dma_start3A_162 = arith.constant 0 : i32
        %dma_start3A_163 = tpu.memref_slice %arg2[%dma_start3A_161, %dma_start3A_162] : memref<10000x64xf32, #tpu.memory_space<hbm>> -> memref<10000x64xf32, #tpu.memory_space<hbm>>
        tpu.enqueue_indirect_dma source(%dma_start3A_163 : memref<10000x64xf32, #tpu.memory_space<hbm>>) target(%arg10 : memref<128x64xf32, #tpu.memory_space<vmem>>) offsets(%dma_start3A_160 : memref<128xi32, #tpu.memory_space<vmem>>) semaphore(%arg15 : memref<!tpu.dma_semaphore, #tpu.memory_space<semaphore_mem>>)
      } else {
      }
      %add3A_141 = arith.constant 3 : i32
      %add3A_142 = arith.addi %mul3A_99, %add3A_141 : i32
      %dma_wait3A_143 = arith.constant 0 : i32
      %dma_wait3A_144 = tpu.memref_slice %arg6[%add3A_142, %dma_wait3A_143] : memref<40x128xi32, #tpu.memory_space<vmem>> -> memref<1x128xi32, #tpu.memory_space<vmem>>
      %dma_wait3A_145 = tpu.memref_squeeze %dma_wait3A_144 : memref<1x128xi32, #tpu.memory_space<vmem>> -> memref<128xi32, #tpu.memory_space<vmem>>
      %dma_wait3A_146 = arith.constant 0 : i32
      %dma_wait3A_147 = arith.constant 0 : i32
      %dma_wait3A_148 = tpu.memref_slice %arg2[%dma_wait3A_146, %dma_wait3A_147] : memref<10000x64xf32, #tpu.memory_space<hbm>> -> memref<10000x64xf32, #tpu.memory_space<hbm>>
      tpu.wait_indirect_dma semaphore(%arg16 : memref<!tpu.dma_semaphore, #tpu.memory_space<semaphore_mem>>) src(%dma_wait3A_148 : memref<10000x64xf32, #tpu.memory_space<hbm>>) dst(%arg11 : memref<128x64xf32, #tpu.memory_space<vmem>>)
      "tpu.region"() ({
        %run_scoped3A = tpu.sem_alloc : memref<!tpu.dma_semaphore, #tpu.memory_space<semaphore_mem>>
        %dma_start3A_156 = arith.constant 0 : i32
        %dma_start3A_157 = tpu.memref_slice %arg7[%add3A_142, %dma_start3A_156] : memref<40x128xi32, #tpu.memory_space<vmem>> -> memref<1x128xi32, #tpu.memory_space<vmem>>
        %dma_start3A_158 = tpu.memref_squeeze %dma_start3A_157 : memref<1x128xi32, #tpu.memory_space<vmem>> -> memref<128xi32, #tpu.memory_space<vmem>>
        %dma_start3A_159 = arith.constant 0 : i32
        %dma_start3A_160 = arith.constant 0 : i32
        %dma_start3A_161 = tpu.memref_slice %arg12[%dma_start3A_159, %dma_start3A_160] : memref<10240x64xf32, #tpu.memory_space<vmem_shared>> -> memref<10240x64xf32, #tpu.memory_space<vmem_shared>>
        tpu.enqueue_indirect_dma source(%arg11 : memref<128x64xf32, #tpu.memory_space<vmem>>) target(%dma_start3A_161 : memref<10240x64xf32, #tpu.memory_space<vmem_shared>>) offsets(%dma_start3A_158 : memref<128xi32, #tpu.memory_space<vmem>>) semaphore(%run_scoped3A : memref<!tpu.dma_semaphore, #tpu.memory_space<semaphore_mem>>) {add = true}
        %dma_wait3A_162 = arith.constant 0 : i32
        %dma_wait3A_163 = tpu.memref_slice %arg7[%add3A_142, %dma_wait3A_162] : memref<40x128xi32, #tpu.memory_space<vmem>> -> memref<1x128xi32, #tpu.memory_space<vmem>>
        %dma_wait3A_164 = tpu.memref_squeeze %dma_wait3A_163 : memref<1x128xi32, #tpu.memory_space<vmem>> -> memref<128xi32, #tpu.memory_space<vmem>>
        %dma_wait3A_165 = arith.constant 0 : i32
        %dma_wait3A_166 = arith.constant 0 : i32
        %dma_wait3A_167 = tpu.memref_slice %arg12[%dma_wait3A_165, %dma_wait3A_166] : memref<10240x64xf32, #tpu.memory_space<vmem_shared>> -> memref<10240x64xf32, #tpu.memory_space<vmem_shared>>
        tpu.wait_indirect_dma semaphore(%run_scoped3A : memref<!tpu.dma_semaphore, #tpu.memory_space<semaphore_mem>>) src(%arg11 : memref<128x64xf32, #tpu.memory_space<vmem>>) dst(%dma_wait3A_167 : memref<10240x64xf32, #tpu.memory_space<vmem_shared>>)
        tpu.yield
      }) : () -> ()
      %add3A_149 = arith.constant 1 : i32
      %add3A_150 = arith.addi %scan3A_97, %add3A_149 : i32
      %lt3A_151 = arith.constant 10 : i32
      %lt3A_152 = arith.cmpi slt, %add3A_150, %lt3A_151 : i32
      %convert_element_type3A_153 = arith.extui %lt3A_152 : i1 to i32
      %cond3A_154 = arith.constant 0 : i32
      %cond3A_155 = arith.cmpi ne, %convert_element_type3A_153, %cond3A_154 : i32
      scf.if %cond3A_155 {
        %add3A_156 = arith.constant 4 : i32
        %add3A_157 = arith.addi %add3A_142, %add3A_156 : i32
        %dma_start3A_158 = arith.constant 0 : i32
        %dma_start3A_159 = tpu.memref_slice %arg6[%add3A_157, %dma_start3A_158] : memref<40x128xi32, #tpu.memory_space<vmem>> -> memref<1x128xi32, #tpu.memory_space<vmem>>
        %dma_start3A_160 = tpu.memref_squeeze %dma_start3A_159 : memref<1x128xi32, #tpu.memory_space<vmem>> -> memref<128xi32, #tpu.memory_space<vmem>>
        %dma_start3A_161 = arith.constant 0 : i32
        %dma_start3A_162 = arith.constant 0 : i32
        %dma_start3A_163 = tpu.memref_slice %arg2[%dma_start3A_161, %dma_start3A_162] : memref<10000x64xf32, #tpu.memory_space<hbm>> -> memref<10000x64xf32, #tpu.memory_space<hbm>>
        tpu.enqueue_indirect_dma source(%dma_start3A_163 : memref<10000x64xf32, #tpu.memory_space<hbm>>) target(%arg11 : memref<128x64xf32, #tpu.memory_space<vmem>>) offsets(%dma_start3A_160 : memref<128xi32, #tpu.memory_space<vmem>>) semaphore(%arg16 : memref<!tpu.dma_semaphore, #tpu.memory_space<semaphore_mem>>)
      } else {
      }
    }
    %scan3A_93 = arith.constant 10 : i32
    %barrier3A_94 = arith.constant 0 : index
    tpu.barrier barrier_id(%barrier3A_94)
    %mul3A_95 = arith.constant 640 : i32
    %mul3A_96 = arith.muli %arg1, %mul3A_95 : i32
    "tpu.region"() ({
      %run_scoped3A = tpu.sem_alloc : memref<!tpu.dma_semaphore, #tpu.memory_space<semaphore_mem>>
      %dma_start3A_97 = arith.constant 0 : i32
      %dma_start3A_98 = tpu.memref_slice %arg5[%arg0, %mul3A_96, %dma_start3A_97] : memref<2x10240x64xf32, #tpu.memory_space<hbm>> -> memref<1x640x64xf32, #tpu.memory_space<hbm>>
      %dma_start3A_99 = tpu.memref_squeeze %dma_start3A_98 : memref<1x640x64xf32, #tpu.memory_space<hbm>> -> memref<640x64xf32, #tpu.memory_space<hbm>>
      %dma_start3A_100 = arith.constant 0 : i32
      %dma_start3A_101 = tpu.memref_slice %arg12[%mul3A_96, %dma_start3A_100] : memref<10240x64xf32, #tpu.memory_space<vmem_shared>> -> memref<640x64xf32, #tpu.memory_space<vmem_shared>>
      tpu.enqueue_dma source(%dma_start3A_101 : memref<640x64xf32, #tpu.memory_space<vmem_shared>>) target(%dma_start3A_99 : memref<640x64xf32, #tpu.memory_space<hbm>>) target_semaphore(%run_scoped3A : memref<!tpu.dma_semaphore, #tpu.memory_space<semaphore_mem>>)
      %dma_wait3A = arith.constant 0 : i32
      %dma_wait3A_102 = tpu.memref_slice %arg5[%arg0, %mul3A_96, %dma_wait3A] : memref<2x10240x64xf32, #tpu.memory_space<hbm>> -> memref<1x640x64xf32, #tpu.memory_space<hbm>>
      %dma_wait3A_103 = tpu.memref_squeeze %dma_wait3A_102 : memref<1x640x64xf32, #tpu.memory_space<hbm>> -> memref<640x64xf32, #tpu.memory_space<hbm>>
      %dma_wait3A_104 = arith.constant 0 : i32
      %dma_wait3A_105 = tpu.memref_slice %arg12[%mul3A_96, %dma_wait3A_104] : memref<10240x64xf32, #tpu.memory_space<vmem_shared>> -> memref<640x64xf32, #tpu.memory_space<vmem_shared>>
      tpu.wait_dma2 semaphore(%run_scoped3A : memref<!tpu.dma_semaphore, #tpu.memory_space<semaphore_mem>>) src(%dma_wait3A_105 : memref<640x64xf32, #tpu.memory_space<vmem_shared>>) dst(%dma_wait3A_103 : memref<640x64xf32, #tpu.memory_space<hbm>>)
      tpu.yield
    }) : () -> ()
    return
  }
}

module attributes {stable_mosaic.version = 14 : i64} {
  func.func @_dis_tc_body(%arg0: memref<32x10240xf32, #tpu.memory_space<vmem>>, %arg1: memref<1x10240xf32, #tpu.memory_space<vmem>>) attributes {dimension_semantics = [], scalar_prefetch = 0 : i64, scratch_operands = 0 : i64, tpu.core_type = #tpu.core_type<tc>} {
    %get3A = arith.constant 0 : index
    %get3A_0 = arith.constant 0 : index
    %get3A_1 = vector.load %arg0[%get3A, %get3A_0] : memref<32x10240xf32, #tpu.memory_space<vmem>>, vector<32x10240xf32>
    %reduce_sum3A = arith.constant dense<0.000000e+00> : vector<10240xf32>
    %reduce_sum3A_2 = vector.multi_reduction <add>, %get3A_1, %reduce_sum3A [0] : vector<32x10240xf32> to vector<10240xf32>
    %broadcast_in_dim3A = vector.shape_cast %reduce_sum3A_2 : vector<10240xf32> to vector<1x10240xf32>
    %add3A = arith.constant 1.000000e+00 : f32
    %add3A_3 = vector.broadcast %add3A : f32 to vector<1x10240xf32>
    %add3A_4 = arith.addf %broadcast_in_dim3A, %add3A_3 : vector<1x10240xf32>
    %rsqrt3A = math.rsqrt %add3A_4 : vector<1x10240xf32>
    %swap3A = arith.constant 0 : index
    %swap3A_5 = arith.constant 0 : index
    %swap3A_6 = vector.load %arg1[%swap3A, %swap3A_5] : memref<1x10240xf32, #tpu.memory_space<vmem>>, vector<1x10240xf32>
    tpu.vector_store %arg1[%swap3A, %swap3A_5], %rsqrt3A {strides = array<i32>} : memref<1x10240xf32, #tpu.memory_space<vmem>>, vector<1x10240xf32>,
    return
  }
}

module attributes {stable_mosaic.version = 14 : i64} {
  func.func @_matmul_tc_body(%arg0: i32, %arg1: memref<2000x128xf32, #tpu.memory_space<vmem>>, %arg2: memref<128x256xf32, #tpu.memory_space<vmem>>, %arg3: memref<2000x1xf32, #tpu.memory_space<vmem>>, %arg4: memref<2000x192xf32, #tpu.memory_space<vmem>>, %arg5: memref<2000x128xf32, #tpu.memory_space<vmem>>, %arg6: memref<2000x64xf32, #tpu.memory_space<vmem>>) attributes {dimension_semantics = [#tpu.dimension_semantics<arbitrary>], iteration_bounds = array<i64: 5>, scalar_prefetch = 0 : i64, scratch_operands = 0 : i64, tpu.core_type = #tpu.core_type<tc>, window_params = [{transform_indices = @transform_0, window_bounds = array<i64: 2000, 128>}, {pipeline_mode = #tpu.pipeline_mode<synchronous>, transform_indices = @transform_1, window_bounds = array<i64: 128, 256>}, {transform_indices = @transform_2, window_bounds = array<i64: 2000, 1>}, {transform_indices = @transform_3, window_bounds = array<i64: 2000, 192>}, {transform_indices = @transform_4, window_bounds = array<i64: 2000, 128>}, {transform_indices = @transform_5, window_bounds = array<i64: 2000, 64>}]} {
    %get3A = arith.constant 0 : index
    %get3A_0 = arith.constant 0 : index
    %get3A_1 = vector.load %arg1[%get3A, %get3A_0] : memref<2000x128xf32, #tpu.memory_space<vmem>>, vector<2000x128xf32>
    %get3A_2 = arith.constant 0 : index
    %get3A_3 = arith.constant 0 : index
    %get3A_4 = vector.load %arg2[%get3A_2, %get3A_3] : memref<128x256xf32, #tpu.memory_space<vmem>>, vector<128x256xf32>
    %dot_general3A = arith.constant dense<0.000000e+00> : vector<2000x256xf32>
    %dot_general3A_5 = tpu.matmul %get3A_1, %get3A_4, %dot_general3A {dimension_numbers = #tpu.dot_dimension_numbers<[1], [0], [0], [1], [0, 0, 1, 1], [], []>, transpose_lhs_hint = false} : vector<2000x128xf32>, vector<128x256xf32>, vector<2000x256xf32> -> vector<2000x256xf32>
    %slice3A = vector.extract_strided_slice %dot_general3A_5 {offsets = [0, 0], sizes = [2000, 192], strides = [1, 1]} : vector<2000x256xf32> to vector<2000x192xf32>
    %swap3A = arith.constant 0 : index
    %swap3A_6 = arith.constant 0 : index
    %swap3A_7 = vector.load %arg4[%swap3A, %swap3A_6] : memref<2000x192xf32, #tpu.memory_space<vmem>>, vector<2000x192xf32>
    tpu.vector_store %arg4[%swap3A, %swap3A_6], %slice3A {strides = array<i32>} : memref<2000x192xf32, #tpu.memory_space<vmem>>, vector<2000x192xf32>,
    %slice3A_8 = vector.extract_strided_slice %dot_general3A_5 {offsets = [0, 192], sizes = [2000, 64], strides = [1, 1]} : vector<2000x256xf32> to vector<2000x64xf32>
    %swap3A_9 = arith.constant 0 : index
    %swap3A_10 = arith.constant 0 : index
    %swap3A_11 = vector.load %arg6[%swap3A_9, %swap3A_10] : memref<2000x64xf32, #tpu.memory_space<vmem>>, vector<2000x64xf32>
    tpu.vector_store %arg6[%swap3A_9, %swap3A_10], %slice3A_8 {strides = array<i32>} : memref<2000x64xf32, #tpu.memory_space<vmem>>, vector<2000x64xf32>,
    %slice3A_12 = vector.extract_strided_slice %dot_general3A_5 {offsets = [0, 0], sizes = [2000, 128], strides = [1, 1]} : vector<2000x256xf32> to vector<2000x128xf32>
    %get3A_13 = arith.constant 0 : index
    %get3A_14 = arith.constant 0 : index
    %get3A_15 = vector.load %arg3[%get3A_13, %get3A_14] : memref<2000x1xf32, #tpu.memory_space<vmem>>, vector<2000x1xf32>
    %mul3A = vector.broadcast %get3A_15 : vector<2000x1xf32> to vector<2000x128xf32>
    %mul3A_16 = arith.mulf %slice3A_12, %mul3A : vector<2000x128xf32>
    %swap3A_17 = arith.constant 0 : index
    %swap3A_18 = arith.constant 0 : index
    %swap3A_19 = vector.load %arg5[%swap3A_17, %swap3A_18] : memref<2000x128xf32, #tpu.memory_space<vmem>>, vector<2000x128xf32>
    tpu.vector_store %arg5[%swap3A_17, %swap3A_18], %mul3A_16 {strides = array<i32>} : memref<2000x128xf32, #tpu.memory_space<vmem>>, vector<2000x128xf32>,
    return
  }
  func.func @transform_0(%arg0: i32) -> (i32, i32) {
    %c0_i32 = arith.constant 0 : i32
    %c0_i32_0 = arith.constant 0 : i32
    return %arg0, %c0_i32 : i32, i32
  }
  func.func @transform_1(%arg0: i32) -> (i32, i32) {
    %c0_i32 = arith.constant 0 : i32
    %c0_i32_0 = arith.constant 0 : i32
    %c0_i32_1 = arith.constant 0 : i32
    return %c0_i32, %c0_i32_0 : i32, i32
  }
  func.func @transform_2(%arg0: i32) -> (i32, i32) {
    %c0_i32 = arith.constant 0 : i32
    %c0_i32_0 = arith.constant 0 : i32
    return %arg0, %c0_i32 : i32, i32
  }
  func.func @transform_3(%arg0: i32) -> (i32, i32) {
    %c0_i32 = arith.constant 0 : i32
    %c0_i32_0 = arith.constant 0 : i32
    return %arg0, %c0_i32 : i32, i32
  }
  func.func @transform_4(%arg0: i32) -> (i32, i32) {
    %c0_i32 = arith.constant 0 : i32
    %c0_i32_0 = arith.constant 0 : i32
    return %arg0, %c0_i32 : i32, i32
  }
  func.func @transform_5(%arg0: i32) -> (i32, i32) {
    %c0_i32 = arith.constant 0 : i32
    %c0_i32_0 = arith.constant 0 : i32
    return %arg0, %c0_i32 : i32, i32
  }
}

module attributes {stable_mosaic.version = 14 : i64} {
  func.func @_mid_tc_body(%arg0: i32, %arg1: memref<2x2000x128xf32, #tpu.memory_space<vmem>>, %arg2: memref<2000x192xf32, #tpu.memory_space<vmem>>, %arg3: memref<2000x1xf32, #tpu.memory_space<vmem>>, %arg4: memref<128x64xf32, #tpu.memory_space<vmem>>, %arg5: memref<1x128xf32, #tpu.memory_space<vmem>>, %arg6: memref<2000x64xf32, #tpu.memory_space<vmem>>, %arg7: memref<2000x64xf32, #tpu.memory_space<vmem>>) attributes {dimension_semantics = [#tpu.dimension_semantics<arbitrary>], iteration_bounds = array<i64: 5>, scalar_prefetch = 0 : i64, scratch_operands = 0 : i64, tpu.core_type = #tpu.core_type<tc>, window_params = [{transform_indices = @transform_0, window_bounds = array<i64: 2, 2000, 128>}, {transform_indices = @transform_1, window_bounds = array<i64: 2000, 192>}, {transform_indices = @transform_2, window_bounds = array<i64: 2000, 1>}, {pipeline_mode = #tpu.pipeline_mode<synchronous>, transform_indices = @transform_3, window_bounds = array<i64: 128, 64>}, {pipeline_mode = #tpu.pipeline_mode<synchronous>, transform_indices = @transform_4, window_bounds = array<i64: 1, 128>}, {transform_indices = @transform_5, window_bounds = array<i64: 2000, 64>}, {transform_indices = @transform_6, window_bounds = array<i64: 2000, 64>}]} {
    %get3A = arith.constant 0 : index
    %get3A_0 = arith.constant 0 : index
    %get3A_1 = vector.load %arg3[%get3A, %get3A_0] : memref<2000x1xf32, #tpu.memory_space<vmem>>, vector<2000x1xf32>
    %get3A_2 = arith.constant 0 : index
    %get3A_3 = arith.constant 0 : index
    %get3A_4 = arith.constant 0 : index
    %get3A_5 = vector.load %arg1[%get3A_2, %get3A_3, %get3A_4] : memref<2x2000x128xf32, #tpu.memory_space<vmem>>, vector<1x2000x128xf32>
    %get3A_6 = vector.shape_cast %get3A_5 : vector<1x2000x128xf32> to vector<2000x128xf32>
    %get3A_7 = arith.constant 1 : index
    %get3A_8 = arith.constant 0 : index
    %get3A_9 = arith.constant 0 : index
    %get3A_10 = vector.load %arg1[%get3A_7, %get3A_8, %get3A_9] : memref<2x2000x128xf32, #tpu.memory_space<vmem>>, vector<1x2000x128xf32>
    %get3A_11 = vector.shape_cast %get3A_10 : vector<1x2000x128xf32> to vector<2000x128xf32>
    %add3A = arith.addf %get3A_6, %get3A_11 : vector<2000x128xf32>
    %get3A_12 = arith.constant 0 : index
    %get3A_13 = arith.constant 0 : index
    %get3A_14 = vector.load %arg2[%get3A_12, %get3A_13] : memref<2000x192xf32, #tpu.memory_space<vmem>>, vector<2000x128xf32>
    %mul3A = vector.broadcast %get3A_1 : vector<2000x1xf32> to vector<2000x128xf32>
    %mul3A_15 = arith.mulf %mul3A, %add3A : vector<2000x128xf32>
    %mul3A_16 = arith.mulf %get3A_1, %get3A_1 : vector<2000x1xf32>
    %mul3A_17 = vector.broadcast %mul3A_16 : vector<2000x1xf32> to vector<2000x128xf32>
    %mul3A_18 = arith.mulf %mul3A_17, %get3A_14 : vector<2000x128xf32>
    %add3A_19 = arith.addf %mul3A_15, %mul3A_18 : vector<2000x128xf32>
    %get3A_20 = arith.constant 0 : index
    %get3A_21 = arith.constant 0 : index
    %get3A_22 = vector.load %arg5[%get3A_20, %get3A_21] : memref<1x128xf32, #tpu.memory_space<vmem>>, vector<1x128xf32>
    %add3A_23 = vector.broadcast %get3A_22 : vector<1x128xf32> to vector<2000x128xf32>
    %add3A_24 = arith.addf %add3A_19, %add3A_23 : vector<2000x128xf32>
    %max3A = arith.constant 0.000000e+00 : f32
    %max3A_25 = vector.broadcast %max3A : f32 to vector<2000x128xf32>
    %max3A_26 = arith.maximumf %add3A_24, %max3A_25 : vector<2000x128xf32>
    %get3A_27 = arith.constant 0 : index
    %get3A_28 = arith.constant 128 : index
    %get3A_29 = vector.load %arg2[%get3A_27, %get3A_28] : memref<2000x192xf32, #tpu.memory_space<vmem>>, vector<2000x64xf32>
    %get3A_30 = arith.constant 0 : index
    %get3A_31 = arith.constant 0 : index
    %get3A_32 = vector.load %arg4[%get3A_30, %get3A_31] : memref<128x64xf32, #tpu.memory_space<vmem>>, vector<128x64xf32>
    %dot_general3A = arith.constant dense<0.000000e+00> : vector<2000x64xf32>
    %dot_general3A_33 = tpu.matmul %max3A_26, %get3A_32, %dot_general3A {dimension_numbers = #tpu.dot_dimension_numbers<[1], [0], [0], [1], [0, 0, 1, 1], [], []>, transpose_lhs_hint = false} : vector<2000x128xf32>, vector<128x64xf32>, vector<2000x64xf32> -> vector<2000x64xf32>
    %add3A_34 = arith.addf %get3A_29, %dot_general3A_33 : vector<2000x64xf32>
    %swap3A = arith.constant 0 : index
    %swap3A_35 = arith.constant 0 : index
    %swap3A_36 = vector.load %arg7[%swap3A, %swap3A_35] : memref<2000x64xf32, #tpu.memory_space<vmem>>, vector<2000x64xf32>
    tpu.vector_store %arg7[%swap3A, %swap3A_35], %add3A_34 {strides = array<i32>} : memref<2000x64xf32, #tpu.memory_space<vmem>>, vector<2000x64xf32>,
    %mul3A_37 = vector.broadcast %get3A_1 : vector<2000x1xf32> to vector<2000x64xf32>
    %mul3A_38 = arith.mulf %mul3A_37, %add3A_34 : vector<2000x64xf32>
    %swap3A_39 = arith.constant 0 : index
    %swap3A_40 = arith.constant 0 : index
    %swap3A_41 = vector.load %arg6[%swap3A_39, %swap3A_40] : memref<2000x64xf32, #tpu.memory_space<vmem>>, vector<2000x64xf32>
    tpu.vector_store %arg6[%swap3A_39, %swap3A_40], %mul3A_38 {strides = array<i32>} : memref<2000x64xf32, #tpu.memory_space<vmem>>, vector<2000x64xf32>,
    return
  }
  func.func @transform_0(%arg0: i32) -> (i32, i32, i32) {
    %c0_i32 = arith.constant 0 : i32
    %c0_i32_0 = arith.constant 0 : i32
    %c0_i32_1 = arith.constant 0 : i32
    return %c0_i32, %arg0, %c0_i32_0 : i32, i32, i32
  }
  func.func @transform_1(%arg0: i32) -> (i32, i32) {
    %c0_i32 = arith.constant 0 : i32
    %c0_i32_0 = arith.constant 0 : i32
    return %arg0, %c0_i32 : i32, i32
  }
  func.func @transform_2(%arg0: i32) -> (i32, i32) {
    %c0_i32 = arith.constant 0 : i32
    %c0_i32_0 = arith.constant 0 : i32
    return %arg0, %c0_i32 : i32, i32
  }
  func.func @transform_3(%arg0: i32) -> (i32, i32) {
    %c0_i32 = arith.constant 0 : i32
    %c0_i32_0 = arith.constant 0 : i32
    %c0_i32_1 = arith.constant 0 : i32
    return %c0_i32, %c0_i32_0 : i32, i32
  }
  func.func @transform_4(%arg0: i32) -> (i32, i32) {
    %c0_i32 = arith.constant 0 : i32
    %c0_i32_0 = arith.constant 0 : i32
    %c0_i32_1 = arith.constant 0 : i32
    return %c0_i32, %c0_i32_0 : i32, i32
  }
  func.func @transform_5(%arg0: i32) -> (i32, i32) {
    %c0_i32 = arith.constant 0 : i32
    %c0_i32_0 = arith.constant 0 : i32
    return %arg0, %c0_i32 : i32, i32
  }
  func.func @transform_6(%arg0: i32) -> (i32, i32) {
    %c0_i32 = arith.constant 0 : i32
    %c0_i32_0 = arith.constant 0 : i32
    return %arg0, %c0_i32 : i32, i32
  }
}

module attributes {stable_mosaic.version = 14 : i64} {
  func.func @_final_tc_body(%arg0: i32, %arg1: memref<2x2000x64xf32, #tpu.memory_space<vmem>>, %arg2: memref<2000x64xf32, #tpu.memory_space<vmem>>, %arg3: memref<2000x64xf32, #tpu.memory_space<vmem>>, %arg4: memref<2000x1xf32, #tpu.memory_space<vmem>>, %arg5: memref<1x64xf32, #tpu.memory_space<vmem>>, %arg6: memref<2000x64xf32, #tpu.memory_space<vmem>>) attributes {dimension_semantics = [#tpu.dimension_semantics<arbitrary>], iteration_bounds = array<i64: 5>, scalar_prefetch = 0 : i64, scratch_operands = 0 : i64, tpu.core_type = #tpu.core_type<tc>, window_params = [{transform_indices = @transform_0, window_bounds = array<i64: 2, 2000, 64>}, {transform_indices = @transform_1, window_bounds = array<i64: 2000, 64>}, {transform_indices = @transform_2, window_bounds = array<i64: 2000, 64>}, {transform_indices = @transform_3, window_bounds = array<i64: 2000, 1>}, {pipeline_mode = #tpu.pipeline_mode<synchronous>, transform_indices = @transform_4, window_bounds = array<i64: 1, 64>}, {transform_indices = @transform_5, window_bounds = array<i64: 2000, 64>}]} {
    %get3A = arith.constant 0 : index
    %get3A_0 = arith.constant 0 : index
    %get3A_1 = vector.load %arg4[%get3A, %get3A_0] : memref<2000x1xf32, #tpu.memory_space<vmem>>, vector<2000x1xf32>
    %get3A_2 = arith.constant 0 : index
    %get3A_3 = arith.constant 0 : index
    %get3A_4 = arith.constant 0 : index
    %get3A_5 = vector.load %arg1[%get3A_2, %get3A_3, %get3A_4] : memref<2x2000x64xf32, #tpu.memory_space<vmem>>, vector<1x2000x64xf32>
    %get3A_6 = vector.shape_cast %get3A_5 : vector<1x2000x64xf32> to vector<2000x64xf32>
    %get3A_7 = arith.constant 1 : index
    %get3A_8 = arith.constant 0 : index
    %get3A_9 = arith.constant 0 : index
    %get3A_10 = vector.load %arg1[%get3A_7, %get3A_8, %get3A_9] : memref<2x2000x64xf32, #tpu.memory_space<vmem>>, vector<1x2000x64xf32>
    %get3A_11 = vector.shape_cast %get3A_10 : vector<1x2000x64xf32> to vector<2000x64xf32>
    %add3A = arith.addf %get3A_6, %get3A_11 : vector<2000x64xf32>
    %mul3A = vector.broadcast %get3A_1 : vector<2000x1xf32> to vector<2000x64xf32>
    %mul3A_12 = arith.mulf %mul3A, %add3A : vector<2000x64xf32>
    %mul3A_13 = arith.mulf %get3A_1, %get3A_1 : vector<2000x1xf32>
    %get3A_14 = arith.constant 0 : index
    %get3A_15 = arith.constant 0 : index
    %get3A_16 = vector.load %arg2[%get3A_14, %get3A_15] : memref<2000x64xf32, #tpu.memory_space<vmem>>, vector<2000x64xf32>
    %mul3A_17 = vector.broadcast %mul3A_13 : vector<2000x1xf32> to vector<2000x64xf32>
    %mul3A_18 = arith.mulf %mul3A_17, %get3A_16 : vector<2000x64xf32>
    %add3A_19 = arith.addf %mul3A_12, %mul3A_18 : vector<2000x64xf32>
    %get3A_20 = arith.constant 0 : index
    %get3A_21 = arith.constant 0 : index
    %get3A_22 = vector.load %arg5[%get3A_20, %get3A_21] : memref<1x64xf32, #tpu.memory_space<vmem>>, vector<1x64xf32>
    %add3A_23 = vector.broadcast %get3A_22 : vector<1x64xf32> to vector<2000x64xf32>
    %add3A_24 = arith.addf %add3A_19, %add3A_23 : vector<2000x64xf32>
    %get3A_25 = arith.constant 0 : index
    %get3A_26 = arith.constant 0 : index
    %get3A_27 = vector.load %arg3[%get3A_25, %get3A_26] : memref<2000x64xf32, #tpu.memory_space<vmem>>, vector<2000x64xf32>
    %add3A_28 = arith.addf %add3A_24, %get3A_27 : vector<2000x64xf32>
    %swap3A = arith.constant 0 : index
    %swap3A_29 = arith.constant 0 : index
    %swap3A_30 = vector.load %arg6[%swap3A, %swap3A_29] : memref<2000x64xf32, #tpu.memory_space<vmem>>, vector<2000x64xf32>
    tpu.vector_store %arg6[%swap3A, %swap3A_29], %add3A_28 {strides = array<i32>} : memref<2000x64xf32, #tpu.memory_space<vmem>>, vector<2000x64xf32>,
    return
  }
  func.func @transform_0(%arg0: i32) -> (i32, i32, i32) {
    %c0_i32 = arith.constant 0 : i32
    %c0_i32_0 = arith.constant 0 : i32
    %c0_i32_1 = arith.constant 0 : i32
    return %c0_i32, %arg0, %c0_i32_0 : i32, i32, i32
  }
  func.func @transform_1(%arg0: i32) -> (i32, i32) {
    %c0_i32 = arith.constant 0 : i32
    %c0_i32_0 = arith.constant 0 : i32
    return %arg0, %c0_i32 : i32, i32
  }
  func.func @transform_2(%arg0: i32) -> (i32, i32) {
    %c0_i32 = arith.constant 0 : i32
    %c0_i32_0 = arith.constant 0 : i32
    return %arg0, %c0_i32 : i32, i32
  }
  func.func @transform_3(%arg0: i32) -> (i32, i32) {
    %c0_i32 = arith.constant 0 : i32
    %c0_i32_0 = arith.constant 0 : i32
    return %arg0, %c0_i32 : i32, i32
  }
  func.func @transform_4(%arg0: i32) -> (i32, i32) {
    %c0_i32 = arith.constant 0 : i32
    %c0_i32_0 = arith.constant 0 : i32
    %c0_i32_1 = arith.constant 0 : i32
    return %c0_i32, %c0_i32_0 : i32, i32
  }
  func.func @transform_5(%arg0: i32) -> (i32, i32) {
    %c0_i32 = arith.constant 0 : i32
    %c0_i32_0 = arith.constant 0 : i32
    return %arg0, %c0_i32 : i32, i32
  }
}

</mosaic_0001>

<sc_bundles>
// kernel: kernel.12.cloned.1.call-start
scs
__scs_entry_jumppad:
0x0: {  	(pc) =	sbr.rel $0x88, $3  }
0x1: {  	(tag) =	ssettag $0x0;
	lr =	simm.s32 $0x1  }
0x2: {  	[smem:$0x3F9A] =	sst lr;
	_ =	strace $0xD0000000  }
0x3: {  	_ = 	snop  }
0x4: {  	_ = 	snop  }
0x5: {  	_ = 	snop  }
0x6: {  	_ = 	snop  }
0x7: {  	_ = 	snop  }
__scs_overlays_trampoline_lowered:
0x8: {  	[smem:$0x3FA9] =	sst s0  }
0x9: {  	[smem:$0x3FAA] =	sst s1  }
0xa: {  	[smem:$0x3FAB] =	sst s2  }
0xb: {  	[smem:$0x3FAC] =	sst s3  }
0xc: {  	[smem:$0x3FAD] =	sst s4  }
0xd: {  	[smem:$0x3FAE] =	sst s5  }
0xe: {  	[smem:$0x3FAF] =	sst s6  }
0xf: {  	[smem:$0x3FB0] =	sst s7  }
0x10: {  	[smem:$0x3FB1] =	sst s8  }
0x11: {  	[smem:$0x3FB2] =	sst s9;
	s0 =	simm.s32 @!p0 $0x0  }
0x12: {  	s1 =	sld [smem:$0x3F98];
	s0 =	simm.s32 @p0 $0x1  }
0x13: {  	[smem:$0x3FB3] =	sst s0;
	s0 =	simm.s32 @!p1 $0x0  }
0x14: {  	s2 =	sld [smem:$0x3F97];
	s0 =	simm.s32 @p1 $0x1  }
0x15: {  	[smem:$0x3FB4] =	sst s0;
	s0 =	simm.s32 @!p2 $0x0  }
0x16: {  	s3 =	sld [smem:$0x3FDB];
	s0 =	simm.s32 @p2 $0x1  }
0x17: {  	s4 =	simm.s32 $0x1BF5;
	[smem:$0x3FB6] =	sst s0  }
0x18: {  	s0 =	sld [smem:$0x3F99];
	_ =	swait.ge [sflag:s4], $0x0  }
0x19: {  	s7 =	sld [smem:$0x3F9A]  }
0x1a: {  	s8 =	sadd.s32 $0xFFFFE003, lr  }
0x1b: {  	s9 =	sadd.s32 $0xFFFFFEF7, lr;
	s5 =	simm.s32 $0xFFFFFFFF;
	p2 =	slt.u32 s8, $0xFFFFF086  }
0x1c: {  	p1 =	slt.u32 s9, $0xF7A;
	s5 =	simm.s32 @!p2 $0x0  }
0x1d: {  	s5 =	simm.s32 @p1 $0x1;
	p0 =	seq.s32 s7, s2  }
0x1e: {  	s7 =	smul.u32 @!p0 $0xF7A, s2;
	p2 =	seq.s32 @!p0 s5, $0x0  }
0x1f: {  	s9 =	smul.u32 $0xF7A, s1;
	s8 =	simm.s32 @!p0 $0x1BF5;
	p2 =	por !p2, p0  }
0x20: {  	[sflag:s8] =	ssyncset.s32 @!p0 $0xFFFFF086;
	s6 =	sadd.s32 @!p0 s3, s7;
	s7 =	simm.s32 @!p0 $0x108  }
0x21: {  	s3 =	sadd.s32 s3, s9;
	s6 =	sadd.s32 @!p0 $0x88, s6;
	s7 =	simm.s32 @p2 $0x1082  }
0x22: {  	[simem:s7], [sflag:s8] =	dma.local @!p0 [hbm:s6], $0xF7A  }
0x23: {  	s9 =	sor.u32 $0xD0000000, s2;
	s6 =	simm.s32 $0x108;
	_ =	swait.ge @!p0 [sflag:s8], $0x0  }
0x24: {  	s3 =	sadd.s32 $0x88, s3;
	s6 =	simm.s32 @!p1 $0x1082;
	[sflag:s4] =	ssyncset.s32 $0xFFFFF086  }
0x25: {  	[simem:s6], [sflag:s4] =	dma.local [hbm:s3], $0xF7A  }
0x26: {  	[smem:$0x3F9A] =	sst s1;
	(tag) =	ssettag s2;
	_ =	strace s9  }
0x27: {  	s1 =	sld [smem:$0x3FAA]  }
0x28: {  	s2 =	sld [smem:$0x3FAB]  }
0x29: {  	s4 =	sld [smem:$0x3FAD]  }
0x2a: {  	p0 =	seq.s32 s5, $0x0;
	s5 =	sld [smem:$0x3FAE]  }
0x2b: {  	s6 =	sld [smem:$0x3FAF]  }
0x2c: {  	s7 =	sld [smem:$0x3FB0]  }
0x2d: {  	s3 =	simm.s32 $0x108;
	s8 =	sld [smem:$0x3FB1]  }
0x2e: {  	s3 =	simm.s32 @!p0 $0x1082;
	s9 =	sld [smem:$0x3FB2]  }
0x2f: {  	lr =	sadd.s32 s0, s3;
	s0 =	sld [smem:$0x3FA9]  }
0x30: {  	s3 =	sld [smem:$0x3FAC]  }
0x31: {  	[smem:$0x3FB5] =	sst s10  }
0x32: {  	s10 =	sld [smem:$0x3FB3];
	_ =	sdelay $0x3  }
0x33: {  	p0 =	seq.s32 s10, $0x1;
	s10 =	sld [smem:$0x3FB5];
	_ =	sdelay $0x3  }
0x34: {  	[smem:$0x3FB5] =	sst s10  }
0x35: {  	s10 =	sld [smem:$0x3FB4];
	_ =	sdelay $0x3  }
0x36: {  	p1 =	seq.s32 s10, $0x1;
	s10 =	sld [smem:$0x3FB5];
	_ =	sdelay $0x3  }
0x37: {  	[smem:$0x3FB5] =	sst s10  }
0x38: {  	s10 =	sld [smem:$0x3FB6]  }
0x39: {  	_ = 	snop;
	(pc) =	sbr.ind lr, $3  }
0x3a: {  	_ = 	snop  }
0x3b: {  	_ = 	snop  }
0x3c: {  	p2 =	seq.s32 s10, $0x1;
	s10 =	sld [smem:$0x3FB5]  }
0x3d: {  	_ =	shalt  }
0x3e: {  	_ =	shalt  }
0x3f: {  	_ =	shalt  }
0x40: {  	_ =	shalt  }
0x41: {  	_ =	shalt  }
0x42: {  	_ =	shalt  }
0x43: {  	_ =	shalt  }
0x44: {  	_ =	shalt  }
0x45: {  	_ =	shalt  }
0x46: {  	_ =	shalt  }
0x47: {  	_ =	shalt  }
0x48: {  	_ =	shalt  }
0x49: {  	_ =	shalt  }
0x4a: {  	_ =	shalt  }
0x4b: {  	_ =	shalt  }
0x4c: {  	_ =	shalt  }
0x4d: {  	_ =	shalt  }
0x4e: {  	_ =	shalt  }
0x4f: {  	_ =	shalt  }
0x50: {  	_ =	shalt  }
0x51: {  	_ =	shalt  }
0x52: {  	_ =	shalt  }
0x53: {  	_ =	shalt  }
0x54: {  	_ =	shalt  }
0x55: {  	_ =	shalt  }
0x56: {  	_ =	shalt  }
0x57: {  	_ =	shalt  }
0x58: {  	_ =	shalt  }
0x59: {  	_ =	shalt  }
0x5a: {  	_ =	shalt  }
0x5b: {  	_ =	shalt  }
0x5c: {  	_ =	shalt  }
0x5d: {  	_ =	shalt  }
0x5e: {  	_ =	shalt  }
0x5f: {  	_ =	shalt  }
0x60: {  	_ =	shalt  }
0x61: {  	_ =	shalt  }
0x62: {  	_ =	shalt  }
0x63: {  	_ =	shalt  }
0x64: {  	_ =	shalt  }
0x65: {  	_ =	shalt  }
0x66: {  	_ =	shalt  }
0x67: {  	_ =	shalt  }
0x68: {  	_ =	shalt  }
0x69: {  	_ =	shalt  }
0x6a: {  	_ =	shalt  }
0x6b: {  	_ =	shalt  }
0x6c: {  	_ =	shalt  }
0x6d: {  	_ =	shalt  }
0x6e: {  	_ =	shalt  }
0x6f: {  	_ =	shalt  }
0x70: {  	_ =	shalt  }
0x71: {  	_ =	shalt  }
0x72: {  	_ =	shalt  }
0x73: {  	_ =	shalt  }
0x74: {  	_ =	shalt  }
0x75: {  	_ =	shalt  }
0x76: {  	_ =	shalt  }
0x77: {  	_ =	shalt  }
0x78: {  	_ =	shalt  }
0x79: {  	_ =	shalt  }
0x7a: {  	_ =	shalt  }
0x7b: {  	_ =	shalt  }
0x7c: {  	_ =	shalt  }
0x7d: {  	_ =	shalt  }
0x7e: {  	_ =	shalt  }
0x7f: {  	_ =	shalt  }
0x80: {  	_ =	shalt  }
0x81: {  	_ =	shalt  }
0x82: {  	_ =	shalt  }
0x83: {  	_ =	shalt  }
0x84: {  	_ =	shalt  }
0x85: {  	_ =	shalt  }
0x86: {  	_ =	shalt  }
0x87: {  	_ =	shalt  }
.Lfunc_end0:
.L_simem_size_0:
called_computation.1_lowered:
.L_overlay_start_0:
0x88: {  	s2 =	sld [smem:$0x3FD9]  }
0x89: {  	s3 =	sld [smem:$0x3FFE];
	_ =	sdelay $0x1  }
0x8a: {  	s1 =	srdreg.scid  }
0x8b: {  	s0 =	sand.u32 $0x1, s1  }
0x8c: {  	s16 =	sshll.u32 s0, $0xA;
	s2 =	sadd.s32 s3, s2  }
0x8d: {  	s2 =	sadd.s32 s2, s16  }
0x8e: {  	[smem:$0x3FC1] =	sst s2  }
0x8f: {  	_ = 	snop  }
0x90: {  	(tm) =	ssettm $0x1  }
0x91: {  	s17 =	sld [smem:$0x3FFB];
	_ =	sdelay $0x3  }
0x92: {  	_ =	strace s17  }
0x93: {  	s2 =	sld [smem:$0x3FFC];
	_ =	sdelay $0x3  }
0x94: {  	_ =	strace s2  }
0x95: {  	s2 =	sld [smem:$0x3FFD];
	_ =	sdelay $0x3  }
0x96: {  	_ =	strace s2  }
0x97: {  	_ =	strace $0x8FFFFFFF  }
0x98: {  	s18 =	sld [smem:$0x3FDB];
	_ =	sdelay $0x1  }
0x99: {  	s19 =	simm.s32 $_scs_section_size  }
0x9a: {  	s4 =	simm.s32 $_size__tile_overlayer_lowered;
	s5 =	simm.s32 $_tile_overlayer_lowered  }
0x9b: {  	s22 =	simm.s32 $0x1BFF;
	s21 =	sshll.u32 s5, $0x1;
	s2 =	sadd.s32 s19, s18  }
0x9c: {  	s6 =	simm.s32 $0x0;
	s20 =	sshll.u32 s4, $0x1;
	s4 =	sadd.s32 s21, s2  }
0x9d: {  	[timem:s6], [sflag:s22] =	dma.local [hbm:s4], s20  }
0x9e: {  	_ =	swait.ge [sflag:s22], s20  }
0x9f: {  	s3 =	ssub.s32 $0x0, s20;
	[sflag:s22] =	ssyncset.done $0x0  }
0xa0: {  	[sflag:s22] =	ssyncadd.s32 s3;
	_ =	sdelay $0x1  }
0xa1: {  	s23 =	simm.s32 $0x1B8B  }
0xa2: {  	_ =	swait.ge [sflag:s23], $0x1  }
0xa3: {  	[sflag:s23] =	ssyncset.done $0x0  }
0xa4: {  	s25 =	simm.s32 $0x1B8E;
	s24 =	sld [smem:$0x3FFE];
	[sflag:s23] =	ssyncadd.s32 $0xFFFFFFFF  }
0xa5: {  	s26 =	simm.s32 $execute0_lowered;
	[smem:$0x3FD2] =	sst s25  }
0xa6: {  	s4 =	sshll.u32 s26, $0x1;
	_ =	strace $0x80000049;
	[dreg:$0x1] =	wrdreg $0xFFFFFFFF  }
0xa7: {  	s28 =	simm.s32 $_size_execute0_lowered;
	s2 =	sadd.s32 s2, s4;
	[dreg:$0x0] =	wrdreg $0x0  }
0xa8: {  	s4 =	sshll.u32 s28, $0x1;
	[dreg:$0x2] =	wrdreg s2  }
0xa9: {  	[dreg:$0x3] =	wrdreg s4  }
0xaa: {  	[dreg:$0x4] =	wrdreg $0xC0  }
0xab: {  	_ =	task [dreg:s6], $0x5FFFF  }
0xac: {  	[dreg:$0x1] =	wrdreg $0xFFFFFFFF  }
0xad: {  	[dreg:$0x0] =	wrdreg $0x60  }
0xae: {  	[dreg:$0x2] =	wrdreg s24  }
0xaf: {  	[dreg:$0x3] =	wrdreg $0xA8000  }
0xb0: {  	[dreg:$0x4] =	wrdreg $0x9  }
0xb1: {  	_ =	task.clear_ibuf [dreg:s6], $0x5FFFF;
	_ =	strace $0x90000049  }
0xb2: {  	s29 =	simm.s32 $0x9;
	_ =	strace $0x8000004B  }
0xb3: {  	_ =	swait.ge [sflag:s29], $0x1  }
0xb4: {  	[sflag:s29] =	ssyncadd.s32 $0xFFFFFFFF  }
0xb5: {  	_ =	strace $0x9000004B  }
0xb6: {  	_ =	sfence  }
0xb7: {  	s30 =	sld [smem:$0x0];
	_ =	sdelay $0x2  }
0xb8: {  	s31 =	sshll.u32 s1, $0xD;
	s1 =	sshrl.u32 s1, $0x2  }
0xb9: {  	s3 =	sand.u32 $0x4000, s31;
	s1 =	sadd.s32 s1, s30  }
0xba: {  	s0 =	sor.u32 s3, s0;
	s1 =	sshll.u32 s1, $0x11  }
0xbb: {  	s0 =	sor.u32 s1, s0  }
0xbc: {  	s0 =	sadd.s32 $0x8F2B, s0  }
0xbd: {  	[sflag:s0] =	ssyncadd.remote.s32 $0x1  }
0xbe: {  	_ =	sfence.sel $0xFFFF  }
0xbf: {  	[dreg:$0x0] =	wrdreg $0xFFFFFFFF;
	(pc) =	sbr.abs _section_cstart, $3  }
0xc0: {  	[dreg:$0x1] =	wrdreg $0xFFFFFFFF  }
0xc1: {  	_ =	task.clear_ibuf [dreg:s6], $0x2FFFF;
	_ =	strace $0x9FFFFFFF  }
0xc2: {  	(tm) =	ssettm $0x7FFFFFFF  }
0xc3: {  	_ =	shalt  }
tec
execute0_lowered:
.L_overlay_start_1:
0x0: {  	(tag) =	ssettag $0x1  }
0x1: {  	s5 =	rddreg [dreg:$0x0]  }
0x2: {  	s1 =	rddreg [dreg:$0x1]  }
0x3: {  	s0 =	rddreg [dreg:$0x2];
	s3 =	simm.s32 $0x0;
	s2 =	srdreg.scid  }
0x4: {  	s17 =	simm.s32 $0x3;
	s18 =	simm.s32 $0x1400;
	s19 =	simm.s32 $0x80  }
0x5: {  	s20 =	simm.s32 $0x6800;
	s21 =	simm.s32 $0x1;
	s22 =	simm.s32 $0x2  }
0x6: {  	s23 =	simm.s32 $0x2700;
	[smem:$0x7FF] =	sst s3;
	s6 =	sand.u32 $0x1, s2  }
0x7: {  	s24 =	simm.s32 $0x2780;
	s2 =	stileid.u32;
	s7 =	smul.u32 $0x140000, s6  }
0x8: {  	s4 =	sadd.s32 $0x64400, s5;
	s12 =	sadd.s32 $0xC200, s5;
	s8 =	smul.u32 $0x14000, s2  }
0x9: {  	s13 =	sadd.s32 $0x2200, s5;
	s30 =	sshll.u32 s2, $0x1;
	s9 =	smul.u32 $0x50000, s2  }
0xa: {  	_ =	strace $0x8000004A;
	s10 =	ssub.s32 $0x2, s6;
	s6 =	sor.u32 s6, s30  }
0xb: {  	s31 =	sshrl.u32 s10, $0x1;
	s7 =	sadd.s32 s8, s7;
	s9 =	sshrl.u32 s9, $0x2  }
0xc: {  	s11 =	smul.u32 $0x2800, s6;
	s15 =	ssub.s32 s10, s31;
	s7 =	sshrl.u32 s7, $0x3  }
0xd: {  	s15 =	smax.u32 s15, $0x1;
	s14 =	sadd.s32 s7, s5;
	s5 =	sadd.s32 s9, s1  }
0xe: {  	s11 =	sshrl.u32 s11, $0x3;
	s6 =	sadd.s32 $0x4000, s5;
	s7 =	sadd.s32 $0x8000, s5  }
0xf: {  	s8 =	sadd.s32 $0xC000, s5;
	s9 =	sadd.s32 $0x10000, s5;
	s16 =	sadd.s32 $0x280, s11  }
0x10: {  	s10 =	sadd.s32 s12, s11;
	s11 =	sadd.s32 s13, s11;
	s14 =	sadd.s32 $0x8B600, s14  }
0x11: {  	v0 =	vimm.f32 $0.0e+00;
	s12 =	sadd.s32 s12, s16;
	s13 =	sadd.s32 s13, s16;
	s16 =	simm.s32 $0x2800  }
.LBB2_1:
0x12: {  	s25 =	simm.s32 $0x0;
	s26 =	simm.s32 $0x200  }
.LBB2_2:
0x13: {  	p0 =	sne.s32 s26, $0xFE00;
	[tilespmem:s25+$0x2870] =	vst v0  }
0x14: {  	[tilespmem:s25+$0x2800] =	vst v0  }
0x15: {  	[tilespmem:s25+$0x2810] =	vst v0  }
.Ltmp0:
0x16: {  	[tilespmem:s25+$0x2820] =	vst v0;
	(pc) =	sbr.rel @p0 .LBB2_2-.Ltmp0, $4  }
0x17: {  	[tilespmem:s25+$0x2830] =	vst v0  }
0x18: {  	[tilespmem:s25+$0x2840] =	vst v0  }
0x19: {  	[tilespmem:s25+$0x2850] =	vst v0  }
0x1a: {  	[tilespmem:s25+$0x2860] =	vst v0;
	s25 =	sshra.s32 s26, $0x2;
	s26 =	sadd.s32 $0x200, s26  }
0x1b: {  	[tilespmem:s25+$0x2870] =	vst v0  }
0x1c: {  	[tilespmem:s25+$0x2800] =	vst v0  }
0x1d: {  	[tilespmem:s25+$0x2810] =	vst v0  }
0x1e: {  	[tilespmem:s25+$0x2820] =	vst v0  }
0x1f: {  	[tilespmem:s25+$0x2830] =	vst v0  }
0x20: {  	[tilespmem:s25+$0x2840] =	vst v0  }
0x21: {  	[tilespmem:s25+$0x2850] =	vst v0  }
0x22: {  	[tilespmem:s25+$0x2860] =	vst v0  }
0x23: {  	[spmem:s5] =	stream.linear.scatter [tilespmem:s16], [sflag:$0x3], $0x4000, $0x38;
	[tilespmem:$0x1E800] =	vst v63  }
0x24: {  	_ =	swait.ge [sflag:s17], $0x4000  }
0x25: {  	[sflag:s17] =	ssyncset.done $0x0  }
0x26: {  	[sflag:s17] =	ssyncadd.s32 $0xFFFFC000  }
0x27: {  	[spmem:s6] =	stream.linear.scatter [tilespmem:s16], [sflag:$0x3], $0x4000, $0x38;
	[tilespmem:$0x1E800] =	vst v63  }
0x28: {  	_ =	swait.ge [sflag:s17], $0x4000  }
0x29: {  	[sflag:s17] =	ssyncset.done $0x0  }
0x2a: {  	[sflag:s17] =	ssyncadd.s32 $0xFFFFC000  }
0x2b: {  	[spmem:s7] =	stream.linear.scatter [tilespmem:s16], [sflag:$0x3], $0x4000, $0x38;
	[tilespmem:$0x1E800] =	vst v63  }
0x2c: {  	_ =	swait.ge [sflag:s17], $0x4000  }
0x2d: {  	[sflag:s17] =	ssyncset.done $0x0  }
0x2e: {  	[sflag:s17] =	ssyncadd.s32 $0xFFFFC000  }
0x2f: {  	[spmem:s8] =	stream.linear.scatter [tilespmem:s16], [sflag:$0x3], $0x4000, $0x38;
	[tilespmem:$0x1E800] =	vst v63  }
0x30: {  	_ =	swait.ge [sflag:s17], $0x4000  }
0x31: {  	[sflag:s17] =	ssyncset.done $0x0  }
0x32: {  	[sflag:s17] =	ssyncadd.s32 $0xFFFFC000  }
0x33: {  	[spmem:s9] =	stream.linear.scatter [tilespmem:s16], [sflag:$0x3], $0x4000, $0x38;
	[tilespmem:$0x1E800] =	vst v63  }
0x34: {  	_ =	swait.ge [sflag:s17], $0x4000  }
0x35: {  	[sflag:s17] =	ssyncset.done $0x0  }
0x36: {  	[sflag:s17] =	ssyncadd.s32 $0xFFFFC000  }
0x37: {  	s28 =	simm.s32 $0x0;
	[bflag:$0x0] =	sbarrier.arrive $0xFFFF  }
0x38: {  	[tilespmem:s28], [sflag:$0x3] =	stream.linear.gather [hbm4b:s10+s28], $0x1400, $0x38;
	[tilespmem:$0x1E800] =	vst v63  }
0x39: {  	_ =	swait.ge [sflag:s17], $0x1400  }
0x3a: {  	[sflag:s17] =	ssyncset.done $0x0  }
0x3b: {  	[sflag:s17] =	ssyncadd.s32 $0xFFFFEC00  }
0x3c: {  	[tilespmem:s18], [sflag:$0x3] =	stream.linear.gather [hbm4b:s11+s28], $0x1400, $0x38;
	[tilespmem:$0x1E800] =	vst v63  }
0x3d: {  	_ =	swait.ge [sflag:s17], $0x1400  }
0x3e: {  	[sflag:s17] =	ssyncset.done $0x0  }
0x3f: {  	[sflag:s17] =	ssyncadd.s32 $0xFFFFEC00  }
0x40: {  	[tilespmem:s16], [sflag:$0x1] =	stream.indirect.gather [hbm4b:s4+s19], $0x80, s28, s19, $0xb8;
	[tilespmem:$0x1E800] =	vst v63  }
0x41: {  	_ = 	snop  }
0x42: {  	[tilespmem:s20], [sflag:$0x2] =	stream.indirect.gather [hbm4b:s4+s19], $0x80, s19, s19, $0xb8;
	[tilespmem:$0x1E800] =	vst v63  }
0x43: {  	_ =	swait.ge [sflag:s21], $0x4000  }
0x44: {  	[sflag:s21] =	ssyncset.done $0x0  }
0x45: {  	s29 =	simm.s32 $0x1400;
	[sflag:s21] =	ssyncadd.s32 $0xFFFFC000  }
0x46: {  	[spmem:s1] =	stream.indirect.scatter.add.f32 [tilespmem:s16], [sflag:$0x3], $0x80, s29, s19, $0xb8;
	[tilespmem:$0x1E800] =	vst v63  }
0x47: {  	_ =	swait.ge [sflag:s17], $0x4000  }
0x48: {  	[sflag:s17] =	ssyncset.done $0x0  }
0x49: {  	s30 =	simm.s32 $0x100;
	[sflag:s17] =	ssyncadd.s32 $0xFFFFC000  }
0x4a: {  	[tilespmem:s16], [sflag:$0x1] =	stream.indirect.gather [hbm4b:s4+s19], $0x80, s30, s19, $0xb8;
	[tilespmem:$0x1E800] =	vst v63  }
0x4b: {  	_ =	swait.ge [sflag:s22], $0x4000  }
0x4c: {  	[sflag:s22] =	ssyncset.done $0x0  }
0x4d: {  	s31 =	simm.s32 $0x1480;
	[sflag:s22] =	ssyncadd.s32 $0xFFFFC000  }
0x4e: {  	[spmem:s1] =	stream.indirect.scatter.add.f32 [tilespmem:s20], [sflag:$0x3], $0x80, s31, s19, $0xb8;
	[tilespmem:$0x1E800] =	vst v63  }
0x4f: {  	_ =	swait.ge [sflag:s17], $0x4000  }
0x50: {  	[sflag:s17] =	ssyncset.done $0x0  }
0x51: {  	s25 =	simm.s32 $0x400;
	s26 =	simm.s32 $0x180;
	[sflag:s17] =	ssyncadd.s32 $0xFFFFC000  }
.LBB2_4:
0x52: {  	[tilespmem:s20], [sflag:$0x2] =	stream.indirect.gather [hbm4b:s4+s19], $0x80, s26, s19, $0xb8;
	[tilespmem:$0x1E800] =	vst v63  }
0x53: {  	s26 =	smov.u32 s25  }
0x54: {  	p0 =	sne.s32 s25, $0x4800;
	s25 =	sadd.s32 $0x400, s25;
	_ =	swait.ge [sflag:s21], $0x4000  }
0x55: {  	s26 =	sshra.s32 s26, $0x2;
	[sflag:s21] =	ssyncset.done $0x0  }
0x56: {  	s28 =	sadd.s32 $0x1400, s26;
	[sflag:s21] =	ssyncadd.s32 $0xFFFFC000  }
0x57: {  	[spmem:s1] =	stream.indirect.scatter.add.f32 [tilespmem:s16], [sflag:$0x3], $0x80, s28, s19, $0xb8;
	[tilespmem:$0x1E800] =	vst v63  }
0x58: {  	_ =	swait.ge [sflag:s17], $0x4000  }
0x59: {  	[sflag:s17] =	ssyncset.done $0x0  }
0x5a: {  	s28 =	sadd.s32 $0x100, s26;
	[sflag:s17] =	ssyncadd.s32 $0xFFFFC000  }
0x5b: {  	[tilespmem:s16], [sflag:$0x1] =	stream.indirect.gather [hbm4b:s4+s19], $0x80, s28, s19, $0xb8;
	[tilespmem:$0x1E800] =	vst v63  }
0x5c: {  	_ =	swait.ge [sflag:s22], $0x4000  }
0x5d: {  	[sflag:s22] =	ssyncset.done $0x0  }
.Ltmp1:
0x5e: {  	s28 =	sadd.s32 $0x1480, s26;
	[sflag:s22] =	ssyncadd.s32 $0xFFFFC000;
	(pc) =	sbr.rel @p0 .LBB2_4-.Ltmp1, $4  }
0x5f: {  	[spmem:s1] =	stream.indirect.scatter.add.f32 [tilespmem:s20], [sflag:$0x3], $0x80, s28, s19, $0xb8;
	[tilespmem:$0x1E800] =	vst v63  }
0x60: {  	_ =	swait.ge [sflag:s17], $0x4000  }
0x61: {  	[sflag:s17] =	ssyncset.done $0x0  }
0x62: {  	s26 =	sadd.s32 $0x180, s26;
	[sflag:s17] =	ssyncadd.s32 $0xFFFFC000  }
0x63: {  	[tilespmem:s20], [sflag:$0x2] =	stream.indirect.gather [hbm4b:s4+s19], $0x80, s26, s19, $0xb8;
	[tilespmem:$0x1E800] =	vst v63  }
0x64: {  	_ =	swait.ge [sflag:s21], $0x4000  }
0x65: {  	[sflag:s21] =	ssyncset.done $0x0  }
0x66: {  	[sflag:s21] =	ssyncadd.s32 $0xFFFFC000  }
0x67: {  	[spmem:s1] =	stream.indirect.scatter.add.f32 [tilespmem:s16], [sflag:$0x3], $0x80, s23, s19, $0xb8;
	[tilespmem:$0x1E800] =	vst v63  }
0x68: {  	_ =	swait.ge [sflag:s17], $0x4000  }
0x69: {  	[sflag:s17] =	ssyncset.done $0x0  }
0x6a: {  	[sflag:s17] =	ssyncadd.s32 $0xFFFFC000  }
0x6b: {  	_ =	swait.ge [sflag:s22], $0x4000  }
0x6c: {  	[sflag:s22] =	ssyncset.done $0x0  }
0x6d: {  	[sflag:s22] =	ssyncadd.s32 $0xFFFFC000  }
0x6e: {  	[spmem:s1] =	stream.indirect.scatter.add.f32 [tilespmem:s20], [sflag:$0x3], $0x80, s24, s19, $0xb8;
	[tilespmem:$0x1E800] =	vst v63  }
0x6f: {  	_ =	swait.ge [sflag:s17], $0x4000  }
0x70: {  	[sflag:s17] =	ssyncset.done $0x0  }
0x71: {  	s25 =	simm.s32 $0x0;
	[sflag:s17] =	ssyncadd.s32 $0xFFFFC000  }
0x72: {  	[tilespmem:s25], [sflag:$0x3] =	stream.linear.gather [hbm4b:s12+s25], $0x1400, $0x38;
	[tilespmem:$0x1E800] =	vst v63  }
0x73: {  	_ =	swait.ge [sflag:s17], $0x1400  }
0x74: {  	[sflag:s17] =	ssyncset.done $0x0  }
0x75: {  	[sflag:s17] =	ssyncadd.s32 $0xFFFFEC00  }
0x76: {  	[tilespmem:s18], [sflag:$0x3] =	stream.linear.gather [hbm4b:s13+s25], $0x1400, $0x38;
	[tilespmem:$0x1E800] =	vst v63  }
0x77: {  	_ =	swait.ge [sflag:s17], $0x1400  }
0x78: {  	[sflag:s17] =	ssyncset.done $0x0  }
0x79: {  	[sflag:s17] =	ssyncadd.s32 $0xFFFFEC00  }
0x7a: {  	[tilespmem:s16], [sflag:$0x1] =	stream.indirect.gather [hbm4b:s4+s19], $0x80, s25, s19, $0xb8;
	[tilespmem:$0x1E800] =	vst v63  }
0x7b: {  	_ = 	snop  }
0x7c: {  	[tilespmem:s20], [sflag:$0x2] =	stream.indirect.gather [hbm4b:s4+s19], $0x80, s19, s19, $0xb8;
	[tilespmem:$0x1E800] =	vst v63  }
0x7d: {  	_ =	swait.ge [sflag:s21], $0x4000  }
0x7e: {  	[sflag:s21] =	ssyncset.done $0x0  }
0x7f: {  	s29 =	simm.s32 $0x1400;
	[sflag:s21] =	ssyncadd.s32 $0xFFFFC000  }
0x80: {  	[spmem:s1] =	stream.indirect.scatter.add.f32 [tilespmem:s16], [sflag:$0x3], $0x80, s29, s19, $0xb8;
	[tilespmem:$0x1E800] =	vst v63  }
0x81: {  	_ =	swait.ge [sflag:s17], $0x4000  }
0x82: {  	[sflag:s17] =	ssyncset.done $0x0  }
0x83: {  	s30 =	simm.s32 $0x100;
	[sflag:s17] =	ssyncadd.s32 $0xFFFFC000  }
0x84: {  	[tilespmem:s16], [sflag:$0x1] =	stream.indirect.gather [hbm4b:s4+s19], $0x80, s30, s19, $0xb8;
	[tilespmem:$0x1E800] =	vst v63  }
0x85: {  	_ =	swait.ge [sflag:s22], $0x4000  }
0x86: {  	[sflag:s22] =	ssyncset.done $0x0  }
0x87: {  	s31 =	simm.s32 $0x1480;
	[sflag:s22] =	ssyncadd.s32 $0xFFFFC000  }
0x88: {  	[spmem:s1] =	stream.indirect.scatter.add.f32 [tilespmem:s20], [sflag:$0x3], $0x80, s31, s19, $0xb8;
	[tilespmem:$0x1E800] =	vst v63  }
0x89: {  	_ =	swait.ge [sflag:s17], $0x4000  }
0x8a: {  	[sflag:s17] =	ssyncset.done $0x0  }
0x8b: {  	s26 =	simm.s32 $0x180;
	s25 =	simm.s32 $0x400;
	[sflag:s17] =	ssyncadd.s32 $0xFFFFC000  }
.LBB2_6:
0x8c: {  	[tilespmem:s20], [sflag:$0x2] =	stream.indirect.gather [hbm4b:s4+s19], $0x80, s26, s19, $0xb8;
	[tilespmem:$0x1E800] =	vst v63  }
0x8d: {  	s26 =	smov.u32 s25  }
0x8e: {  	p0 =	sne.s32 s25, $0x4800;
	s25 =	sadd.s32 $0x400, s25;
	_ =	swait.ge [sflag:s21], $0x4000  }
0x8f: {  	s26 =	sshra.s32 s26, $0x2;
	[sflag:s21] =	ssyncset.done $0x0  }
0x90: {  	s28 =	sadd.s32 $0x1400, s26;
	[sflag:s21] =	ssyncadd.s32 $0xFFFFC000  }
0x91: {  	[spmem:s1] =	stream.indirect.scatter.add.f32 [tilespmem:s16], [sflag:$0x3], $0x80, s28, s19, $0xb8;
	[tilespmem:$0x1E800] =	vst v63  }
0x92: {  	_ =	swait.ge [sflag:s17], $0x4000  }
0x93: {  	[sflag:s17] =	ssyncset.done $0x0  }
0x94: {  	s28 =	sadd.s32 $0x100, s26;
	[sflag:s17] =	ssyncadd.s32 $0xFFFFC000  }
0x95: {  	[tilespmem:s16], [sflag:$0x1] =	stream.indirect.gather [hbm4b:s4+s19], $0x80, s28, s19, $0xb8;
	[tilespmem:$0x1E800] =	vst v63  }
0x96: {  	_ =	swait.ge [sflag:s22], $0x4000  }
0x97: {  	[sflag:s22] =	ssyncset.done $0x0  }
.Ltmp2:
0x98: {  	s28 =	sadd.s32 $0x1480, s26;
	[sflag:s22] =	ssyncadd.s32 $0xFFFFC000;
	(pc) =	sbr.rel @p0 .LBB2_6-.Ltmp2, $4  }
0x99: {  	[spmem:s1] =	stream.indirect.scatter.add.f32 [tilespmem:s20], [sflag:$0x3], $0x80, s28, s19, $0xb8;
	[tilespmem:$0x1E800] =	vst v63  }
0x9a: {  	_ =	swait.ge [sflag:s17], $0x4000  }
0x9b: {  	[sflag:s17] =	ssyncset.done $0x0  }
0x9c: {  	s26 =	sadd.s32 $0x180, s26;
	[sflag:s17] =	ssyncadd.s32 $0xFFFFC000  }
0x9d: {  	[tilespmem:s20], [sflag:$0x2] =	stream.indirect.gather [hbm4b:s4+s19], $0x80, s26, s19, $0xb8;
	[tilespmem:$0x1E800] =	vst v63  }
0x9e: {  	_ =	swait.ge [sflag:s21], $0x4000  }
0x9f: {  	[sflag:s21] =	ssyncset.done $0x0  }
0xa0: {  	[sflag:s21] =	ssyncadd.s32 $0xFFFFC000  }
0xa1: {  	[spmem:s1] =	stream.indirect.scatter.add.f32 [tilespmem:s16], [sflag:$0x3], $0x80, s23, s19, $0xb8;
	[tilespmem:$0x1E800] =	vst v63  }
0xa2: {  	_ =	swait.ge [sflag:s17], $0x4000  }
0xa3: {  	[sflag:s17] =	ssyncset.done $0x0  }
0xa4: {  	[sflag:s17] =	ssyncadd.s32 $0xFFFFC000  }
0xa5: {  	_ =	swait.ge [sflag:s22], $0x4000  }
0xa6: {  	[sflag:s22] =	ssyncset.done $0x0  }
0xa7: {  	[sflag:s22] =	ssyncadd.s32 $0xFFFFC000  }
0xa8: {  	[spmem:s1] =	stream.indirect.scatter.add.f32 [tilespmem:s20], [sflag:$0x3], $0x80, s24, s19, $0xb8;
	[tilespmem:$0x1E800] =	vst v63  }
0xa9: {  	_ =	swait.ge [sflag:s17], $0x4000  }
0xaa: {  	s25 =	sshll.u32 s2, $0x6;
	s3 =	sadd.s32 $0x1, s3;
	[sflag:s17] =	ssyncset.done $0x0  }
0xab: {  	s31 =	sshrl.u32 s5, $0x3;
	p0 =	sne.s32 s3, s15;
	[sflag:s17] =	ssyncadd.s32 $0xFFFFC000  }
.Ltmp3:
0xac: {  	s25 =	sor.u32 $0x1C03, s25;
	[bflag:$0x0] =	sbarrier.arrive $0xFFFF;
	(pc) =	sbr.rel @p0 .LBB2_1-.Ltmp3, $4  }
0xad: {  	[hbm:s14], [sflag:s25] =	dma.local [spmem:s31], $0x2800  }
0xae: {  	_ =	swait.ge [sflag:s17], $0x2800  }
0xaf: {  	[sflag:s17] =	ssyncset.done $0x0  }
0xb0: {  	[sflag:s17] =	ssyncadd.s32 $0xFFFFD800  }
0xb1: {  	_ =	sfence.sel $0x180000  }
0xb2: {  	[bflag:$0x0] =	sbarrier.arrive $0xFFFF  }
0xb3: {  	p0 =	sne.s32 s2, $0x0;
	_ =	strace $0x9000004A  }
0xb4: {  	s0 =	sadd.s32 @!p0 $0x100000, s0;
	[bflag:$0x2] =	sbarrier.arrive $0xFFFF  }
0xb5: {  	[sflag:s0] =	ssyncadd.tile.s32 @!p0 $0x1;
	_ =	shalt  }
.Lfunc_end2:
_tile_overlayer_lowered:
.L_overlay_start_2:
0xb6: {  	(tag) =	ssettag $0x2  }
0xb7: {  	s0 =	rddreg [dreg:$0x0];
	s2 =	stileid.u32  }
0xb8: {  	s1 =	rddreg [dreg:$0x1];
	p0 =	sne.s32 s2, $0x0  }
0xb9: {  	s3 =	rddreg [dreg:$0x2];
	[bflag:$0x3] =	sbarrier.arrive $0xFFFF;
	s2 =	simm.s32 @!p0 $0x1C03  }
0xba: {  	[timem:s3], [sflag:s2] =	dma.local @!p0 [hbm:s0], s1  }
0xbb: {  	s0 =	simm.s32 @!p0 $0x3  }
0xbc: {  	_ =	swait.ge @!p0 [sflag:s0], s1  }
0xbd: {  	s1 =	ssub.s32 @!p0 $0x0, s1;
	[sflag:s0] =	ssyncset.done @!p0 $0x0  }
0xbe: {  	[sflag:s0] =	ssyncadd.s32 @!p0 s1  }
0xbf: {  	[bflag:$0x3] =	sbarrier.arrive $0xFFFF  }
0xc0: {  	_ =	shalt  }

// kernel: kernel.15.cloned.1.call-start
scs
__scs_entry_jumppad:
0x0: {  	(pc) =	sbr.rel $0x88, $3  }
0x1: {  	(tag) =	ssettag $0x0;
	lr =	simm.s32 $0x1  }
0x2: {  	[smem:$0x3F9A] =	sst lr;
	_ =	strace $0xD0000000  }
0x3: {  	_ = 	snop  }
0x4: {  	_ = 	snop  }
0x5: {  	_ = 	snop  }
0x6: {  	_ = 	snop  }
0x7: {  	_ = 	snop  }
__scs_overlays_trampoline_lowered:
0x8: {  	[smem:$0x3FA9] =	sst s0  }
0x9: {  	[smem:$0x3FAA] =	sst s1  }
0xa: {  	[smem:$0x3FAB] =	sst s2  }
0xb: {  	[smem:$0x3FAC] =	sst s3  }
0xc: {  	[smem:$0x3FAD] =	sst s4  }
0xd: {  	[smem:$0x3FAE] =	sst s5  }
0xe: {  	[smem:$0x3FAF] =	sst s6  }
0xf: {  	[smem:$0x3FB0] =	sst s7  }
0x10: {  	[smem:$0x3FB1] =	sst s8  }
0x11: {  	[smem:$0x3FB2] =	sst s9;
	s0 =	simm.s32 @!p0 $0x0  }
0x12: {  	s1 =	sld [smem:$0x3F98];
	s0 =	simm.s32 @p0 $0x1  }
0x13: {  	[smem:$0x3FB3] =	sst s0;
	s0 =	simm.s32 @!p1 $0x0  }
0x14: {  	s2 =	sld [smem:$0x3F97];
	s0 =	simm.s32 @p1 $0x1  }
0x15: {  	[smem:$0x3FB4] =	sst s0;
	s0 =	simm.s32 @!p2 $0x0  }
0x16: {  	s3 =	sld [smem:$0x3FDB];
	s0 =	simm.s32 @p2 $0x1  }
0x17: {  	s4 =	simm.s32 $0x1BF5;
	[smem:$0x3FB6] =	sst s0  }
0x18: {  	s0 =	sld [smem:$0x3F99];
	_ =	swait.ge [sflag:s4], $0x0  }
0x19: {  	s7 =	sld [smem:$0x3F9A]  }
0x1a: {  	s8 =	sadd.s32 $0xFFFFE003, lr  }
0x1b: {  	s9 =	sadd.s32 $0xFFFFFEF7, lr;
	s5 =	simm.s32 $0xFFFFFFFF;
	p2 =	slt.u32 s8, $0xFFFFF086  }
0x1c: {  	p1 =	slt.u32 s9, $0xF7A;
	s5 =	simm.s32 @!p2 $0x0  }
0x1d: {  	s5 =	simm.s32 @p1 $0x1;
	p0 =	seq.s32 s7, s2  }
0x1e: {  	s7 =	smul.u32 @!p0 $0xF7A, s2;
	p2 =	seq.s32 @!p0 s5, $0x0  }
0x1f: {  	s9 =	smul.u32 $0xF7A, s1;
	s8 =	simm.s32 @!p0 $0x1BF5;
	p2 =	por !p2, p0  }
0x20: {  	[sflag:s8] =	ssyncset.s32 @!p0 $0xFFFFF086;
	s6 =	sadd.s32 @!p0 s3, s7;
	s7 =	simm.s32 @!p0 $0x108  }
0x21: {  	s3 =	sadd.s32 s3, s9;
	s6 =	sadd.s32 @!p0 $0x88, s6;
	s7 =	simm.s32 @p2 $0x1082  }
0x22: {  	[simem:s7], [sflag:s8] =	dma.local @!p0 [hbm:s6], $0xF7A  }
0x23: {  	s9 =	sor.u32 $0xD0000000, s2;
	s6 =	simm.s32 $0x108;
	_ =	swait.ge @!p0 [sflag:s8], $0x0  }
0x24: {  	s3 =	sadd.s32 $0x88, s3;
	s6 =	simm.s32 @!p1 $0x1082;
	[sflag:s4] =	ssyncset.s32 $0xFFFFF086  }
0x25: {  	[simem:s6], [sflag:s4] =	dma.local [hbm:s3], $0xF7A  }
0x26: {  	[smem:$0x3F9A] =	sst s1;
	(tag) =	ssettag s2;
	_ =	strace s9  }
0x27: {  	s1 =	sld [smem:$0x3FAA]  }
0x28: {  	s2 =	sld [smem:$0x3FAB]  }
0x29: {  	s4 =	sld [smem:$0x3FAD]  }
0x2a: {  	p0 =	seq.s32 s5, $0x0;
	s5 =	sld [smem:$0x3FAE]  }
0x2b: {  	s6 =	sld [smem:$0x3FAF]  }
0x2c: {  	s7 =	sld [smem:$0x3FB0]  }
0x2d: {  	s3 =	simm.s32 $0x108;
	s8 =	sld [smem:$0x3FB1]  }
0x2e: {  	s3 =	simm.s32 @!p0 $0x1082;
	s9 =	sld [smem:$0x3FB2]  }
0x2f: {  	lr =	sadd.s32 s0, s3;
	s0 =	sld [smem:$0x3FA9]  }
0x30: {  	s3 =	sld [smem:$0x3FAC]  }
0x31: {  	[smem:$0x3FB5] =	sst s10  }
0x32: {  	s10 =	sld [smem:$0x3FB3];
	_ =	sdelay $0x3  }
0x33: {  	p0 =	seq.s32 s10, $0x1;
	s10 =	sld [smem:$0x3FB5];
	_ =	sdelay $0x3  }
0x34: {  	[smem:$0x3FB5] =	sst s10  }
0x35: {  	s10 =	sld [smem:$0x3FB4];
	_ =	sdelay $0x3  }
0x36: {  	p1 =	seq.s32 s10, $0x1;
	s10 =	sld [smem:$0x3FB5];
	_ =	sdelay $0x3  }
0x37: {  	[smem:$0x3FB5] =	sst s10  }
0x38: {  	s10 =	sld [smem:$0x3FB6]  }
0x39: {  	_ = 	snop;
	(pc) =	sbr.ind lr, $3  }
0x3a: {  	_ = 	snop  }
0x3b: {  	_ = 	snop  }
0x3c: {  	p2 =	seq.s32 s10, $0x1;
	s10 =	sld [smem:$0x3FB5]  }
0x3d: {  	_ =	shalt  }
0x3e: {  	_ =	shalt  }
0x3f: {  	_ =	shalt  }
0x40: {  	_ =	shalt  }
0x41: {  	_ =	shalt  }
0x42: {  	_ =	shalt  }
0x43: {  	_ =	shalt  }
0x44: {  	_ =	shalt  }
0x45: {  	_ =	shalt  }
0x46: {  	_ =	shalt  }
0x47: {  	_ =	shalt  }
0x48: {  	_ =	shalt  }
0x49: {  	_ =	shalt  }
0x4a: {  	_ =	shalt  }
0x4b: {  	_ =	shalt  }
0x4c: {  	_ =	shalt  }
0x4d: {  	_ =	shalt  }
0x4e: {  	_ =	shalt  }
0x4f: {  	_ =	shalt  }
0x50: {  	_ =	shalt  }
0x51: {  	_ =	shalt  }
0x52: {  	_ =	shalt  }
0x53: {  	_ =	shalt  }
0x54: {  	_ =	shalt  }
0x55: {  	_ =	shalt  }
0x56: {  	_ =	shalt  }
0x57: {  	_ =	shalt  }
0x58: {  	_ =	shalt  }
0x59: {  	_ =	shalt  }
0x5a: {  	_ =	shalt  }
0x5b: {  	_ =	shalt  }
0x5c: {  	_ =	shalt  }
0x5d: {  	_ =	shalt  }
0x5e: {  	_ =	shalt  }
0x5f: {  	_ =	shalt  }
0x60: {  	_ =	shalt  }
0x61: {  	_ =	shalt  }
0x62: {  	_ =	shalt  }
0x63: {  	_ =	shalt  }
0x64: {  	_ =	shalt  }
0x65: {  	_ =	shalt  }
0x66: {  	_ =	shalt  }
0x67: {  	_ =	shalt  }
0x68: {  	_ =	shalt  }
0x69: {  	_ =	shalt  }
0x6a: {  	_ =	shalt  }
0x6b: {  	_ =	shalt  }
0x6c: {  	_ =	shalt  }
0x6d: {  	_ =	shalt  }
0x6e: {  	_ =	shalt  }
0x6f: {  	_ =	shalt  }
0x70: {  	_ =	shalt  }
0x71: {  	_ =	shalt  }
0x72: {  	_ =	shalt  }
0x73: {  	_ =	shalt  }
0x74: {  	_ =	shalt  }
0x75: {  	_ =	shalt  }
0x76: {  	_ =	shalt  }
0x77: {  	_ =	shalt  }
0x78: {  	_ =	shalt  }
0x79: {  	_ =	shalt  }
0x7a: {  	_ =	shalt  }
0x7b: {  	_ =	shalt  }
0x7c: {  	_ =	shalt  }
0x7d: {  	_ =	shalt  }
0x7e: {  	_ =	shalt  }
0x7f: {  	_ =	shalt  }
0x80: {  	_ =	shalt  }
0x81: {  	_ =	shalt  }
0x82: {  	_ =	shalt  }
0x83: {  	_ =	shalt  }
0x84: {  	_ =	shalt  }
0x85: {  	_ =	shalt  }
0x86: {  	_ =	shalt  }
0x87: {  	_ =	shalt  }
.Lfunc_end0:
.L_simem_size_0:
called_computation.2_lowered:
.L_overlay_start_0:
0x88: {  	s2 =	sld [smem:$0x3FD9]  }
0x89: {  	s3 =	sld [smem:$0x3FFE];
	_ =	sdelay $0x1  }
0x8a: {  	s1 =	srdreg.scid  }
0x8b: {  	s0 =	sand.u32 $0x1, s1  }
0x8c: {  	s17 =	sshll.u32 s0, $0xA;
	s2 =	sadd.s32 s3, s2  }
0x8d: {  	s2 =	sadd.s32 s2, s17  }
0x8e: {  	[smem:$0x3FC1] =	sst s2  }
0x8f: {  	_ = 	snop  }
0x90: {  	s2 =	sld [smem:$0x3FD0];
	(tm) =	ssettm $0x1  }
0x91: {  	s18 =	sld [smem:$0x3FFB];
	_ =	sdelay $0x3  }
0x92: {  	_ =	strace s18  }
0x93: {  	s3 =	sld [smem:$0x3FFC];
	_ =	sdelay $0x3  }
0x94: {  	_ =	strace s3  }
0x95: {  	s3 =	sld [smem:$0x3FFD];
	_ =	sdelay $0x3  }
0x96: {  	_ =	strace s3  }
0x97: {  	_ =	strace $0x8FFFFFFF  }
0x98: {  	s19 =	sld [smem:$0x3FDB];
	_ =	sdelay $0x1  }
0x99: {  	s4 =	simm.s32 $_scs_section_size  }
0x9a: {  	s5 =	simm.s32 $_size__tile_overlayer_lowered;
	s6 =	simm.s32 $_tile_overlayer_lowered  }
0x9b: {  	s22 =	simm.s32 $0x1BFF;
	s21 =	sshll.u32 s6, $0x1;
	s3 =	sadd.s32 s4, s19  }
0x9c: {  	s7 =	simm.s32 $0x0;
	s20 =	sshll.u32 s5, $0x1;
	s5 =	sadd.s32 s21, s3  }
0x9d: {  	[timem:s7], [sflag:s22] =	dma.local [hbm:s5], s20  }
0x9e: {  	_ =	swait.ge [sflag:s22], s20  }
0x9f: {  	s4 =	ssub.s32 $0x0, s20;
	[sflag:s22] =	ssyncset.done $0x0  }
0xa0: {  	[sflag:s22] =	ssyncadd.s32 s4;
	_ =	sdelay $0x1  }
0xa1: {  	s23 =	simm.s32 $0x1B8B  }
0xa2: {  	_ =	swait.ge [sflag:s23], $0x1  }
0xa3: {  	[sflag:s23] =	ssyncset.done $0x0  }
0xa4: {  	s25 =	simm.s32 $0x1B8E;
	s24 =	sld [smem:$0x3FFE];
	[sflag:s23] =	ssyncadd.s32 $0xFFFFFFFF  }
0xa5: {  	s26 =	simm.s32 $execute0_lowered;
	[smem:$0x3FD2] =	sst s25  }
0xa6: {  	s5 =	sshll.u32 s26, $0x1;
	_ =	strace $0x8000004C;
	[dreg:$0x1] =	wrdreg $0xFFFFFFFF  }
0xa7: {  	s28 =	simm.s32 $_size_execute0_lowered;
	s3 =	sadd.s32 s3, s5;
	[dreg:$0x0] =	wrdreg $0x0  }
0xa8: {  	s5 =	sshll.u32 s28, $0x1;
	[dreg:$0x2] =	wrdreg s3  }
0xa9: {  	[dreg:$0x3] =	wrdreg s5  }
0xaa: {  	[dreg:$0x4] =	wrdreg $0xC0  }
0xab: {  	_ =	task [dreg:s7], $0x5FFFF  }
0xac: {  	[dreg:$0x1] =	wrdreg $0xFFFFFFFF  }
0xad: {  	[dreg:$0x0] =	wrdreg $0x60  }
0xae: {  	[dreg:$0x2] =	wrdreg s2  }
0xaf: {  	[dreg:$0x3] =	wrdreg s24  }
0xb0: {  	[dreg:$0x4] =	wrdreg $0xA8000  }
0xb1: {  	[dreg:$0x5] =	wrdreg $0x9  }
0xb2: {  	_ =	task.clear_ibuf [dreg:s7], $0x6FFFF;
	_ =	strace $0x9000004C  }
0xb3: {  	s29 =	simm.s32 $0x9;
	_ =	strace $0x8000004E  }
0xb4: {  	_ =	swait.ge [sflag:s29], $0x1  }
0xb5: {  	[sflag:s29] =	ssyncadd.s32 $0xFFFFFFFF  }
0xb6: {  	_ =	strace $0x9000004E  }
0xb7: {  	_ =	sfence  }
0xb8: {  	s30 =	sld [smem:$0x0];
	_ =	sdelay $0x2  }
0xb9: {  	s31 =	sshll.u32 s1, $0xD;
	s1 =	sshrl.u32 s1, $0x2  }
0xba: {  	s3 =	sand.u32 $0x4000, s31;
	s1 =	sadd.s32 s1, s30  }
0xbb: {  	s0 =	sor.u32 s3, s0;
	s1 =	sshll.u32 s1, $0x11  }
0xbc: {  	s0 =	sor.u32 s1, s0  }
0xbd: {  	s0 =	sadd.s32 $0x8F2B, s0  }
0xbe: {  	[sflag:s0] =	ssyncadd.remote.s32 $0x1  }
0xbf: {  	_ =	sfence.sel $0xFFFF  }
0xc0: {  	[dreg:$0x0] =	wrdreg $0xFFFFFFFF;
	(pc) =	sbr.abs _section_cstart, $3  }
0xc1: {  	[dreg:$0x1] =	wrdreg $0xFFFFFFFF  }
0xc2: {  	_ =	task.clear_ibuf [dreg:s7], $0x2FFFF;
	_ =	strace $0x9FFFFFFF  }
0xc3: {  	(tm) =	ssettm $0x7FFFFFFF  }
tec
execute0_lowered:
.L_overlay_start_1:
0x0: {  	(tag) =	ssettag $0x1  }
0x1: {  	s1 =	rddreg [dreg:$0x0]  }
0x2: {  	s0 =	rddreg [dreg:$0x1]  }
0x3: {  	s2 =	srdreg.scid;
	s9 =	stileid.u32  }
0x4: {  	s3 =	rddreg [dreg:$0x2];
	s4 =	simm.s32 $0x0;
	s16 =	simm.s32 $0x2800  }
0x5: {  	s17 =	simm.s32 $0x5;
	s18 =	simm.s32 $0x1400;
	s19 =	simm.s32 $0x80  }
0x6: {  	s20 =	simm.s32 $0x4800;
	s21 =	simm.s32 $0x100;
	s22 =	simm.s32 $0x6800  }
0x7: {  	s28 =	simm.s32 $0x3;
	s29 =	simm.s32 $0x4;
	s30 =	simm.s32 $0x2600  }
0x8: {  	s31 =	simm.s32 $0x2680;
	s2 =	sand.u32 $0x1, s2;
	s5 =	smul.u32 $0xA000, s9  }
0x9: {  	[smem:$0x7FF] =	sst s4;
	s7 =	sadd.s32 $0xC200, s0;
	s8 =	smul.u32 $0x28000, s9  }
0xa: {  	s13 =	sadd.s32 $0x2200, s0;
	s9 =	sshll.u32 s9, $0x1;
	s6 =	smul.u32 $0xA0000, s2  }
0xb: {  	_ =	strace $0x8000004D;
	s23 =	ssub.s32 $0x2, s2;
	s2 =	sor.u32 s2, s9  }
0xc: {  	s10 =	sshrl.u32 s23, $0x1;
	s8 =	sshrl.u32 s8, $0x2;
	s2 =	smul.u32 $0x2800, s2  }
0xd: {  	s6 =	sadd.s32 s5, s6;
	s24 =	sadd.s32 s8, s3;
	s5 =	sadd.s32 s5, s3  }
0xe: {  	s6 =	sshrl.u32 s6, $0x3;
	s8 =	sadd.s32 $0x2000, s24;
	s25 =	sadd.s32 $0x4000, s24  }
0xf: {  	s26 =	sadd.s32 $0x6000, s24;
	s9 =	sadd.s32 $0x8000, s24;
	[dreg:$0x4] =	wrdreg s8  }
0x10: {  	s2 =	sshrl.u32 s2, $0x3;
	s24 =	simm.s32 $0x8800;
	[dreg:$0x5] =	wrdreg s25  }
0x11: {  	s0 =	sadd.s32 s6, s0;
	s6 =	ssub.s32 s23, s10;
	[dreg:$0x6] =	wrdreg s26  }
0x12: {  	s10 =	sadd.s32 s7, s2;
	s11 =	sadd.s32 s13, s2;
	s2 =	sadd.s32 $0x280, s2  }
0x13: {  	s23 =	simm.s32 $0x180;
	s25 =	simm.s32 $0x1;
	s26 =	simm.s32 $0x2  }
0x14: {  	s12 =	sadd.s32 s7, s2;
	s13 =	sadd.s32 s13, s2;
	s14 =	sadd.s32 $0x16200, s0  }
0x15: {  	v0 =	vimm.f32 $0.0e+00;
	s15 =	smax.u32 s6, $0x1;
	s2 =	simm.s32 $0x2700;
	s0 =	simm.s32 $0x2780  }
.LBB2_1:
0x16: {  	s7 =	simm.s32 $0x100;
	s6 =	simm.s32 $0x0  }
.LBB2_2:
0x17: {  	p0 =	sne.s32 s7, $0x7F00;
	[tilespmem:s6+$0x2830] =	vst v0;
	s8 =	smov.u32 s7;
	s7 =	sadd.s32 $0x100, s7  }
.Ltmp0:
0x18: {  	[tilespmem:s6+$0x2820] =	vst v0;
	(pc) =	sbr.rel @p0 .LBB2_2-.Ltmp0, $3  }
0x19: {  	[tilespmem:s6+$0x2800] =	vst v0  }
0x1a: {  	[tilespmem:s6+$0x2810] =	vst v0;
	_ =	sdelay $0x1  }
0x1b: {  	s6 =	sshra.s32 s8, $0x2  }
0x1c: {  	[tilespmem:s6+$0x2830] =	vst v0  }
0x1d: {  	[tilespmem:s6+$0x2820] =	vst v0  }
0x1e: {  	[tilespmem:s6+$0x2800] =	vst v0  }
0x1f: {  	[tilespmem:s6+$0x2810] =	vst v0  }
0x20: {  	[spmem:s5] =	stream.linear.scatter [tilespmem:s16], [sflag:$0x5], $0x2000, $0x38;
	[tilespmem:$0x14800] =	vst v63  }
0x21: {  	_ =	swait.ge [sflag:s17], $0x2000  }
0x22: {  	[sflag:s17] =	ssyncset.done $0x0  }
0x23: {  	s8 =	rddreg [dreg:$0x4];
	[sflag:s17] =	ssyncadd.s32 $0xFFFFE000  }
0x24: {  	[spmem:s8] =	stream.linear.scatter [tilespmem:s16], [sflag:$0x5], $0x2000, $0x38;
	[tilespmem:$0x14800] =	vst v63  }
0x25: {  	_ =	swait.ge [sflag:s17], $0x2000  }
0x26: {  	[sflag:s17] =	ssyncset.done $0x0  }
0x27: {  	s7 =	rddreg [dreg:$0x5];
	[sflag:s17] =	ssyncadd.s32 $0xFFFFE000  }
0x28: {  	[spmem:s7] =	stream.linear.scatter [tilespmem:s16], [sflag:$0x5], $0x2000, $0x38;
	[tilespmem:$0x14800] =	vst v63  }
0x29: {  	_ =	swait.ge [sflag:s17], $0x2000  }
0x2a: {  	[sflag:s17] =	ssyncset.done $0x0  }
0x2b: {  	s8 =	rddreg [dreg:$0x6];
	[sflag:s17] =	ssyncadd.s32 $0xFFFFE000  }
0x2c: {  	[spmem:s8] =	stream.linear.scatter [tilespmem:s16], [sflag:$0x5], $0x2000, $0x38;
	[tilespmem:$0x14800] =	vst v63  }
0x2d: {  	_ =	swait.ge [sflag:s17], $0x2000  }
0x2e: {  	[sflag:s17] =	ssyncset.done $0x0  }
0x2f: {  	[sflag:s17] =	ssyncadd.s32 $0xFFFFE000  }
0x30: {  	[spmem:s9] =	stream.linear.scatter [tilespmem:s16], [sflag:$0x5], $0x2000, $0x38;
	[tilespmem:$0x14800] =	vst v63  }
0x31: {  	_ =	swait.ge [sflag:s17], $0x2000  }
0x32: {  	[sflag:s17] =	ssyncset.done $0x0  }
0x33: {  	[sflag:s17] =	ssyncadd.s32 $0xFFFFE000  }
0x34: {  	s7 =	simm.s32 $0x0;
	[bflag:$0x0] =	sbarrier.arrive $0xFFFF  }
0x35: {  	[tilespmem:s7], [sflag:$0x5] =	stream.linear.gather [hbm4b:s10+s7], $0x1400, $0x38;
	[tilespmem:$0x14800] =	vst v63  }
0x36: {  	_ =	swait.ge [sflag:s17], $0x1400  }
0x37: {  	[sflag:s17] =	ssyncset.done $0x0  }
0x38: {  	[sflag:s17] =	ssyncadd.s32 $0xFFFFEC00  }
0x39: {  	[tilespmem:s18], [sflag:$0x5] =	stream.linear.gather [hbm4b:s11+s7], $0x1400, $0x38;
	[tilespmem:$0x14800] =	vst v63  }
0x3a: {  	_ =	swait.ge [sflag:s17], $0x1400  }
0x3b: {  	[sflag:s17] =	ssyncset.done $0x0  }
0x3c: {  	[sflag:s17] =	ssyncadd.s32 $0xFFFFEC00  }
0x3d: {  	[tilespmem:s16], [sflag:$0x1] =	stream.indirect.gather [hbm4b:s1+s19], $0x40, s7, s19, $0xb8;
	[tilespmem:$0x14800] =	vst v63  }
0x3e: {  	_ = 	snop  }
0x3f: {  	[tilespmem:s20], [sflag:$0x2] =	stream.indirect.gather [hbm4b:s1+s19], $0x40, s19, s19, $0xb8;
	[tilespmem:$0x14800] =	vst v63  }
0x40: {  	_ = 	snop  }
0x41: {  	[tilespmem:s22], [sflag:$0x3] =	stream.indirect.gather [hbm4b:s1+s19], $0x40, s21, s19, $0xb8;
	[tilespmem:$0x14800] =	vst v63  }
0x42: {  	_ = 	snop  }
0x43: {  	[tilespmem:s24], [sflag:$0x4] =	stream.indirect.gather [hbm4b:s1+s19], $0x40, s23, s19, $0xb8;
	[tilespmem:$0x14800] =	vst v63  }
0x44: {  	_ =	swait.ge [sflag:s25], $0x2000  }
0x45: {  	[sflag:s25] =	ssyncset.done $0x0  }
0x46: {  	s8 =	simm.s32 $0x1400;
	[sflag:s25] =	ssyncadd.s32 $0xFFFFE000  }
0x47: {  	[spmem:s3] =	stream.indirect.scatter.add.f32 [tilespmem:s16], [sflag:$0x5], $0x40, s8, s19, $0xb8;
	[tilespmem:$0x14800] =	vst v63  }
0x48: {  	_ =	swait.ge [sflag:s17], $0x2000  }
0x49: {  	[sflag:s17] =	ssyncset.done $0x0  }
0x4a: {  	s7 =	simm.s32 $0x200;
	[sflag:s17] =	ssyncadd.s32 $0xFFFFE000  }
0x4b: {  	[tilespmem:s16], [sflag:$0x1] =	stream.indirect.gather [hbm4b:s1+s19], $0x40, s7, s19, $0xb8;
	[tilespmem:$0x14800] =	vst v63  }
0x4c: {  	_ =	swait.ge [sflag:s26], $0x2000  }
0x4d: {  	[sflag:s26] =	ssyncset.done $0x0  }
0x4e: {  	s8 =	simm.s32 $0x1480;
	[sflag:s26] =	ssyncadd.s32 $0xFFFFE000  }
0x4f: {  	[spmem:s3] =	stream.indirect.scatter.add.f32 [tilespmem:s20], [sflag:$0x5], $0x40, s8, s19, $0xb8;
	[tilespmem:$0x14800] =	vst v63  }
0x50: {  	_ =	swait.ge [sflag:s17], $0x2000  }
0x51: {  	[sflag:s17] =	ssyncset.done $0x0  }
0x52: {  	s7 =	simm.s32 $0x280;
	[sflag:s17] =	ssyncadd.s32 $0xFFFFE000  }
0x53: {  	[tilespmem:s20], [sflag:$0x2] =	stream.indirect.gather [hbm4b:s1+s19], $0x40, s7, s19, $0xb8;
	[tilespmem:$0x14800] =	vst v63  }
0x54: {  	_ =	swait.ge [sflag:s28], $0x2000  }
0x55: {  	[sflag:s28] =	ssyncset.done $0x0  }
0x56: {  	s8 =	simm.s32 $0x1500;
	[sflag:s28] =	ssyncadd.s32 $0xFFFFE000  }
0x57: {  	[spmem:s3] =	stream.indirect.scatter.add.f32 [tilespmem:s22], [sflag:$0x5], $0x40, s8, s19, $0xb8;
	[tilespmem:$0x14800] =	vst v63  }
0x58: {  	_ =	swait.ge [sflag:s17], $0x2000  }
0x59: {  	[sflag:s17] =	ssyncset.done $0x0  }
0x5a: {  	s7 =	simm.s32 $0x300;
	[sflag:s17] =	ssyncadd.s32 $0xFFFFE000  }
0x5b: {  	[tilespmem:s22], [sflag:$0x3] =	stream.indirect.gather [hbm4b:s1+s19], $0x40, s7, s19, $0xb8;
	[tilespmem:$0x14800] =	vst v63  }
0x5c: {  	_ =	swait.ge [sflag:s29], $0x2000  }
0x5d: {  	[sflag:s29] =	ssyncset.done $0x0  }
0x5e: {  	s8 =	simm.s32 $0x1580;
	[sflag:s29] =	ssyncadd.s32 $0xFFFFE000  }
0x5f: {  	[spmem:s3] =	stream.indirect.scatter.add.f32 [tilespmem:s24], [sflag:$0x5], $0x40, s8, s19, $0xb8;
	[tilespmem:$0x14800] =	vst v63  }
0x60: {  	_ =	swait.ge [sflag:s17], $0x2000  }
0x61: {  	[sflag:s17] =	ssyncset.done $0x0  }
0x62: {  	s6 =	simm.s32 $0x800;
	s7 =	simm.s32 $0x380;
	[sflag:s17] =	ssyncadd.s32 $0xFFFFE000  }
.LBB2_4:
0x63: {  	[tilespmem:s24], [sflag:$0x4] =	stream.indirect.gather [hbm4b:s1+s19], $0x40, s7, s19, $0xb8;
	[tilespmem:$0x14800] =	vst v63  }
0x64: {  	s7 =	smov.u32 s6  }
0x65: {  	p0 =	sne.s32 s6, $0x4000;
	s6 =	sadd.s32 $0x800, s6;
	_ =	swait.ge [sflag:s25], $0x2000  }
0x66: {  	s7 =	sshra.s32 s7, $0x2;
	[sflag:s25] =	ssyncset.done $0x0  }
0x67: {  	s8 =	sadd.s32 $0x1400, s7;
	[sflag:s25] =	ssyncadd.s32 $0xFFFFE000  }
0x68: {  	[spmem:s3] =	stream.indirect.scatter.add.f32 [tilespmem:s16], [sflag:$0x5], $0x40, s8, s19, $0xb8;
	[tilespmem:$0x14800] =	vst v63  }
0x69: {  	_ =	swait.ge [sflag:s17], $0x2000  }
0x6a: {  	[sflag:s17] =	ssyncset.done $0x0  }
0x6b: {  	s8 =	sadd.s32 $0x200, s7;
	[sflag:s17] =	ssyncadd.s32 $0xFFFFE000  }
0x6c: {  	[tilespmem:s16], [sflag:$0x1] =	stream.indirect.gather [hbm4b:s1+s19], $0x40, s8, s19, $0xb8;
	[tilespmem:$0x14800] =	vst v63  }
0x6d: {  	_ =	swait.ge [sflag:s26], $0x2000  }
0x6e: {  	[sflag:s26] =	ssyncset.done $0x0  }
0x6f: {  	s8 =	sadd.s32 $0x1480, s7;
	[sflag:s26] =	ssyncadd.s32 $0xFFFFE000  }
0x70: {  	[spmem:s3] =	stream.indirect.scatter.add.f32 [tilespmem:s20], [sflag:$0x5], $0x40, s8, s19, $0xb8;
	[tilespmem:$0x14800] =	vst v63  }
0x71: {  	_ =	swait.ge [sflag:s17], $0x2000  }
0x72: {  	[sflag:s17] =	ssyncset.done $0x0  }
0x73: {  	s8 =	sadd.s32 $0x280, s7;
	[sflag:s17] =	ssyncadd.s32 $0xFFFFE000  }
0x74: {  	[tilespmem:s20], [sflag:$0x2] =	stream.indirect.gather [hbm4b:s1+s19], $0x40, s8, s19, $0xb8;
	[tilespmem:$0x14800] =	vst v63  }
0x75: {  	_ =	swait.ge [sflag:s28], $0x2000  }
0x76: {  	[sflag:s28] =	ssyncset.done $0x0  }
0x77: {  	s8 =	sadd.s32 $0x1500, s7;
	[sflag:s28] =	ssyncadd.s32 $0xFFFFE000  }
0x78: {  	[spmem:s3] =	stream.indirect.scatter.add.f32 [tilespmem:s22], [sflag:$0x5], $0x40, s8, s19, $0xb8;
	[tilespmem:$0x14800] =	vst v63  }
0x79: {  	_ =	swait.ge [sflag:s17], $0x2000  }
0x7a: {  	[sflag:s17] =	ssyncset.done $0x0  }
0x7b: {  	s8 =	sadd.s32 $0x300, s7;
	[sflag:s17] =	ssyncadd.s32 $0xFFFFE000  }
0x7c: {  	[tilespmem:s22], [sflag:$0x3] =	stream.indirect.gather [hbm4b:s1+s19], $0x40, s8, s19, $0xb8;
	[tilespmem:$0x14800] =	vst v63  }
0x7d: {  	_ =	swait.ge [sflag:s29], $0x2000  }
0x7e: {  	[sflag:s29] =	ssyncset.done $0x0  }
.Ltmp1:
0x7f: {  	s8 =	sadd.s32 $0x1580, s7;
	[sflag:s29] =	ssyncadd.s32 $0xFFFFE000;
	(pc) =	sbr.rel @p0 .LBB2_4-.Ltmp1, $4  }
0x80: {  	[spmem:s3] =	stream.indirect.scatter.add.f32 [tilespmem:s24], [sflag:$0x5], $0x40, s8, s19, $0xb8;
	[tilespmem:$0x14800] =	vst v63  }
0x81: {  	_ =	swait.ge [sflag:s17], $0x2000  }
0x82: {  	[sflag:s17] =	ssyncset.done $0x0  }
0x83: {  	s7 =	sadd.s32 $0x380, s7;
	[sflag:s17] =	ssyncadd.s32 $0xFFFFE000  }
0x84: {  	[tilespmem:s24], [sflag:$0x4] =	stream.indirect.gather [hbm4b:s1+s19], $0x40, s7, s19, $0xb8;
	[tilespmem:$0x14800] =	vst v63  }
0x85: {  	_ =	swait.ge [sflag:s25], $0x2000  }
0x86: {  	[sflag:s25] =	ssyncset.done $0x0  }
0x87: {  	[sflag:s25] =	ssyncadd.s32 $0xFFFFE000  }
0x88: {  	[spmem:s3] =	stream.indirect.scatter.add.f32 [tilespmem:s16], [sflag:$0x5], $0x40, s30, s19, $0xb8;
	[tilespmem:$0x14800] =	vst v63  }
0x89: {  	_ =	swait.ge [sflag:s17], $0x2000  }
0x8a: {  	[sflag:s17] =	ssyncset.done $0x0  }
0x8b: {  	[sflag:s17] =	ssyncadd.s32 $0xFFFFE000  }
0x8c: {  	_ =	swait.ge [sflag:s26], $0x2000  }
0x8d: {  	[sflag:s26] =	ssyncset.done $0x0  }
0x8e: {  	[sflag:s26] =	ssyncadd.s32 $0xFFFFE000  }
0x8f: {  	[spmem:s3] =	stream.indirect.scatter.add.f32 [tilespmem:s20], [sflag:$0x5], $0x40, s31, s19, $0xb8;
	[tilespmem:$0x14800] =	vst v63  }
0x90: {  	_ =	swait.ge [sflag:s17], $0x2000  }
0x91: {  	[sflag:s17] =	ssyncset.done $0x0  }
0x92: {  	[sflag:s17] =	ssyncadd.s32 $0xFFFFE000  }
0x93: {  	_ =	swait.ge [sflag:s28], $0x2000  }
0x94: {  	[sflag:s28] =	ssyncset.done $0x0  }
0x95: {  	[sflag:s28] =	ssyncadd.s32 $0xFFFFE000  }
0x96: {  	[spmem:s3] =	stream.indirect.scatter.add.f32 [tilespmem:s22], [sflag:$0x5], $0x40, s2, s19, $0xb8;
	[tilespmem:$0x14800] =	vst v63  }
0x97: {  	_ =	swait.ge [sflag:s17], $0x2000  }
0x98: {  	[sflag:s17] =	ssyncset.done $0x0  }
0x99: {  	[sflag:s17] =	ssyncadd.s32 $0xFFFFE000  }
0x9a: {  	_ =	swait.ge [sflag:s29], $0x2000  }
0x9b: {  	[sflag:s29] =	ssyncset.done $0x0  }
0x9c: {  	[sflag:s29] =	ssyncadd.s32 $0xFFFFE000  }
0x9d: {  	[spmem:s3] =	stream.indirect.scatter.add.f32 [tilespmem:s24], [sflag:$0x5], $0x40, s0, s19, $0xb8;
	[tilespmem:$0x14800] =	vst v63  }
0x9e: {  	_ =	swait.ge [sflag:s17], $0x2000  }
0x9f: {  	[sflag:s17] =	ssyncset.done $0x0  }
0xa0: {  	s6 =	simm.s32 $0x0;
	[sflag:s17] =	ssyncadd.s32 $0xFFFFE000  }
0xa1: {  	[tilespmem:s6], [sflag:$0x5] =	stream.linear.gather [hbm4b:s12+s6], $0x1400, $0x38;
	[tilespmem:$0x14800] =	vst v63  }
0xa2: {  	_ =	swait.ge [sflag:s17], $0x1400  }
0xa3: {  	[sflag:s17] =	ssyncset.done $0x0  }
0xa4: {  	[sflag:s17] =	ssyncadd.s32 $0xFFFFEC00  }
0xa5: {  	[tilespmem:s18], [sflag:$0x5] =	stream.linear.gather [hbm4b:s13+s6], $0x1400, $0x38;
	[tilespmem:$0x14800] =	vst v63  }
0xa6: {  	_ =	swait.ge [sflag:s17], $0x1400  }
0xa7: {  	[sflag:s17] =	ssyncset.done $0x0  }
0xa8: {  	[sflag:s17] =	ssyncadd.s32 $0xFFFFEC00  }
0xa9: {  	[tilespmem:s16], [sflag:$0x1] =	stream.indirect.gather [hbm4b:s1+s19], $0x40, s6, s19, $0xb8;
	[tilespmem:$0x14800] =	vst v63  }
0xaa: {  	_ = 	snop  }
0xab: {  	[tilespmem:s20], [sflag:$0x2] =	stream.indirect.gather [hbm4b:s1+s19], $0x40, s19, s19, $0xb8;
	[tilespmem:$0x14800] =	vst v63  }
0xac: {  	_ = 	snop  }
0xad: {  	[tilespmem:s22], [sflag:$0x3] =	stream.indirect.gather [hbm4b:s1+s19], $0x40, s21, s19, $0xb8;
	[tilespmem:$0x14800] =	vst v63  }
0xae: {  	_ = 	snop  }
0xaf: {  	[tilespmem:s24], [sflag:$0x4] =	stream.indirect.gather [hbm4b:s1+s19], $0x40, s23, s19, $0xb8;
	[tilespmem:$0x14800] =	vst v63  }
0xb0: {  	_ =	swait.ge [sflag:s25], $0x2000  }
0xb1: {  	[sflag:s25] =	ssyncset.done $0x0  }
0xb2: {  	s8 =	simm.s32 $0x1400;
	[sflag:s25] =	ssyncadd.s32 $0xFFFFE000  }
0xb3: {  	[spmem:s3] =	stream.indirect.scatter.add.f32 [tilespmem:s16], [sflag:$0x5], $0x40, s8, s19, $0xb8;
	[tilespmem:$0x14800] =	vst v63  }
0xb4: {  	_ =	swait.ge [sflag:s17], $0x2000  }
0xb5: {  	[sflag:s17] =	ssyncset.done $0x0  }
0xb6: {  	s7 =	simm.s32 $0x200;
	[sflag:s17] =	ssyncadd.s32 $0xFFFFE000  }
0xb7: {  	[tilespmem:s16], [sflag:$0x1] =	stream.indirect.gather [hbm4b:s1+s19], $0x40, s7, s19, $0xb8;
	[tilespmem:$0x14800] =	vst v63  }
0xb8: {  	_ =	swait.ge [sflag:s26], $0x2000  }
0xb9: {  	[sflag:s26] =	ssyncset.done $0x0  }
0xba: {  	s8 =	simm.s32 $0x1480;
	[sflag:s26] =	ssyncadd.s32 $0xFFFFE000  }
0xbb: {  	[spmem:s3] =	stream.indirect.scatter.add.f32 [tilespmem:s20], [sflag:$0x5], $0x40, s8, s19, $0xb8;
	[tilespmem:$0x14800] =	vst v63  }
0xbc: {  	_ =	swait.ge [sflag:s17], $0x2000  }
0xbd: {  	[sflag:s17] =	ssyncset.done $0x0  }
0xbe: {  	s7 =	simm.s32 $0x280;
	[sflag:s17] =	ssyncadd.s32 $0xFFFFE000  }
0xbf: {  	[tilespmem:s20], [sflag:$0x2] =	stream.indirect.gather [hbm4b:s1+s19], $0x40, s7, s19, $0xb8;
	[tilespmem:$0x14800] =	vst v63  }
0xc0: {  	_ =	swait.ge [sflag:s28], $0x2000  }
0xc1: {  	[sflag:s28] =	ssyncset.done $0x0  }
0xc2: {  	s8 =	simm.s32 $0x1500;
	[sflag:s28] =	ssyncadd.s32 $0xFFFFE000  }
0xc3: {  	[spmem:s3] =	stream.indirect.scatter.add.f32 [tilespmem:s22], [sflag:$0x5], $0x40, s8, s19, $0xb8;
	[tilespmem:$0x14800] =	vst v63  }
0xc4: {  	_ =	swait.ge [sflag:s17], $0x2000  }
0xc5: {  	[sflag:s17] =	ssyncset.done $0x0  }
0xc6: {  	s7 =	simm.s32 $0x300;
	[sflag:s17] =	ssyncadd.s32 $0xFFFFE000  }
0xc7: {  	[tilespmem:s22], [sflag:$0x3] =	stream.indirect.gather [hbm4b:s1+s19], $0x40, s7, s19, $0xb8;
	[tilespmem:$0x14800] =	vst v63  }
0xc8: {  	_ =	swait.ge [sflag:s29], $0x2000  }
0xc9: {  	[sflag:s29] =	ssyncset.done $0x0  }
0xca: {  	s8 =	simm.s32 $0x1580;
	[sflag:s29] =	ssyncadd.s32 $0xFFFFE000  }
0xcb: {  	[spmem:s3] =	stream.indirect.scatter.add.f32 [tilespmem:s24], [sflag:$0x5], $0x40, s8, s19, $0xb8;
	[tilespmem:$0x14800] =	vst v63  }
0xcc: {  	_ =	swait.ge [sflag:s17], $0x2000  }
0xcd: {  	[sflag:s17] =	ssyncset.done $0x0  }
0xce: {  	s6 =	simm.s32 $0x800;
	s7 =	simm.s32 $0x380;
	[sflag:s17] =	ssyncadd.s32 $0xFFFFE000  }
.LBB2_6:
0xcf: {  	[tilespmem:s24], [sflag:$0x4] =	stream.indirect.gather [hbm4b:s1+s19], $0x40, s7, s19, $0xb8;
	[tilespmem:$0x14800] =	vst v63  }
0xd0: {  	s7 =	smov.u32 s6  }
0xd1: {  	p0 =	sne.s32 s6, $0x4000;
	s6 =	sadd.s32 $0x800, s6;
	_ =	swait.ge [sflag:s25], $0x2000  }
0xd2: {  	s7 =	sshra.s32 s7, $0x2;
	[sflag:s25] =	ssyncset.done $0x0  }
0xd3: {  	s8 =	sadd.s32 $0x1400, s7;
	[sflag:s25] =	ssyncadd.s32 $0xFFFFE000  }
0xd4: {  	[spmem:s3] =	stream.indirect.scatter.add.f32 [tilespmem:s16], [sflag:$0x5], $0x40, s8, s19, $0xb8;
	[tilespmem:$0x14800] =	vst v63  }
0xd5: {  	_ =	swait.ge [sflag:s17], $0x2000  }
0xd6: {  	[sflag:s17] =	ssyncset.done $0x0  }
0xd7: {  	s8 =	sadd.s32 $0x200, s7;
	[sflag:s17] =	ssyncadd.s32 $0xFFFFE000  }
0xd8: {  	[tilespmem:s16], [sflag:$0x1] =	stream.indirect.gather [hbm4b:s1+s19], $0x40, s8, s19, $0xb8;
	[tilespmem:$0x14800] =	vst v63  }
0xd9: {  	_ =	swait.ge [sflag:s26], $0x2000  }
0xda: {  	[sflag:s26] =	ssyncset.done $0x0  }
0xdb: {  	s8 =	sadd.s32 $0x1480, s7;
	[sflag:s26] =	ssyncadd.s32 $0xFFFFE000  }
0xdc: {  	[spmem:s3] =	stream.indirect.scatter.add.f32 [tilespmem:s20], [sflag:$0x5], $0x40, s8, s19, $0xb8;
	[tilespmem:$0x14800] =	vst v63  }
0xdd: {  	_ =	swait.ge [sflag:s17], $0x2000  }
0xde: {  	[sflag:s17] =	ssyncset.done $0x0  }
0xdf: {  	s8 =	sadd.s32 $0x280, s7;
	[sflag:s17] =	ssyncadd.s32 $0xFFFFE000  }
0xe0: {  	[tilespmem:s20], [sflag:$0x2] =	stream.indirect.gather [hbm4b:s1+s19], $0x40, s8, s19, $0xb8;
	[tilespmem:$0x14800] =	vst v63  }
0xe1: {  	_ =	swait.ge [sflag:s28], $0x2000  }
0xe2: {  	[sflag:s28] =	ssyncset.done $0x0  }
0xe3: {  	s8 =	sadd.s32 $0x1500, s7;
	[sflag:s28] =	ssyncadd.s32 $0xFFFFE000  }
0xe4: {  	[spmem:s3] =	stream.indirect.scatter.add.f32 [tilespmem:s22], [sflag:$0x5], $0x40, s8, s19, $0xb8;
	[tilespmem:$0x14800] =	vst v63  }
0xe5: {  	_ =	swait.ge [sflag:s17], $0x2000  }
0xe6: {  	[sflag:s17] =	ssyncset.done $0x0  }
0xe7: {  	s8 =	sadd.s32 $0x300, s7;
	[sflag:s17] =	ssyncadd.s32 $0xFFFFE000  }
0xe8: {  	[tilespmem:s22], [sflag:$0x3] =	stream.indirect.gather [hbm4b:s1+s19], $0x40, s8, s19, $0xb8;
	[tilespmem:$0x14800] =	vst v63  }
0xe9: {  	_ =	swait.ge [sflag:s29], $0x2000  }
0xea: {  	[sflag:s29] =	ssyncset.done $0x0  }
.Ltmp2:
0xeb: {  	s8 =	sadd.s32 $0x1580, s7;
	[sflag:s29] =	ssyncadd.s32 $0xFFFFE000;
	(pc) =	sbr.rel @p0 .LBB2_6-.Ltmp2, $4  }
0xec: {  	[spmem:s3] =	stream.indirect.scatter.add.f32 [tilespmem:s24], [sflag:$0x5], $0x40, s8, s19, $0xb8;
	[tilespmem:$0x14800] =	vst v63  }
0xed: {  	_ =	swait.ge [sflag:s17], $0x2000  }
0xee: {  	[sflag:s17] =	ssyncset.done $0x0  }
0xef: {  	s7 =	sadd.s32 $0x380, s7;
	[sflag:s17] =	ssyncadd.s32 $0xFFFFE000  }
0xf0: {  	[tilespmem:s24], [sflag:$0x4] =	stream.indirect.gather [hbm4b:s1+s19], $0x40, s7, s19, $0xb8;
	[tilespmem:$0x14800] =	vst v63  }
0xf1: {  	_ =	swait.ge [sflag:s25], $0x2000  }
0xf2: {  	[sflag:s25] =	ssyncset.done $0x0  }
0xf3: {  	[sflag:s25] =	ssyncadd.s32 $0xFFFFE000  }
0xf4: {  	[spmem:s3] =	stream.indirect.scatter.add.f32 [tilespmem:s16], [sflag:$0x5], $0x40, s30, s19, $0xb8;
	[tilespmem:$0x14800] =	vst v63  }
0xf5: {  	_ =	swait.ge [sflag:s17], $0x2000  }
0xf6: {  	[sflag:s17] =	ssyncset.done $0x0  }
0xf7: {  	[sflag:s17] =	ssyncadd.s32 $0xFFFFE000  }
0xf8: {  	_ =	swait.ge [sflag:s26], $0x2000  }
0xf9: {  	[sflag:s26] =	ssyncset.done $0x0  }
0xfa: {  	[sflag:s26] =	ssyncadd.s32 $0xFFFFE000  }
0xfb: {  	[spmem:s3] =	stream.indirect.scatter.add.f32 [tilespmem:s20], [sflag:$0x5], $0x40, s31, s19, $0xb8;
	[tilespmem:$0x14800] =	vst v63  }
0xfc: {  	_ =	swait.ge [sflag:s17], $0x2000  }
0xfd: {  	[sflag:s17] =	ssyncset.done $0x0  }
0xfe: {  	[sflag:s17] =	ssyncadd.s32 $0xFFFFE000  }
0xff: {  	_ =	swait.ge [sflag:s28], $0x2000  }
0x100: {  	[sflag:s28] =	ssyncset.done $0x0  }
0x101: {  	[sflag:s28] =	ssyncadd.s32 $0xFFFFE000  }
0x102: {  	[spmem:s3] =	stream.indirect.scatter.add.f32 [tilespmem:s22], [sflag:$0x5], $0x40, s2, s19, $0xb8;
	[tilespmem:$0x14800] =	vst v63  }
0x103: {  	_ =	swait.ge [sflag:s17], $0x2000  }
0x104: {  	[sflag:s17] =	ssyncset.done $0x0  }
0x105: {  	[sflag:s17] =	ssyncadd.s32 $0xFFFFE000  }
0x106: {  	_ =	swait.ge [sflag:s29], $0x2000  }
0x107: {  	[sflag:s29] =	ssyncset.done $0x0  }
0x108: {  	[sflag:s29] =	ssyncadd.s32 $0xFFFFE000  }
0x109: {  	[spmem:s3] =	stream.indirect.scatter.add.f32 [tilespmem:s24], [sflag:$0x5], $0x40, s0, s19, $0xb8;
	[tilespmem:$0x14800] =	vst v63  }
0x10a: {  	s6 =	stileid.u32;
	_ =	swait.ge [sflag:s17], $0x2000  }
0x10b: {  	s8 =	sshrl.u32 s5, $0x3;
	s4 =	sadd.s32 $0x1, s4;
	[sflag:s17] =	ssyncset.done $0x0  }
0x10c: {  	s6 =	sshll.u32 s6, $0x6;
	p0 =	sne.s32 s4, s15;
	[sflag:s17] =	ssyncadd.s32 $0xFFFFE000  }
.Ltmp3:
0x10d: {  	s6 =	sor.u32 $0x1C05, s6;
	[bflag:$0x0] =	sbarrier.arrive $0xFFFF;
	(pc) =	sbr.rel @p0 .LBB2_1-.Ltmp3, $4  }
0x10e: {  	[hbm:s14], [sflag:s6] =	dma.local [spmem:s8], $0x1400  }
0x10f: {  	_ =	swait.ge [sflag:s17], $0x1400  }
0x110: {  	[sflag:s17] =	ssyncset.done $0x0  }
0x111: {  	[sflag:s17] =	ssyncadd.s32 $0xFFFFEC00  }
0x112: {  	_ =	sfence.sel $0x180000  }
0x113: {  	[bflag:$0x0] =	sbarrier.arrive $0xFFFF  }
0x114: {  	_ =	strace $0x9000004D  }
0x115: {  	s0 =	stileid.u32;
	[bflag:$0x2] =	sbarrier.arrive $0xFFFF  }
0x116: {  	p0 =	sne.s32 s0, $0x0;
	s0 =	rddreg [dreg:$0x3]  }
0x117: {  	s0 =	sadd.s32 @!p0 $0x100000, s0  }
0x118: {  	[sflag:s0] =	ssyncadd.tile.s32 @!p0 $0x1;
	_ =	shalt  }
.Lfunc_end2:
_tile_overlayer_lowered:
.L_overlay_start_2:
0x119: {  	(tag) =	ssettag $0x2  }
0x11a: {  	s0 =	rddreg [dreg:$0x0];
	s2 =	stileid.u32  }
0x11b: {  	s1 =	rddreg [dreg:$0x1];
	p0 =	sne.s32 s2, $0x0  }
0x11c: {  	s3 =	rddreg [dreg:$0x2];
	[bflag:$0x3] =	sbarrier.arrive $0xFFFF;
	s2 =	simm.s32 @!p0 $0x1C05  }
0x11d: {  	[timem:s3], [sflag:s2] =	dma.local @!p0 [hbm:s0], s1  }
0x11e: {  	s0 =	simm.s32 @!p0 $0x5  }
0x11f: {  	_ =	swait.ge @!p0 [sflag:s0], s1  }
0x120: {  	s1 =	ssub.s32 @!p0 $0x0, s1;
	[sflag:s0] =	ssyncset.done @!p0 $0x0  }
0x121: {  	[sflag:s0] =	ssyncadd.s32 @!p0 s1  }
0x122: {  	[bflag:$0x3] =	sbarrier.arrive $0xFFFF  }
0x123: {  	_ =	shalt  }

// kernel: kernel.9.cloned.1.call-start
scs
__scs_entry_jumppad:
0x0: {  	(pc) =	sbr.rel $0x88, $3  }
0x1: {  	(tag) =	ssettag $0x0;
	lr =	simm.s32 $0x1  }
0x2: {  	[smem:$0x3F9A] =	sst lr;
	_ =	strace $0xD0000000  }
0x3: {  	_ = 	snop  }
0x4: {  	_ = 	snop  }
0x5: {  	_ = 	snop  }
0x6: {  	_ = 	snop  }
0x7: {  	_ = 	snop  }
__scs_overlays_trampoline_lowered:
0x8: {  	[smem:$0x3FA9] =	sst s0  }
0x9: {  	[smem:$0x3FAA] =	sst s1  }
0xa: {  	[smem:$0x3FAB] =	sst s2  }
0xb: {  	[smem:$0x3FAC] =	sst s3  }
0xc: {  	[smem:$0x3FAD] =	sst s4  }
0xd: {  	[smem:$0x3FAE] =	sst s5  }
0xe: {  	[smem:$0x3FAF] =	sst s6  }
0xf: {  	[smem:$0x3FB0] =	sst s7  }
0x10: {  	[smem:$0x3FB1] =	sst s8  }
0x11: {  	[smem:$0x3FB2] =	sst s9;
	s0 =	simm.s32 @!p0 $0x0  }
0x12: {  	s1 =	sld [smem:$0x3F98];
	s0 =	simm.s32 @p0 $0x1  }
0x13: {  	[smem:$0x3FB3] =	sst s0;
	s0 =	simm.s32 @!p1 $0x0  }
0x14: {  	s2 =	sld [smem:$0x3F97];
	s0 =	simm.s32 @p1 $0x1  }
0x15: {  	[smem:$0x3FB4] =	sst s0;
	s0 =	simm.s32 @!p2 $0x0  }
0x16: {  	s3 =	sld [smem:$0x3FDB];
	s0 =	simm.s32 @p2 $0x1  }
0x17: {  	s4 =	simm.s32 $0x1BF5;
	[smem:$0x3FB6] =	sst s0  }
0x18: {  	s0 =	sld [smem:$0x3F99];
	_ =	swait.ge [sflag:s4], $0x0  }
0x19: {  	s7 =	sld [smem:$0x3F9A]  }
0x1a: {  	s8 =	sadd.s32 $0xFFFFE003, lr  }
0x1b: {  	s9 =	sadd.s32 $0xFFFFFEF7, lr;
	s5 =	simm.s32 $0xFFFFFFFF;
	p2 =	slt.u32 s8, $0xFFFFF086  }
0x1c: {  	p1 =	slt.u32 s9, $0xF7A;
	s5 =	simm.s32 @!p2 $0x0  }
0x1d: {  	s5 =	simm.s32 @p1 $0x1;
	p0 =	seq.s32 s7, s2  }
0x1e: {  	s7 =	smul.u32 @!p0 $0xF7A, s2;
	p2 =	seq.s32 @!p0 s5, $0x0  }
0x1f: {  	s9 =	smul.u32 $0xF7A, s1;
	s8 =	simm.s32 @!p0 $0x1BF5;
	p2 =	por !p2, p0  }
0x20: {  	[sflag:s8] =	ssyncset.s32 @!p0 $0xFFFFF086;
	s6 =	sadd.s32 @!p0 s3, s7;
	s7 =	simm.s32 @!p0 $0x108  }
0x21: {  	s3 =	sadd.s32 s3, s9;
	s6 =	sadd.s32 @!p0 $0x88, s6;
	s7 =	simm.s32 @p2 $0x1082  }
0x22: {  	[simem:s7], [sflag:s8] =	dma.local @!p0 [hbm:s6], $0xF7A  }
0x23: {  	s9 =	sor.u32 $0xD0000000, s2;
	s6 =	simm.s32 $0x108;
	_ =	swait.ge @!p0 [sflag:s8], $0x0  }
0x24: {  	s3 =	sadd.s32 $0x88, s3;
	s6 =	simm.s32 @!p1 $0x1082;
	[sflag:s4] =	ssyncset.s32 $0xFFFFF086  }
0x25: {  	[simem:s6], [sflag:s4] =	dma.local [hbm:s3], $0xF7A  }
0x26: {  	[smem:$0x3F9A] =	sst s1;
	(tag) =	ssettag s2;
	_ =	strace s9  }
0x27: {  	s1 =	sld [smem:$0x3FAA]  }
0x28: {  	s2 =	sld [smem:$0x3FAB]  }
0x29: {  	s4 =	sld [smem:$0x3FAD]  }
0x2a: {  	p0 =	seq.s32 s5, $0x0;
	s5 =	sld [smem:$0x3FAE]  }
0x2b: {  	s6 =	sld [smem:$0x3FAF]  }
0x2c: {  	s7 =	sld [smem:$0x3FB0]  }
0x2d: {  	s3 =	simm.s32 $0x108;
	s8 =	sld [smem:$0x3FB1]  }
0x2e: {  	s3 =	simm.s32 @!p0 $0x1082;
	s9 =	sld [smem:$0x3FB2]  }
0x2f: {  	lr =	sadd.s32 s0, s3;
	s0 =	sld [smem:$0x3FA9]  }
0x30: {  	s3 =	sld [smem:$0x3FAC]  }
0x31: {  	[smem:$0x3FB5] =	sst s10  }
0x32: {  	s10 =	sld [smem:$0x3FB3];
	_ =	sdelay $0x3  }
0x33: {  	p0 =	seq.s32 s10, $0x1;
	s10 =	sld [smem:$0x3FB5];
	_ =	sdelay $0x3  }
0x34: {  	[smem:$0x3FB5] =	sst s10  }
0x35: {  	s10 =	sld [smem:$0x3FB4];
	_ =	sdelay $0x3  }
0x36: {  	p1 =	seq.s32 s10, $0x1;
	s10 =	sld [smem:$0x3FB5];
	_ =	sdelay $0x3  }
0x37: {  	[smem:$0x3FB5] =	sst s10  }
0x38: {  	s10 =	sld [smem:$0x3FB6]  }
0x39: {  	_ = 	snop;
	(pc) =	sbr.ind lr, $3  }
0x3a: {  	_ = 	snop  }
0x3b: {  	_ = 	snop  }
0x3c: {  	p2 =	seq.s32 s10, $0x1;
	s10 =	sld [smem:$0x3FB5]  }
0x3d: {  	_ =	shalt  }
0x3e: {  	_ =	shalt  }
0x3f: {  	_ =	shalt  }
0x40: {  	_ =	shalt  }
0x41: {  	_ =	shalt  }
0x42: {  	_ =	shalt  }
0x43: {  	_ =	shalt  }
0x44: {  	_ =	shalt  }
0x45: {  	_ =	shalt  }
0x46: {  	_ =	shalt  }
0x47: {  	_ =	shalt  }
0x48: {  	_ =	shalt  }
0x49: {  	_ =	shalt  }
0x4a: {  	_ =	shalt  }
0x4b: {  	_ =	shalt  }
0x4c: {  	_ =	shalt  }
0x4d: {  	_ =	shalt  }
0x4e: {  	_ =	shalt  }
0x4f: {  	_ =	shalt  }
0x50: {  	_ =	shalt  }
0x51: {  	_ =	shalt  }
0x52: {  	_ =	shalt  }
0x53: {  	_ =	shalt  }
0x54: {  	_ =	shalt  }
0x55: {  	_ =	shalt  }
0x56: {  	_ =	shalt  }
0x57: {  	_ =	shalt  }
0x58: {  	_ =	shalt  }
0x59: {  	_ =	shalt  }
0x5a: {  	_ =	shalt  }
0x5b: {  	_ =	shalt  }
0x5c: {  	_ =	shalt  }
0x5d: {  	_ =	shalt  }
0x5e: {  	_ =	shalt  }
0x5f: {  	_ =	shalt  }
0x60: {  	_ =	shalt  }
0x61: {  	_ =	shalt  }
0x62: {  	_ =	shalt  }
0x63: {  	_ =	shalt  }
0x64: {  	_ =	shalt  }
0x65: {  	_ =	shalt  }
0x66: {  	_ =	shalt  }
0x67: {  	_ =	shalt  }
0x68: {  	_ =	shalt  }
0x69: {  	_ =	shalt  }
0x6a: {  	_ =	shalt  }
0x6b: {  	_ =	shalt  }
0x6c: {  	_ =	shalt  }
0x6d: {  	_ =	shalt  }
0x6e: {  	_ =	shalt  }
0x6f: {  	_ =	shalt  }
0x70: {  	_ =	shalt  }
0x71: {  	_ =	shalt  }
0x72: {  	_ =	shalt  }
0x73: {  	_ =	shalt  }
0x74: {  	_ =	shalt  }
0x75: {  	_ =	shalt  }
0x76: {  	_ =	shalt  }
0x77: {  	_ =	shalt  }
0x78: {  	_ =	shalt  }
0x79: {  	_ =	shalt  }
0x7a: {  	_ =	shalt  }
0x7b: {  	_ =	shalt  }
0x7c: {  	_ =	shalt  }
0x7d: {  	_ =	shalt  }
0x7e: {  	_ =	shalt  }
0x7f: {  	_ =	shalt  }
0x80: {  	_ =	shalt  }
0x81: {  	_ =	shalt  }
0x82: {  	_ =	shalt  }
0x83: {  	_ =	shalt  }
0x84: {  	_ =	shalt  }
0x85: {  	_ =	shalt  }
0x86: {  	_ =	shalt  }
0x87: {  	_ =	shalt  }
.Lfunc_end0:
.L_simem_size_0:
called_computation_lowered:
.L_overlay_start_0:
0x88: {  	s2 =	sld [smem:$0x3FD9]  }
0x89: {  	s3 =	sld [smem:$0x3FFE];
	_ =	sdelay $0x1  }
0x8a: {  	s1 =	srdreg.scid  }
0x8b: {  	s0 =	sand.u32 $0x1, s1  }
0x8c: {  	s17 =	sshll.u32 s0, $0xA;
	s2 =	sadd.s32 s3, s2  }
0x8d: {  	s2 =	sadd.s32 s2, s17  }
0x8e: {  	[smem:$0x3FC1] =	sst s2  }
0x8f: {  	_ = 	snop  }
0x90: {  	s2 =	sld [smem:$0x3FD0];
	(tm) =	ssettm $0x1  }
0x91: {  	s18 =	sld [smem:$0x3FFB];
	_ =	sdelay $0x3  }
0x92: {  	_ =	strace s18  }
0x93: {  	s3 =	sld [smem:$0x3FFC];
	_ =	sdelay $0x3  }
0x94: {  	_ =	strace s3  }
0x95: {  	s3 =	sld [smem:$0x3FFD];
	_ =	sdelay $0x3  }
0x96: {  	_ =	strace s3  }
0x97: {  	_ =	strace $0x8FFFFFFF  }
0x98: {  	s19 =	sld [smem:$0x3FDB];
	_ =	sdelay $0x1  }
0x99: {  	s4 =	simm.s32 $_scs_section_size  }
0x9a: {  	s5 =	simm.s32 $_size__tile_overlayer_lowered;
	s6 =	simm.s32 $_tile_overlayer_lowered  }
0x9b: {  	s22 =	simm.s32 $0x1BFF;
	s21 =	sshll.u32 s6, $0x1;
	s3 =	sadd.s32 s4, s19  }
0x9c: {  	s7 =	simm.s32 $0x0;
	s20 =	sshll.u32 s5, $0x1;
	s5 =	sadd.s32 s21, s3  }
0x9d: {  	[timem:s7], [sflag:s22] =	dma.local [hbm:s5], s20  }
0x9e: {  	_ =	swait.ge [sflag:s22], s20  }
0x9f: {  	s4 =	ssub.s32 $0x0, s20;
	[sflag:s22] =	ssyncset.done $0x0  }
0xa0: {  	[sflag:s22] =	ssyncadd.s32 s4;
	_ =	sdelay $0x1  }
0xa1: {  	s23 =	simm.s32 $0x1B8B  }
0xa2: {  	_ =	swait.ge [sflag:s23], $0x1  }
0xa3: {  	[sflag:s23] =	ssyncset.done $0x0  }
0xa4: {  	s25 =	simm.s32 $0x1B8E;
	s24 =	sld [smem:$0x3FFE];
	[sflag:s23] =	ssyncadd.s32 $0xFFFFFFFF  }
0xa5: {  	s26 =	simm.s32 $execute0_lowered;
	[smem:$0x3FD2] =	sst s25  }
0xa6: {  	s5 =	sshll.u32 s26, $0x1;
	_ =	strace $0x80000046;
	[dreg:$0x1] =	wrdreg $0xFFFFFFFF  }
0xa7: {  	s28 =	simm.s32 $_size_execute0_lowered;
	s3 =	sadd.s32 s3, s5;
	[dreg:$0x0] =	wrdreg $0x0  }
0xa8: {  	s5 =	sshll.u32 s28, $0x1;
	[dreg:$0x2] =	wrdreg s3  }
0xa9: {  	[dreg:$0x3] =	wrdreg s5  }
0xaa: {  	[dreg:$0x4] =	wrdreg $0xC0  }
0xab: {  	_ =	task [dreg:s7], $0x5FFFF  }
0xac: {  	[dreg:$0x1] =	wrdreg $0xFFFFFFFF  }
0xad: {  	[dreg:$0x0] =	wrdreg $0x60  }
0xae: {  	[dreg:$0x2] =	wrdreg s24  }
0xaf: {  	[dreg:$0x3] =	wrdreg s2  }
0xb0: {  	[dreg:$0x4] =	wrdreg $0x9  }
0xb1: {  	_ =	task.clear_ibuf [dreg:s7], $0x5FFFF;
	_ =	strace $0x90000046  }
0xb2: {  	s29 =	simm.s32 $0x9;
	_ =	strace $0x80000048  }
0xb3: {  	_ =	swait.ge [sflag:s29], $0x1  }
0xb4: {  	[sflag:s29] =	ssyncadd.s32 $0xFFFFFFFF  }
0xb5: {  	_ =	strace $0x90000048  }
0xb6: {  	_ =	sfence  }
0xb7: {  	s30 =	sld [smem:$0x0];
	_ =	sdelay $0x2  }
0xb8: {  	s31 =	sshll.u32 s1, $0xD;
	s1 =	sshrl.u32 s1, $0x2  }
0xb9: {  	s3 =	sand.u32 $0x4000, s31;
	s1 =	sadd.s32 s1, s30  }
0xba: {  	s0 =	sor.u32 s3, s0;
	s1 =	sshll.u32 s1, $0x11  }
0xbb: {  	s0 =	sor.u32 s1, s0  }
0xbc: {  	s0 =	sadd.s32 $0x8F2B, s0  }
0xbd: {  	[sflag:s0] =	ssyncadd.remote.s32 $0x1  }
0xbe: {  	_ =	sfence.sel $0xFFFF  }
0xbf: {  	[dreg:$0x0] =	wrdreg $0xFFFFFFFF;
	(pc) =	sbr.abs _section_cstart, $3  }
0xc0: {  	[dreg:$0x1] =	wrdreg $0xFFFFFFFF  }
0xc1: {  	_ =	task.clear_ibuf [dreg:s7], $0x2FFFF;
	_ =	strace $0x9FFFFFFF  }
0xc2: {  	(tm) =	ssettm $0x7FFFFFFF  }
0xc3: {  	_ =	shalt  }
tec
execute0_lowered:
.L_overlay_start_1:
0x0: {  	(tag) =	ssettag $0x1  }
0x1: {  	s3 =	rddreg [dreg:$0x0]  }
0x2: {  	s1 =	srdreg.scid;
	s0 =	stileid.u32  }
0x3: {  	s4 =	rddreg [dreg:$0x1];
	s9 =	simm.s32 $0x400;
	s10 =	simm.s32 $0x0  }
0x4: {  	s5 =	sand.u32 $0x1, s1;
	s2 =	sshll.u32 s0, $0x1;
	s1 =	rddreg [dreg:$0x2]  }
0x5: {  	s7 =	sshrl.u32 s0, $0x2;
	s6 =	sor.u32 s5, s2;
	s2 =	simm.s32 $0x0  }
0x6: {  	s7 =	smul.u32 $0x14000, s7;
	s5 =	ssub.s32 $0x2, s5;
	s8 =	sshll.u32 s6, $0x7  }
0x7: {  	[smem:$0x7FF] =	sst s2;
	s6 =	smul.u32 $0x500, s6;
	s31 =	sshrl.u32 s5, $0x1  }
0x8: {  	s8 =	sand.u32 $0x380, s8;
	_ =	strace $0x80000047;
	s5 =	ssub.s32 s5, s31  }
0x9: {  	s7 =	sor.u32 s7, s8;
	s3 =	sadd.s32 s6, s3;
	s5 =	smax.u32 s5, $0x1  }
0xa: {  	s6 =	simm.s32 $0x1;
	s8 =	simm.s32 $0x80;
	s7 =	sshrl.u32 s7, $0x3  }
0xb: {  	v0 =	vimm.f32 $0.0e+00;
	v1 =	vimm.f32 $1.000000000e+00;
	s3 =	sadd.s32 $0x2200, s3;
	s4 =	sadd.s32 s4, s7;
	s7 =	simm.s32 $0x2800  }
.LBB2_1:
0xc: {  	[tilespmem:s2], [sflag:$0x1] =	stream.linear.gather [hbm4b:s3+s2], $0x2800, $0x38;
	[tilespmem:$0x5000] =	vst v63  }
0xd: {  	_ =	swait.ge [sflag:s6], $0x2800  }
0xe: {  	[sflag:s6] =	ssyncset.done $0x0  }
0xf: {  	s11 =	simm.s32 $0x0;
	[sflag:s6] =	ssyncadd.s32 $0xFFFFD800  }
.LBB2_2:
0x10: {  	p0 =	sne.s32 s11, $0x9FC0  }
.Ltmp0:
0x11: {  	_ = 	snop;
	(pc) =	sbr.rel @p0 .LBB2_2-.Ltmp0, $3  }
0x12: {  	_ =	sdelay $0x1  }
0x13: {  	s12 =	sshra.s32 s11, $0x2  }
0x14: {  	s11 =	sadd.s32 $0x40, s11;
	[tilespmem:s12+$0x2800] =	vst v0  }
0x15: {  	s11 =	simm.s32 $0x0  }
.LBB2_4:
0x16: {  	s12 =	sshra.s32 s11, $0x2  }
0x17: {  	v2 =	vld [tilespmem:s12+$0x0];
	_ =	sdelay $0x7  }
0x18: {  	[tilespmem:v2+s7+$0x0] =	vst.idx.add.f32.msk $0xffff, v1  }
0x19: {  	v2 =	vld [tilespmem:s12+$0x10];
	_ =	sdelay $0x7  }
0x1a: {  	[tilespmem:v2+s7+$0x0] =	vst.idx.add.f32.msk $0xffff, v1  }
0x1b: {  	v2 =	vld [tilespmem:s12+$0x20];
	_ =	sdelay $0x7  }
0x1c: {  	[tilespmem:v2+s7+$0x0] =	vst.idx.add.f32.msk $0xffff, v1  }
0x1d: {  	v2 =	vld [tilespmem:s12+$0x30];
	_ =	sdelay $0x7  }
0x1e: {  	[tilespmem:v2+s7+$0x0] =	vst.idx.add.f32.msk $0xffff, v1  }
0x1f: {  	v2 =	vld [tilespmem:s12+$0x40];
	_ =	sdelay $0x7  }
0x20: {  	[tilespmem:v2+s7+$0x0] =	vst.idx.add.f32.msk $0xffff, v1  }
0x21: {  	v2 =	vld [tilespmem:s12+$0x50];
	_ =	sdelay $0x7  }
0x22: {  	[tilespmem:v2+s7+$0x0] =	vst.idx.add.f32.msk $0xffff, v1  }
0x23: {  	v2 =	vld [tilespmem:s12+$0x60];
	_ =	sdelay $0x7  }
0x24: {  	[tilespmem:v2+s7+$0x0] =	vst.idx.add.f32.msk $0xffff, v1  }
0x25: {  	v2 =	vld [tilespmem:s12+$0x70];
	_ =	sdelay $0x2  }
0x26: {  	p0 =	sne.s32 s11, $0x9E00  }
.Ltmp1:
0x27: {  	_ = 	snop;
	(pc) =	sbr.rel @p0 .LBB2_4-.Ltmp1, $2  }
0x28: {  	_ =	sdelay $0x2  }
0x29: {  	s11 =	sadd.s32 $0x200, s11;
	[tilespmem:v2+s7+$0x0] =	vst.idx.add.f32.msk $0xffff, v1  }
0x2a: {  	s10 =	sadd.s32 $0x1, s10  }
0x2b: {  	p0 =	sne.s32 s10, s5  }
.Ltmp2:
0x2c: {  	_ = 	snop;
	(pc) =	sbr.rel @p0 .LBB2_1-.Ltmp2, $4  }
0x2d: {  	[hbm4b:s4+s8] =	stream.strided.scatter [tilespmem:s7], [sflag:$0x1], $0x2800, s9, s8, $0x38;
	[tilespmem:$0x5000] =	vst v63  }
0x2e: {  	_ =	swait.ge [sflag:s6], $0x2800  }
0x2f: {  	[sflag:s6] =	ssyncset.done $0x0  }
0x30: {  	[sflag:s6] =	ssyncadd.s32 $0xFFFFD800  }
0x31: {  	_ =	sfence.sel $0x180000  }
0x32: {  	[bflag:$0x0] =	sbarrier.arrive $0xFFFF  }
0x33: {  	p0 =	sne.s32 s0, $0x0;
	_ =	strace $0x90000047  }
0x34: {  	s0 =	sadd.s32 @!p0 $0x100000, s1;
	[bflag:$0x2] =	sbarrier.arrive $0xFFFF  }
0x35: {  	[sflag:s0] =	ssyncadd.tile.s32 @!p0 $0x1;
	_ =	shalt  }
.Lfunc_end2:
_tile_overlayer_lowered:
.L_overlay_start_2:
0x36: {  	(tag) =	ssettag $0x2  }
0x37: {  	s0 =	rddreg [dreg:$0x0];
	s2 =	stileid.u32  }
0x38: {  	s1 =	rddreg [dreg:$0x1];
	p0 =	sne.s32 s2, $0x0  }
0x39: {  	s3 =	rddreg [dreg:$0x2];
	[bflag:$0x3] =	sbarrier.arrive $0xFFFF;
	s2 =	simm.s32 @!p0 $0x1C01  }
0x3a: {  	[timem:s3], [sflag:s2] =	dma.local @!p0 [hbm:s0], s1  }
0x3b: {  	s0 =	simm.s32 @!p0 $0x1  }
0x3c: {  	_ =	swait.ge @!p0 [sflag:s0], s1  }
0x3d: {  	s1 =	ssub.s32 @!p0 $0x0, s1;
	[sflag:s0] =	ssyncset.done @!p0 $0x0  }
0x3e: {  	[sflag:s0] =	ssyncadd.s32 @!p0 s1  }
0x3f: {  	[bflag:$0x3] =	sbarrier.arrive $0xFFFF  }
0x40: {  	_ =	shalt  }

</sc_bundles>
